<compile_context>
chip_gen: v7x
topology: tpu7x:2x2x1
jax: 0.10.2.dev20260603
libtpu: 0.0.44.dev20260713+nightly
codegen_flags: <defaults>
</compile_context>

<pallas_src>
import functools

import jax
import jax.numpy as jnp
from jax import lax
from jax.experimental import pallas as pl
from jax.experimental.pallas import tpu as pltpu
from jax.experimental.pallas import tpu_sc as plsc

N = 10000
E = 320000
H = 128
G = 128
C = 10

NC = 2
NS = 16
NW = NC * NS
CH = 128
KCH = 80
PTE = KCH * CH
EPAD = NW * PTE
TOT = EPAD // CH
K0 = 140
K1 = 20
NPAD = 10240
RPS = NPAD // NS

@functools.cache
def _sc_kernels():
    mesh = plsc.VectorSubcoreMesh(core_axis_name="c", subcore_axis_name="s",
                                  num_cores=NC, num_subcores=NS)

    @functools.partial(
        pl.kernel,
        out_type=jax.ShapeDtypeStruct((NC, NPAD), jnp.float32),
        mesh=mesh,
        scratch_types=[
            pltpu.VMEM_SHARED((NPAD,), jnp.float32),
            pltpu.VMEM((KCH, CH), jnp.int32),
            pltpu.VMEM((CH,), jnp.float32),
        ],
    )
    def sc_degree(dst3_hbm, zeros1_hbm, out_hbm, deg_sh, idst_v, ones_v):
        c = lax.axis_index("c")
        s = lax.axis_index("s")
        w = s * NC + c
        pltpu.sync_copy(zeros1_hbm.at[pl.ds(s * RPS, RPS)],
                        deg_sh.at[pl.ds(s * RPS, RPS)])
        for i in range(CH // 16):
            ones_v[pl.ds(i * 16, 16)] = jnp.full((16,), 1.0, jnp.float32)
        plsc.subcore_barrier()
        pltpu.sync_copy(dst3_hbm.at[w], idst_v)

        def body(j, carry):
            pltpu.sync_copy(ones_v, deg_sh.at[idst_v.at[j]], add=True)
            return carry

        lax.fori_loop(0, KCH, body, 0)
        plsc.subcore_barrier()
        pltpu.sync_copy(deg_sh.at[pl.ds(s * RPS, RPS)],
                        out_hbm.at[c, pl.ds(s * RPS, RPS)])

    IB = 4
    RB = 2

    @functools.partial(
        pl.kernel,
        out_type=jax.ShapeDtypeStruct((NC, NPAD, H), jnp.float32),
        mesh=mesh,
        scratch_types=[
            pltpu.VMEM_SHARED((NPAD, H), jnp.float32),
            [pltpu.VMEM((2, CH), jnp.int32) for _ in range(IB)],
            [pltpu.VMEM((CH, H), jnp.float32) for _ in range(RB)],
            [pltpu.SemaphoreType.DMA for _ in range(IB)],
            [pltpu.SemaphoreType.DMA for _ in range(RB)],
            [pltpu.SemaphoreType.DMA for _ in range(RB)],
        ],
    )
    def sc_aggregate(sd_hbm, h_hbm, out_hbm,
                     agg_sh, ibuf, rows, isem, gsem, ssem):
        c = lax.axis_index("c")
        s = lax.axis_index("s")
        kw = jnp.where(c == 0, K0, K1)
        start = jnp.where(c == 0, s * K0, 16 * K0 + s * K1)

        def zbody(k, carry):
            i = lax.shift_right_logical(k, 3)
            l = lax.bitwise_and(k, 7)
            rows[0][i, pl.ds(l * 16, 16)] = jnp.zeros((16,), jnp.float32)
            return carry

        lax.fori_loop(0, CH * 8, zbody, 0)
        for r in range(RPS // CH):
            pltpu.sync_copy(rows[0], agg_sh.at[pl.ds(s * RPS + r * CH, CH)])
        plsc.subcore_barrier()

        def icopy(j, q):
            return pltpu.make_async_copy(sd_hbm.at[start + j], ibuf[q], isem[q])

        def gather(q, b):
            return pltpu.make_async_copy(h_hbm.at[ibuf[q].at[0]], rows[b], gsem[b])

        def scatter(q, b):
            return pltpu.make_async_copy(rows[b], agg_sh.at[ibuf[q].at[1]], ssem[b])

        for q in range(3):
            icopy(q, q).start()
        icopy(0, 0).wait()
        gather(0, 0).start()

        def body(g, carry):
            for b4 in range(4):
                j = g * 4 + b4
                q, b = b4, b4 % 2
                qn, bn = (b4 + 1) % 4, (b4 + 1) % 2

                @pl.when(j >= 1)
                def _():
                    scatter((b4 + 3) % 4, bn).wait()

                @pl.when(j + 3 < kw)
                def _():
                    icopy(j + 3, (b4 + 3) % 4).start()

                @pl.when(j + 1 < kw)
                def _():
                    icopy(j + 1, qn).wait()
                    gather(qn, bn).start()

                gather(q, b).wait()
                scatter(q, b).start(add=True)
            return carry

        lax.fori_loop(0, kw // 4, body, 0)
        scatter(3, 1).wait()
        plsc.subcore_barrier()
        pltpu.sync_copy(agg_sh.at[pl.ds(s * RPS, RPS)],
                        out_hbm.at[c, pl.ds(s * RPS, RPS)])

    return sc_degree, sc_aggregate


BLK = 400
NBLK = N // BLK

_full = lambda shape: pl.BlockSpec(shape, lambda i: (0,) * len(shape))


def _mlp1_body(d0, d1, emb, w1, b1, w2, b2, out):
    v1 = jnp.dot(emb[...], w1[...], preferred_element_type=jnp.float32)
    scale = 1.0 + d0[...] + d1[...]
    z = jnp.maximum(scale * v1 + b1[...], 0.0)
    out[...] = jnp.dot(z, w2[...], preferred_element_type=jnp.float32) + b2[...]


def _tc_layer1(d0, d1, emb, w1, b1, w2, b2):
    return pl.pallas_call(
        _mlp1_body,
        grid=(NBLK,),
        in_specs=[
            pl.BlockSpec((BLK, 1), lambda i: (i, 0)),
            pl.BlockSpec((BLK, 1), lambda i: (i, 0)),
            _full((1, H)), _full((H, H)), _full((1, H)), _full((H, H)), _full((1, H)),
        ],
        out_specs=pl.BlockSpec((BLK, H), lambda i: (i, 0)),
        out_shape=jax.ShapeDtypeStruct((N, H), jnp.float32),
    )(d0, d1, emb, w1, b1, w2, b2)


def _mlp_body(h, a0, a1, w1, b1, w2, b2, out):
    z = h[...] + a0[...] + a1[...]
    z = jnp.maximum(jnp.dot(z, w1[...], preferred_element_type=jnp.float32) + b1[...], 0.0)
    out[...] = jnp.dot(z, w2[...], preferred_element_type=jnp.float32) + b2[...]


def _tc_layer(h, a0, a1, w1, b1, w2, b2):
    rb = pl.BlockSpec((BLK, H), lambda i: (i, 0))
    return pl.pallas_call(
        _mlp_body,
        grid=(NBLK,),
        in_specs=[rb, rb, rb, _full((H, H)), _full((1, H)), _full((H, H)), _full((1, H))],
        out_specs=rb,
        out_shape=jax.ShapeDtypeStruct((N, H), jnp.float32),
    )(h, a0, a1, w1, b1, w2, b2)


def _final_body(h, a0, a1, w1, b1, w2, b2, bat, wp, bp, out, pooled, counts):
    i = pl.program_id(0)

    @pl.when(i == 0)
    def _init():
        pooled[...] = jnp.zeros_like(pooled)
        counts[...] = jnp.zeros_like(counts)

    z = h[...] + a0[...] + a1[...]
    z = jnp.maximum(jnp.dot(z, w1[...], preferred_element_type=jnp.float32) + b1[...], 0.0)
    h3 = jnp.dot(z, w2[...], preferred_element_type=jnp.float32) + b2[...]
    gids = lax.broadcasted_iota(jnp.int32, (1, G), 1)
    oh = (bat[...] == gids).astype(jnp.float32)
    pooled[...] += lax.dot_general(oh, h3, (((0,), (0,)), ((), ())),
                                   preferred_element_type=jnp.float32)
    counts[...] += lax.dot_general(oh, jnp.ones((BLK, 1), jnp.float32),
                                   (((0,), (0,)), ((), ())),
                                   preferred_element_type=jnp.float32)

    @pl.when(i == NBLK - 1)
    def _head():
        pm = pooled[...] / jnp.maximum(counts[...], 1.0)
        out[...] = jnp.dot(pm, wp[...], preferred_element_type=jnp.float32) + bp[...]


def _tc_final(h, a0, a1, w1, b1, w2, b2, bat, wp, bp):
    rb = pl.BlockSpec((BLK, H), lambda i: (i, 0))
    return pl.pallas_call(
        _final_body,
        grid=(NBLK,),
        in_specs=[rb, rb, rb, _full((H, H)), _full((1, H)), _full((H, H)), _full((1, H)),
                  pl.BlockSpec((BLK, 1), lambda i: (i, 0)), _full((H, H)), _full((1, H))],
        out_specs=_full((G, H)),
        out_shape=jax.ShapeDtypeStruct((G, H), jnp.float32),
        scratch_shapes=[pltpu.VMEM((G, H), jnp.float32), pltpu.VMEM((G, 1), jnp.float32)],
    )(h, a0, a1, w1, b1, w2, b2, bat, wp, bp)


def kernel(x, edge_index, edge_attr, batch, emb,
           W1_0, b1_0, W2_0, b2_0, W1_1, b1_1, W2_1, b2_1,
           W1_2, b1_2, W2_2, b2_2, Wp, bp):
    src = edge_index[0].astype(jnp.int32)
    dst = edge_index[1].astype(jnp.int32)
    pad = EPAD - E
    src_p = jnp.concatenate([src, jnp.zeros((pad,), jnp.int32)])
    dst_p = jnp.concatenate([dst, jnp.full((pad,), N, jnp.int32)])
    dst3 = dst_p.reshape(NW, KCH, CH)
    sd = jnp.stack([src_p.reshape(TOT, CH), dst_p.reshape(TOT, CH)], axis=1)
    zeros1 = jnp.zeros((NPAD,), jnp.float32)

    sc_degree, sc_aggregate = _sc_kernels()
    deg = sc_degree(dst3, zeros1)
    d0 = deg[0, :N].reshape(N, 1)
    d1 = deg[1, :N].reshape(N, 1)

    emb2 = emb.reshape(1, H)
    b1r = [b1_0.reshape(1, H), b1_1.reshape(1, H), b1_2.reshape(1, H)]
    b2r = [b2_0.reshape(1, H), b2_1.reshape(1, H), b2_2.reshape(1, H)]

    h1 = _tc_layer1(d0, d1, emb2, W1_0, b1r[0], W2_0, b2r[0])

    agg1 = sc_aggregate(sd, h1)
    h2 = _tc_layer(h1, agg1[0], agg1[1], W1_1, b1r[1], W2_1, b2r[1])

    agg2 = sc_aggregate(sd, h2)
    bat2 = batch.astype(jnp.int32).reshape(N, 1)
    Wp_pad = jnp.zeros((H, H), jnp.float32).at[:, :C].set(Wp)
    bp_pad = jnp.zeros((1, H), jnp.float32).at[0, :C].set(bp)
    outp = _tc_final(h2, agg2[0], agg2[1], W1_2, b1r[2], W2_2, b2r[2],
                     bat2, Wp_pad, bp_pad)
    return outp[:, :C]

# --- scband reference (transcript-rebuilt; emitter-appended) ---
"""Pipeline reference for scband-net-38122129719655 (READ-ONLY COPY).

The authoritative reference and input builder live on the scoring server;
editing this copy changes nothing except your own understanding.
"""

import jax, jax.numpy as jnp
import numpy as np

N = 10000
E = 320000
H = 128
L = 3
G = 128
C = 10
DE = 4

def setup_inputs(seed: int = 0) -> dict:
    key = jax.random.key(seed)
    ks = jax.random.split(key, 40)
    x = jax.random.randint(ks[0], (N,), 0, 1, dtype=jnp.int64) if jax.config.jax_enable_x64 else jax.random.randint(ks[0], (N,), 0, 1).astype(jnp.int32)
    edge_index = jax.random.randint(ks[1], (2, E), 0, N)
    edge_attr = jax.random.normal(ks[2], (E, DE), dtype=jnp.float32)
    batch = jnp.sort(jax.random.randint(ks[3], (N,), 0, G))
    inp = {"x": x, "edge_index": edge_index, "edge_attr": edge_attr, "batch": batch}
    inp["emb"] = jax.random.normal(ks[4], (1, H), dtype=jnp.float32) * 0.02
    for l in range(L):
        inp[f"W1_{l}"] = jax.random.normal(ks[5 + 4 * l], (H, H), dtype=jnp.float32) / np.sqrt(H)
        inp[f"b1_{l}"] = jnp.zeros((H,), dtype=jnp.float32)
        inp[f"W2_{l}"] = jax.random.normal(ks[6 + 4 * l], (H, H), dtype=jnp.float32) / np.sqrt(H)
        inp[f"b2_{l}"] = jnp.zeros((H,), dtype=jnp.float32)
    inp["Wp"] = jax.random.normal(ks[30], (H, C), dtype=jnp.float32) / np.sqrt(H)
    inp["bp"] = jnp.zeros((C,), dtype=jnp.float32)
    return inp

def _gin_conv(h, src, dst, W1, b1, W2, b2):
    # GIN: h' = MLP((1+eps)*h + sum_{j in N(i)} h_j), eps=0
    msgs = jnp.take(h, src, axis=0)
    agg = jax.ops.segment_sum(msgs, dst, num_segments=h.shape[0])
    z = h + agg
    z = jax.nn.relu(z @ W1 + b1)
    z = z @ W2 + b2
    return z

def reference(x, edge_index, edge_attr, batch, emb, W1_0, b1_0, W2_0, b2_0, W1_1, b1_1, W2_1, b2_1, W1_2, b1_2, W2_2, b2_2, Wp, bp):
    src, dst = edge_index[0], edge_index[1]
    h = jnp.take(emb, x, axis=0)  # node_encoder: Embedding(1, hidden)
    layers = [(W1_0, b1_0, W2_0, b2_0), (W1_1, b1_1, W2_1, b2_1), (W1_2, b1_2, W2_2, b2_2)]
    xs = []
    for (W1, b1, W2, b2) in layers:
        h = _gin_conv(h, src, dst, W1, b1, W2, b2)
        xs.append(h)
    nr = xs[-1]  # JK = 'last'
    # dropout p=0.0 / eval mode -> identity
    summed = jax.ops.segment_sum(nr, batch, num_segments=G)
    counts = jax.ops.segment_sum(jnp.ones((nr.shape[0],), dtype=nr.dtype), batch, num_segments=G)
    pooled = summed / jnp.maximum(counts, 1.0)[:, None]  # global_mean_pool
    return pooled @ Wp + bp

if __name__ == "__main__":
    import jax
    _d = setup_inputs()
    print(jax.jit(kernel)(*tuple(_d.values())))

</pallas_src>

<mosaic_0001>
#map = affine_map<(d0, d1) -> (0, 0, 0)>
#map1 = affine_map<(d0, d1) -> (0, 0)>
module attributes {stable_mosaic.version = 14 : i64} {
  func.func @sc_aggregate(%arg0: i32, %arg1: i32, %arg2: memref<2560x2x128xi32, #tpu.memory_space<hbm>>, %arg3: memref<10000x128xf32, #tpu.memory_space<hbm>>, %arg4: memref<2x10240x128xf32, #tpu.memory_space<hbm>>, %arg5: memref<10240x128xf32, #tpu.memory_space<vmem_shared>>, %arg6: memref<2x128xi32, #tpu.memory_space<vmem>>, %arg7: memref<2x128xi32, #tpu.memory_space<vmem>>, %arg8: memref<2x128xi32, #tpu.memory_space<vmem>>, %arg9: memref<2x128xi32, #tpu.memory_space<vmem>>, %arg10: memref<128x128xf32, #tpu.memory_space<vmem>>, %arg11: memref<128x128xf32, #tpu.memory_space<vmem>>, %arg12: memref<!tpu.dma_semaphore, #tpu.memory_space<semaphore_mem>>, %arg13: memref<!tpu.dma_semaphore, #tpu.memory_space<semaphore_mem>>, %arg14: memref<!tpu.dma_semaphore, #tpu.memory_space<semaphore_mem>>, %arg15: memref<!tpu.dma_semaphore, #tpu.memory_space<semaphore_mem>>, %arg16: memref<!tpu.dma_semaphore, #tpu.memory_space<semaphore_mem>>, %arg17: memref<!tpu.dma_semaphore, #tpu.memory_space<semaphore_mem>>, %arg18: memref<!tpu.dma_semaphore, #tpu.memory_space<semaphore_mem>>, %arg19: memref<!tpu.dma_semaphore, #tpu.memory_space<semaphore_mem>>) attributes {dimension_semantics = [#tpu.dimension_semantics<core_parallel>, #tpu.dimension_semantics<subcore_parallel>], iteration_bounds = array<i64: 2, 16>, scalar_prefetch = 0 : i64, scratch_operands = 15 : i64, tpu.core_type = #tpu.core_type<sc_vector_subcore>, window_params = [{transform_indices = #map}, {transform_indices = #map1}, {transform_indices = #map}]} {
    %eq3A = arith.constant 0 : i32
    %eq3A_0 = arith.cmpi eq, %arg0, %eq3A : i32
    %jit3A = arith.constant 140 : i32
    %jit3A_1 = arith.constant 20 : i32
    %select_n3A = arith.select %eq3A_0, %jit3A, %jit3A_1 : i32
    %eq3A_2 = arith.constant 0 : i32
    %eq3A_3 = arith.cmpi eq, %arg0, %eq3A_2 : i32
    %mul3A = arith.constant 140 : i32
    %mul3A_4 = arith.muli %arg1, %mul3A : i32
    %mul3A_5 = arith.constant 20 : i32
    %mul3A_6 = arith.muli %arg1, %mul3A_5 : i32
    %add3A = arith.constant 2240 : i32
    %add3A_7 = arith.addi %add3A, %mul3A_6 : i32
    %select_n3A_8 = arith.select %eq3A_3, %mul3A_4, %add3A_7 : i32
    %scan3A = arith.constant 0 : i32
    %scan3A_9 = arith.constant 0 : i32
    %scan3A_10 = arith.constant 1024 : i32
    %scan3A_11 = arith.addi %scan3A_9, %scan3A_10 : i32
    %scan3A_12 = arith.constant 1 : i32
    scf.for %scan3A_118 = %scan3A_9 to %scan3A_11 step %scan3A_12  : i32 {
      %shift_right_logical3A = arith.constant 3 : i32
      %shift_right_logical3A_119 = arith.shrui %scan3A_118, %shift_right_logical3A : i32
      %and3A_120 = arith.constant 7 : i32
      %and3A_121 = arith.andi %scan3A_118, %and3A_120 : i32
      %broadcast_in_dim3A = arith.constant 0.000000e+00 : f32
      %broadcast_in_dim3A_122 = vector.broadcast %broadcast_in_dim3A : f32 to vector<16xf32>
      %mul3A_123 = arith.constant 16 : i32
      %mul3A_124 = arith.muli %and3A_121, %mul3A_123 : i32
      %swap3A = arith.index_cast %shift_right_logical3A_119 : i32 to index
      %swap3A_125 = arith.index_cast %mul3A_124 : i32 to index
      %swap3A_126 = tpu.vector_load %arg10[%swap3A, %swap3A_125] {strides = array<i32>} : memref<128x128xf32, #tpu.memory_space<vmem>>, vector<1x16xf32>,
      %swap3A_127 = vector.shape_cast %swap3A_126 : vector<1x16xf32> to vector<16xf32>
      %swap3A_128 = vector.shape_cast %broadcast_in_dim3A_122 : vector<16xf32> to vector<1x16xf32>
      tpu.vector_store %arg10[%swap3A, %swap3A_125], %swap3A_128 {strides = array<i32>} : memref<128x128xf32, #tpu.memory_space<vmem>>, vector<1x16xf32>,
    }
    %scan3A_13 = arith.constant 1024 : i32
    %mul3A_14 = arith.constant 640 : i32
    %mul3A_15 = arith.muli %arg1, %mul3A_14 : i32
    %add3A_16 = arith.constant 0 : i32
    %add3A_17 = arith.addi %mul3A_15, %add3A_16 : i32
    "tpu.region"() ({
      %run_scoped3A = tpu.sem_alloc : memref<!tpu.dma_semaphore, #tpu.memory_space<semaphore_mem>>
      %dma_start3A_118 = arith.constant 0 : i32
      %dma_start3A_119 = tpu.memref_slice %arg5[%add3A_17, %dma_start3A_118] : memref<10240x128xf32, #tpu.memory_space<vmem_shared>> -> memref<128x128xf32, #tpu.memory_space<vmem_shared>>
      %dma_start3A_120 = arith.constant 0 : i32
      %dma_start3A_121 = tpu.memref_slice %arg5[%add3A_17, %dma_start3A_120] : memref<10240x128xf32, #tpu.memory_space<vmem_shared>> -> memref<128x128xf32, #tpu.memory_space<vmem_shared>>
      tpu.enqueue_dma source(%arg10 : memref<128x128xf32, #tpu.memory_space<vmem>>) target(%dma_start3A_121 : memref<128x128xf32, #tpu.memory_space<vmem_shared>>) target_semaphore(%run_scoped3A : memref<!tpu.dma_semaphore, #tpu.memory_space<semaphore_mem>>)
      %dma_wait3A_122 = arith.constant 0 : i32
      %dma_wait3A_123 = tpu.memref_slice %arg5[%add3A_17, %dma_wait3A_122] : memref<10240x128xf32, #tpu.memory_space<vmem_shared>> -> memref<128x128xf32, #tpu.memory_space<vmem_shared>>
      %dma_wait3A_124 = arith.constant 0 : i32
      %dma_wait3A_125 = tpu.memref_slice %arg5[%add3A_17, %dma_wait3A_124] : memref<10240x128xf32, #tpu.memory_space<vmem_shared>> -> memref<128x128xf32, #tpu.memory_space<vmem_shared>>
      tpu.wait_dma2 semaphore(%run_scoped3A : memref<!tpu.dma_semaphore, #tpu.memory_space<semaphore_mem>>) src(%arg10 : memref<128x128xf32, #tpu.memory_space<vmem>>) dst(%dma_wait3A_125 : memref<128x128xf32, #tpu.memory_space<vmem_shared>>)
      tpu.yield
    }) : () -> ()
    %mul3A_18 = arith.constant 640 : i32
    %mul3A_19 = arith.muli %arg1, %mul3A_18 : i32
    %add3A_20 = arith.constant 128 : i32
    %add3A_21 = arith.addi %mul3A_19, %add3A_20 : i32
    "tpu.region"() ({
      %run_scoped3A = tpu.sem_alloc : memref<!tpu.dma_semaphore, #tpu.memory_space<semaphore_mem>>
      %dma_start3A_118 = arith.constant 0 : i32
      %dma_start3A_119 = tpu.memref_slice %arg5[%add3A_21, %dma_start3A_118] : memref<10240x128xf32, #tpu.memory_space<vmem_shared>> -> memref<128x128xf32, #tpu.memory_space<vmem_shared>>
      %dma_start3A_120 = arith.constant 0 : i32
      %dma_start3A_121 = tpu.memref_slice %arg5[%add3A_21, %dma_start3A_120] : memref<10240x128xf32, #tpu.memory_space<vmem_shared>> -> memref<128x128xf32, #tpu.memory_space<vmem_shared>>
      tpu.enqueue_dma source(%arg10 : memref<128x128xf32, #tpu.memory_space<vmem>>) target(%dma_start3A_121 : memref<128x128xf32, #tpu.memory_space<vmem_shared>>) target_semaphore(%run_scoped3A : memref<!tpu.dma_semaphore, #tpu.memory_space<semaphore_mem>>)
      %dma_wait3A_122 = arith.constant 0 : i32
      %dma_wait3A_123 = tpu.memref_slice %arg5[%add3A_21, %dma_wait3A_122] : memref<10240x128xf32, #tpu.memory_space<vmem_shared>> -> memref<128x128xf32, #tpu.memory_space<vmem_shared>>
      %dma_wait3A_124 = arith.constant 0 : i32
      %dma_wait3A_125 = tpu.memref_slice %arg5[%add3A_21, %dma_wait3A_124] : memref<10240x128xf32, #tpu.memory_space<vmem_shared>> -> memref<128x128xf32, #tpu.memory_space<vmem_shared>>
      tpu.wait_dma2 semaphore(%run_scoped3A : memref<!tpu.dma_semaphore, #tpu.memory_space<semaphore_mem>>) src(%arg10 : memref<128x128xf32, #tpu.memory_space<vmem>>) dst(%dma_wait3A_125 : memref<128x128xf32, #tpu.memory_space<vmem_shared>>)
      tpu.yield
    }) : () -> ()
    %mul3A_22 = arith.constant 640 : i32
    %mul3A_23 = arith.muli %arg1, %mul3A_22 : i32
    %add3A_24 = arith.constant 256 : i32
    %add3A_25 = arith.addi %mul3A_23, %add3A_24 : i32
    "tpu.region"() ({
      %run_scoped3A = tpu.sem_alloc : memref<!tpu.dma_semaphore, #tpu.memory_space<semaphore_mem>>
      %dma_start3A_118 = arith.constant 0 : i32
      %dma_start3A_119 = tpu.memref_slice %arg5[%add3A_25, %dma_start3A_118] : memref<10240x128xf32, #tpu.memory_space<vmem_shared>> -> memref<128x128xf32, #tpu.memory_space<vmem_shared>>
      %dma_start3A_120 = arith.constant 0 : i32
      %dma_start3A_121 = tpu.memref_slice %arg5[%add3A_25, %dma_start3A_120] : memref<10240x128xf32, #tpu.memory_space<vmem_shared>> -> memref<128x128xf32, #tpu.memory_space<vmem_shared>>
      tpu.enqueue_dma source(%arg10 : memref<128x128xf32, #tpu.memory_space<vmem>>) target(%dma_start3A_121 : memref<128x128xf32, #tpu.memory_space<vmem_shared>>) target_semaphore(%run_scoped3A : memref<!tpu.dma_semaphore, #tpu.memory_space<semaphore_mem>>)
      %dma_wait3A_122 = arith.constant 0 : i32
      %dma_wait3A_123 = tpu.memref_slice %arg5[%add3A_25, %dma_wait3A_122] : memref<10240x128xf32, #tpu.memory_space<vmem_shared>> -> memref<128x128xf32, #tpu.memory_space<vmem_shared>>
      %dma_wait3A_124 = arith.constant 0 : i32
      %dma_wait3A_125 = tpu.memref_slice %arg5[%add3A_25, %dma_wait3A_124] : memref<10240x128xf32, #tpu.memory_space<vmem_shared>> -> memref<128x128xf32, #tpu.memory_space<vmem_shared>>
      tpu.wait_dma2 semaphore(%run_scoped3A : memref<!tpu.dma_semaphore, #tpu.memory_space<semaphore_mem>>) src(%arg10 : memref<128x128xf32, #tpu.memory_space<vmem>>) dst(%dma_wait3A_125 : memref<128x128xf32, #tpu.memory_space<vmem_shared>>)
      tpu.yield
    }) : () -> ()
    %mul3A_26 = arith.constant 640 : i32
    %mul3A_27 = arith.muli %arg1, %mul3A_26 : i32
    %add3A_28 = arith.constant 384 : i32
    %add3A_29 = arith.addi %mul3A_27, %add3A_28 : i32
    "tpu.region"() ({
      %run_scoped3A = tpu.sem_alloc : memref<!tpu.dma_semaphore, #tpu.memory_space<semaphore_mem>>
      %dma_start3A_118 = arith.constant 0 : i32
      %dma_start3A_119 = tpu.memref_slice %arg5[%add3A_29, %dma_start3A_118] : memref<10240x128xf32, #tpu.memory_space<vmem_shared>> -> memref<128x128xf32, #tpu.memory_space<vmem_shared>>
      %dma_start3A_120 = arith.constant 0 : i32
      %dma_start3A_121 = tpu.memref_slice %arg5[%add3A_29, %dma_start3A_120] : memref<10240x128xf32, #tpu.memory_space<vmem_shared>> -> memref<128x128xf32, #tpu.memory_space<vmem_shared>>
      tpu.enqueue_dma source(%arg10 : memref<128x128xf32, #tpu.memory_space<vmem>>) target(%dma_start3A_121 : memref<128x128xf32, #tpu.memory_space<vmem_shared>>) target_semaphore(%run_scoped3A : memref<!tpu.dma_semaphore, #tpu.memory_space<semaphore_mem>>)
      %dma_wait3A_122 = arith.constant 0 : i32
      %dma_wait3A_123 = tpu.memref_slice %arg5[%add3A_29, %dma_wait3A_122] : memref<10240x128xf32, #tpu.memory_space<vmem_shared>> -> memref<128x128xf32, #tpu.memory_space<vmem_shared>>
      %dma_wait3A_124 = arith.constant 0 : i32
      %dma_wait3A_125 = tpu.memref_slice %arg5[%add3A_29, %dma_wait3A_124] : memref<10240x128xf32, #tpu.memory_space<vmem_shared>> -> memref<128x128xf32, #tpu.memory_space<vmem_shared>>
      tpu.wait_dma2 semaphore(%run_scoped3A : memref<!tpu.dma_semaphore, #tpu.memory_space<semaphore_mem>>) src(%arg10 : memref<128x128xf32, #tpu.memory_space<vmem>>) dst(%dma_wait3A_125 : memref<128x128xf32, #tpu.memory_space<vmem_shared>>)
      tpu.yield
    }) : () -> ()
    %mul3A_30 = arith.constant 640 : i32
    %mul3A_31 = arith.muli %arg1, %mul3A_30 : i32
    %add3A_32 = arith.constant 512 : i32
    %add3A_33 = arith.addi %mul3A_31, %add3A_32 : i32
    "tpu.region"() ({
      %run_scoped3A = tpu.sem_alloc : memref<!tpu.dma_semaphore, #tpu.memory_space<semaphore_mem>>
      %dma_start3A_118 = arith.constant 0 : i32
      %dma_start3A_119 = tpu.memref_slice %arg5[%add3A_33, %dma_start3A_118] : memref<10240x128xf32, #tpu.memory_space<vmem_shared>> -> memref<128x128xf32, #tpu.memory_space<vmem_shared>>
      %dma_start3A_120 = arith.constant 0 : i32
      %dma_start3A_121 = tpu.memref_slice %arg5[%add3A_33, %dma_start3A_120] : memref<10240x128xf32, #tpu.memory_space<vmem_shared>> -> memref<128x128xf32, #tpu.memory_space<vmem_shared>>
      tpu.enqueue_dma source(%arg10 : memref<128x128xf32, #tpu.memory_space<vmem>>) target(%dma_start3A_121 : memref<128x128xf32, #tpu.memory_space<vmem_shared>>) target_semaphore(%run_scoped3A : memref<!tpu.dma_semaphore, #tpu.memory_space<semaphore_mem>>)
      %dma_wait3A_122 = arith.constant 0 : i32
      %dma_wait3A_123 = tpu.memref_slice %arg5[%add3A_33, %dma_wait3A_122] : memref<10240x128xf32, #tpu.memory_space<vmem_shared>> -> memref<128x128xf32, #tpu.memory_space<vmem_shared>>
      %dma_wait3A_124 = arith.constant 0 : i32
      %dma_wait3A_125 = tpu.memref_slice %arg5[%add3A_33, %dma_wait3A_124] : memref<10240x128xf32, #tpu.memory_space<vmem_shared>> -> memref<128x128xf32, #tpu.memory_space<vmem_shared>>
      tpu.wait_dma2 semaphore(%run_scoped3A : memref<!tpu.dma_semaphore, #tpu.memory_space<semaphore_mem>>) src(%arg10 : memref<128x128xf32, #tpu.memory_space<vmem>>) dst(%dma_wait3A_125 : memref<128x128xf32, #tpu.memory_space<vmem_shared>>)
      tpu.yield
    }) : () -> ()
    %barrier3A = arith.constant 0 : index
    tpu.barrier barrier_id(%barrier3A)
    %add3A_34 = arith.constant 0 : i32
    %add3A_35 = arith.addi %select_n3A_8, %add3A_34 : i32
    %dma_start3A = arith.constant 0 : i32
    %dma_start3A_36 = arith.constant 0 : i32
    %dma_start3A_37 = tpu.memref_slice %arg2[%add3A_35, %dma_start3A, %dma_start3A_36] : memref<2560x2x128xi32, #tpu.memory_space<hbm>> -> memref<1x2x128xi32, #tpu.memory_space<hbm>>
    %dma_start3A_38 = tpu.memref_squeeze %dma_start3A_37 : memref<1x2x128xi32, #tpu.memory_space<hbm>> -> memref<2x128xi32, #tpu.memory_space<hbm>>
    %dma_start3A_39 = arith.constant 0 : i32
    %dma_start3A_40 = arith.constant 0 : i32
    %dma_start3A_41 = tpu.memref_slice %arg2[%add3A_35, %dma_start3A_39, %dma_start3A_40] : memref<2560x2x128xi32, #tpu.memory_space<hbm>> -> memref<1x2x128xi32, #tpu.memory_space<hbm>>
    %dma_start3A_42 = tpu.memref_squeeze %dma_start3A_41 : memref<1x2x128xi32, #tpu.memory_space<hbm>> -> memref<2x128xi32, #tpu.memory_space<hbm>>
    tpu.enqueue_dma source(%dma_start3A_42 : memref<2x128xi32, #tpu.memory_space<hbm>>) target(%arg6 : memref<2x128xi32, #tpu.memory_space<vmem>>) target_semaphore(%arg12 : memref<!tpu.dma_semaphore, #tpu.memory_space<semaphore_mem>>)
    %add3A_43 = arith.constant 1 : i32
    %add3A_44 = arith.addi %select_n3A_8, %add3A_43 : i32
    %dma_start3A_45 = arith.constant 0 : i32
    %dma_start3A_46 = arith.constant 0 : i32
    %dma_start3A_47 = tpu.memref_slice %arg2[%add3A_44, %dma_start3A_45, %dma_start3A_46] : memref<2560x2x128xi32, #tpu.memory_space<hbm>> -> memref<1x2x128xi32, #tpu.memory_space<hbm>>
    %dma_start3A_48 = tpu.memref_squeeze %dma_start3A_47 : memref<1x2x128xi32, #tpu.memory_space<hbm>> -> memref<2x128xi32, #tpu.memory_space<hbm>>
    %dma_start3A_49 = arith.constant 0 : i32
    %dma_start3A_50 = arith.constant 0 : i32
    %dma_start3A_51 = tpu.memref_slice %arg2[%add3A_44, %dma_start3A_49, %dma_start3A_50] : memref<2560x2x128xi32, #tpu.memory_space<hbm>> -> memref<1x2x128xi32, #tpu.memory_space<hbm>>
    %dma_start3A_52 = tpu.memref_squeeze %dma_start3A_51 : memref<1x2x128xi32, #tpu.memory_space<hbm>> -> memref<2x128xi32, #tpu.memory_space<hbm>>
    tpu.enqueue_dma source(%dma_start3A_52 : memref<2x128xi32, #tpu.memory_space<hbm>>) target(%arg7 : memref<2x128xi32, #tpu.memory_space<vmem>>) target_semaphore(%arg13 : memref<!tpu.dma_semaphore, #tpu.memory_space<semaphore_mem>>)
    %add3A_53 = arith.constant 2 : i32
    %add3A_54 = arith.addi %select_n3A_8, %add3A_53 : i32
    %dma_start3A_55 = arith.constant 0 : i32
    %dma_start3A_56 = arith.constant 0 : i32
    %dma_start3A_57 = tpu.memref_slice %arg2[%add3A_54, %dma_start3A_55, %dma_start3A_56] : memref<2560x2x128xi32, #tpu.memory_space<hbm>> -> memref<1x2x128xi32, #tpu.memory_space<hbm>>
    %dma_start3A_58 = tpu.memref_squeeze %dma_start3A_57 : memref<1x2x128xi32, #tpu.memory_space<hbm>> -> memref<2x128xi32, #tpu.memory_space<hbm>>
    %dma_start3A_59 = arith.constant 0 : i32
    %dma_start3A_60 = arith.constant 0 : i32
    %dma_start3A_61 = tpu.memref_slice %arg2[%add3A_54, %dma_start3A_59, %dma_start3A_60] : memref<2560x2x128xi32, #tpu.memory_space<hbm>> -> memref<1x2x128xi32, #tpu.memory_space<hbm>>
    %dma_start3A_62 = tpu.memref_squeeze %dma_start3A_61 : memref<1x2x128xi32, #tpu.memory_space<hbm>> -> memref<2x128xi32, #tpu.memory_space<hbm>>
    tpu.enqueue_dma source(%dma_start3A_62 : memref<2x128xi32, #tpu.memory_space<hbm>>) target(%arg8 : memref<2x128xi32, #tpu.memory_space<vmem>>) target_semaphore(%arg14 : memref<!tpu.dma_semaphore, #tpu.memory_space<semaphore_mem>>)
    %add3A_63 = arith.constant 0 : i32
    %add3A_64 = arith.addi %select_n3A_8, %add3A_63 : i32
    %dma_wait3A = arith.constant 0 : i32
    %dma_wait3A_65 = arith.constant 0 : i32
    %dma_wait3A_66 = tpu.memref_slice %arg2[%add3A_64, %dma_wait3A, %dma_wait3A_65] : memref<2560x2x128xi32, #tpu.memory_space<hbm>> -> memref<1x2x128xi32, #tpu.memory_space<hbm>>
    %dma_wait3A_67 = tpu.memref_squeeze %dma_wait3A_66 : memref<1x2x128xi32, #tpu.memory_space<hbm>> -> memref<2x128xi32, #tpu.memory_space<hbm>>
    %dma_wait3A_68 = arith.constant 0 : i32
    %dma_wait3A_69 = arith.constant 0 : i32
    %dma_wait3A_70 = tpu.memref_slice %arg2[%add3A_64, %dma_wait3A_68, %dma_wait3A_69] : memref<2560x2x128xi32, #tpu.memory_space<hbm>> -> memref<1x2x128xi32, #tpu.memory_space<hbm>>
    %dma_wait3A_71 = tpu.memref_squeeze %dma_wait3A_70 : memref<1x2x128xi32, #tpu.memory_space<hbm>> -> memref<2x128xi32, #tpu.memory_space<hbm>>
    tpu.wait_dma2 semaphore(%arg12 : memref<!tpu.dma_semaphore, #tpu.memory_space<semaphore_mem>>) src(%dma_wait3A_71 : memref<2x128xi32, #tpu.memory_space<hbm>>) dst(%arg6 : memref<2x128xi32, #tpu.memory_space<vmem>>)
    %dma_start3A_72 = arith.constant 0 : i32
    %dma_start3A_73 = arith.constant 0 : i32
    %dma_start3A_74 = tpu.memref_slice %arg6[%dma_start3A_72, %dma_start3A_73] : memref<2x128xi32, #tpu.memory_space<vmem>> -> memref<1x128xi32, #tpu.memory_space<vmem>>
    %dma_start3A_75 = tpu.memref_squeeze %dma_start3A_74 : memref<1x128xi32, #tpu.memory_space<vmem>> -> memref<128xi32, #tpu.memory_space<vmem>>
    %dma_start3A_76 = arith.constant 0 : i32
    %dma_start3A_77 = arith.constant 0 : i32
    %dma_start3A_78 = tpu.memref_slice %arg3[%dma_start3A_76, %dma_start3A_77] : memref<10000x128xf32, #tpu.memory_space<hbm>> -> memref<10000x128xf32, #tpu.memory_space<hbm>>
    tpu.enqueue_indirect_dma source(%dma_start3A_78 : memref<10000x128xf32, #tpu.memory_space<hbm>>) target(%arg10 : memref<128x128xf32, #tpu.memory_space<vmem>>) offsets(%dma_start3A_75 : memref<128xi32, #tpu.memory_space<vmem>>) semaphore(%arg16 : memref<!tpu.dma_semaphore, #tpu.memory_space<semaphore_mem>>)
    %jit3A_79 = arith.constant 4 : i32
    %div3A = arith.divsi %select_n3A, %jit3A_79 : i32
    %sign3A = arith.constant 0 : i32
    %sign3A_80 = arith.cmpi sgt, %select_n3A, %sign3A : i32
    %sign3A_81 = arith.extui %sign3A_80 : i1 to i32
    %sign3A_82 = arith.constant 0 : i32
    %sign3A_83 = arith.cmpi slt, %select_n3A, %sign3A_82 : i32
    %sign3A_84 = arith.extui %sign3A_83 : i1 to i32
    %sign3A_85 = arith.subi %sign3A_81, %sign3A_84 : i32
    %sign3A_86 = arith.constant 0 : i32
    %sign3A_87 = arith.cmpi sgt, %jit3A_79, %sign3A_86 : i32
    %sign3A_88 = arith.extui %sign3A_87 : i1 to i32
    %sign3A_89 = arith.constant 0 : i32
    %sign3A_90 = arith.cmpi slt, %jit3A_79, %sign3A_89 : i32
    %sign3A_91 = arith.extui %sign3A_90 : i1 to i32
    %sign3A_92 = arith.subi %sign3A_88, %sign3A_91 : i32
    %ne3A = arith.cmpi ne, %sign3A_85, %sign3A_92 : i32
    %rem3A = arith.remsi %select_n3A, %jit3A_79 : i32
    %ne3A_93 = arith.constant 0 : i32
    %ne3A_94 = arith.cmpi ne, %rem3A, %ne3A_93 : i32
    %and3A = arith.andi %ne3A, %ne3A_94 : i1
    %sub3A = arith.constant 1 : i32
    %sub3A_95 = arith.subi %div3A, %sub3A : i32
    %select_n3A_96 = arith.select %and3A, %sub3A_95, %div3A : i32
    %while3A = arith.constant 0 : i32
    %while3A_97 = arith.constant 0 : i32
    %while3A_98 = arith.subi %select_n3A_96, %while3A_97 : i32
    %while3A_99 = arith.addi %while3A_97, %while3A_98 : i32
    %while3A_100 = arith.constant 1 : i32
    %while3A_101 = arith.divsi %while3A_98, %while3A_100 : i32
    %while3A_102 = arith.muli %while3A_101, %while3A_100 : i32
    %while3A_103 = arith.addi %while3A_97, %while3A_102 : i32
    %while3A_104 = arith.constant 1 : i32
    scf.for %while3A_118 = %while3A_97 to %while3A_103 step %while3A_104  : i32 {
      %mul3A_119 = arith.constant 4 : i32
      %mul3A_120 = arith.muli %while3A_118, %mul3A_119 : i32
      %add3A_121 = arith.constant 0 : i32
      %add3A_122 = arith.addi %mul3A_120, %add3A_121 : i32
      %ge3A = arith.constant 1 : i32
      %ge3A_123 = arith.cmpi sge, %add3A_122, %ge3A : i32
      %convert_element_type3A = arith.extui %ge3A_123 : i1 to i32
      %cond3A = arith.constant 0 : i32
      %cond3A_124 = arith.cmpi ne, %convert_element_type3A, %cond3A : i32
      scf.if %cond3A_124 {
        %dma_wait3A_255 = arith.constant 1 : i32
        %dma_wait3A_256 = arith.constant 0 : i32
        %dma_wait3A_257 = tpu.memref_slice %arg9[%dma_wait3A_255, %dma_wait3A_256] : memref<2x128xi32, #tpu.memory_space<vmem>> -> memref<1x128xi32, #tpu.memory_space<vmem>>
        %dma_wait3A_258 = tpu.memref_squeeze %dma_wait3A_257 : memref<1x128xi32, #tpu.memory_space<vmem>> -> memref<128xi32, #tpu.memory_space<vmem>>
        %dma_wait3A_259 = arith.constant 0 : i32
        %dma_wait3A_260 = arith.constant 0 : i32
        %dma_wait3A_261 = tpu.memref_slice %arg5[%dma_wait3A_259, %dma_wait3A_260] : memref<10240x128xf32, #tpu.memory_space<vmem_shared>> -> memref<10240x128xf32, #tpu.memory_space<vmem_shared>>
        tpu.wait_indirect_dma semaphore(%arg19 : memref<!tpu.dma_semaphore, #tpu.memory_space<semaphore_mem>>) src(%arg11 : memref<128x128xf32, #tpu.memory_space<vmem>>) dst(%dma_wait3A_261 : memref<10240x128xf32, #tpu.memory_space<vmem_shared>>)
      } else {
      }
      %add3A_125 = arith.constant 3 : i32
      %add3A_126 = arith.addi %add3A_122, %add3A_125 : i32
      %lt3A = arith.cmpi slt, %add3A_126, %select_n3A : i32
      %convert_element_type3A_127 = arith.extui %lt3A : i1 to i32
      %cond3A_128 = arith.constant 0 : i32
      %cond3A_129 = arith.cmpi ne, %convert_element_type3A_127, %cond3A_128 : i32
      scf.if %cond3A_129 {
        %add3A_255 = arith.constant 3 : i32
        %add3A_256 = arith.addi %add3A_122, %add3A_255 : i32
        %add3A_257 = arith.addi %select_n3A_8, %add3A_256 : i32
        %dma_start3A_258 = arith.constant 0 : i32
        %dma_start3A_259 = arith.constant 0 : i32
        %dma_start3A_260 = tpu.memref_slice %arg2[%add3A_257, %dma_start3A_258, %dma_start3A_259] : memref<2560x2x128xi32, #tpu.memory_space<hbm>> -> memref<1x2x128xi32, #tpu.memory_space<hbm>>
        %dma_start3A_261 = tpu.memref_squeeze %dma_start3A_260 : memref<1x2x128xi32, #tpu.memory_space<hbm>> -> memref<2x128xi32, #tpu.memory_space<hbm>>
        %dma_start3A_262 = arith.constant 0 : i32
        %dma_start3A_263 = arith.constant 0 : i32
        %dma_start3A_264 = tpu.memref_slice %arg2[%add3A_257, %dma_start3A_262, %dma_start3A_263] : memref<2560x2x128xi32, #tpu.memory_space<hbm>> -> memref<1x2x128xi32, #tpu.memory_space<hbm>>
        %dma_start3A_265 = tpu.memref_squeeze %dma_start3A_264 : memref<1x2x128xi32, #tpu.memory_space<hbm>> -> memref<2x128xi32, #tpu.memory_space<hbm>>
        tpu.enqueue_dma source(%dma_start3A_265 : memref<2x128xi32, #tpu.memory_space<hbm>>) target(%arg9 : memref<2x128xi32, #tpu.memory_space<vmem>>) target_semaphore(%arg15 : memref<!tpu.dma_semaphore, #tpu.memory_space<semaphore_mem>>)
      } else {
      }
      %add3A_130 = arith.constant 1 : i32
      %add3A_131 = arith.addi %add3A_122, %add3A_130 : i32
      %lt3A_132 = arith.cmpi slt, %add3A_131, %select_n3A : i32
      %convert_element_type3A_133 = arith.extui %lt3A_132 : i1 to i32
      %cond3A_134 = arith.constant 0 : i32
      %cond3A_135 = arith.cmpi ne, %convert_element_type3A_133, %cond3A_134 : i32
      scf.if %cond3A_135 {
        %add3A_255 = arith.constant 1 : i32
        %add3A_256 = arith.addi %add3A_122, %add3A_255 : i32
        %add3A_257 = arith.addi %select_n3A_8, %add3A_256 : i32
        %dma_wait3A_258 = arith.constant 0 : i32
        %dma_wait3A_259 = arith.constant 0 : i32
        %dma_wait3A_260 = tpu.memref_slice %arg2[%add3A_257, %dma_wait3A_258, %dma_wait3A_259] : memref<2560x2x128xi32, #tpu.memory_space<hbm>> -> memref<1x2x128xi32, #tpu.memory_space<hbm>>
        %dma_wait3A_261 = tpu.memref_squeeze %dma_wait3A_260 : memref<1x2x128xi32, #tpu.memory_space<hbm>> -> memref<2x128xi32, #tpu.memory_space<hbm>>
        %dma_wait3A_262 = arith.constant 0 : i32
        %dma_wait3A_263 = arith.constant 0 : i32
        %dma_wait3A_264 = tpu.memref_slice %arg2[%add3A_257, %dma_wait3A_262, %dma_wait3A_263] : memref<2560x2x128xi32, #tpu.memory_space<hbm>> -> memref<1x2x128xi32, #tpu.memory_space<hbm>>
        %dma_wait3A_265 = tpu.memref_squeeze %dma_wait3A_264 : memref<1x2x128xi32, #tpu.memory_space<hbm>> -> memref<2x128xi32, #tpu.memory_space<hbm>>
        tpu.wait_dma2 semaphore(%arg13 : memref<!tpu.dma_semaphore, #tpu.memory_space<semaphore_mem>>) src(%dma_wait3A_265 : memref<2x128xi32, #tpu.memory_space<hbm>>) dst(%arg7 : memref<2x128xi32, #tpu.memory_space<vmem>>)
        %dma_start3A_266 = arith.constant 0 : i32
        %dma_start3A_267 = arith.constant 0 : i32
        %dma_start3A_268 = tpu.memref_slice %arg7[%dma_start3A_266, %dma_start3A_267] : memref<2x128xi32, #tpu.memory_space<vmem>> -> memref<1x128xi32, #tpu.memory_space<vmem>>
        %dma_start3A_269 = tpu.memref_squeeze %dma_start3A_268 : memref<1x128xi32, #tpu.memory_space<vmem>> -> memref<128xi32, #tpu.memory_space<vmem>>
        %dma_start3A_270 = arith.constant 0 : i32
        %dma_start3A_271 = arith.constant 0 : i32
        %dma_start3A_272 = tpu.memref_slice %arg3[%dma_start3A_270, %dma_start3A_271] : memref<10000x128xf32, #tpu.memory_space<hbm>> -> memref<10000x128xf32, #tpu.memory_space<hbm>>
        tpu.enqueue_indirect_dma source(%dma_start3A_272 : memref<10000x128xf32, #tpu.memory_space<hbm>>) target(%arg11 : memref<128x128xf32, #tpu.memory_space<vmem>>) offsets(%dma_start3A_269 : memref<128xi32, #tpu.memory_space<vmem>>) semaphore(%arg17 : memref<!tpu.dma_semaphore, #tpu.memory_space<semaphore_mem>>)
      } else {
      }
      %dma_wait3A_136 = arith.constant 0 : i32
      %dma_wait3A_137 = arith.constant 0 : i32
      %dma_wait3A_138 = tpu.memref_slice %arg6[%dma_wait3A_136, %dma_wait3A_137] : memref<2x128xi32, #tpu.memory_space<vmem>> -> memref<1x128xi32, #tpu.memory_space<vmem>>
      %dma_wait3A_139 = tpu.memref_squeeze %dma_wait3A_138 : memref<1x128xi32, #tpu.memory_space<vmem>> -> memref<128xi32, #tpu.memory_space<vmem>>
      %dma_wait3A_140 = arith.constant 0 : i32
      %dma_wait3A_141 = arith.constant 0 : i32
      %dma_wait3A_142 = tpu.memref_slice %arg3[%dma_wait3A_140, %dma_wait3A_141] : memref<10000x128xf32, #tpu.memory_space<hbm>> -> memref<10000x128xf32, #tpu.memory_space<hbm>>
      tpu.wait_indirect_dma semaphore(%arg16 : memref<!tpu.dma_semaphore, #tpu.memory_space<semaphore_mem>>) src(%dma_wait3A_142 : memref<10000x128xf32, #tpu.memory_space<hbm>>) dst(%arg10 : memref<128x128xf32, #tpu.memory_space<vmem>>)
      %dma_start3A_143 = arith.constant 1 : i32
      %dma_start3A_144 = arith.constant 0 : i32
      %dma_start3A_145 = tpu.memref_slice %arg6[%dma_start3A_143, %dma_start3A_144] : memref<2x128xi32, #tpu.memory_space<vmem>> -> memref<1x128xi32, #tpu.memory_space<vmem>>
      %dma_start3A_146 = tpu.memref_squeeze %dma_start3A_145 : memref<1x128xi32, #tpu.memory_space<vmem>> -> memref<128xi32, #tpu.memory_space<vmem>>
      %dma_start3A_147 = arith.constant 0 : i32
      %dma_start3A_148 = arith.constant 0 : i32
      %dma_start3A_149 = tpu.memref_slice %arg5[%dma_start3A_147, %dma_start3A_148] : memref<10240x128xf32, #tpu.memory_space<vmem_shared>> -> memref<10240x128xf32, #tpu.memory_space<vmem_shared>>
      tpu.enqueue_indirect_dma source(%arg10 : memref<128x128xf32, #tpu.memory_space<vmem>>) target(%dma_start3A_149 : memref<10240x128xf32, #tpu.memory_space<vmem_shared>>) offsets(%dma_start3A_146 : memref<128xi32, #tpu.memory_space<vmem>>) semaphore(%arg18 : memref<!tpu.dma_semaphore, #tpu.memory_space<semaphore_mem>>) {add = true}
      %mul3A_150 = arith.constant 4 : i32
      %mul3A_151 = arith.muli %while3A_118, %mul3A_150 : i32
      %add3A_152 = arith.constant 1 : i32
      %add3A_153 = arith.addi %mul3A_151, %add3A_152 : i32
      %ge3A_154 = arith.constant 1 : i32
      %ge3A_155 = arith.cmpi sge, %add3A_153, %ge3A_154 : i32
      %convert_element_type3A_156 = arith.extui %ge3A_155 : i1 to i32
      %cond3A_157 = arith.constant 0 : i32
      %cond3A_158 = arith.cmpi ne, %convert_element_type3A_156, %cond3A_157 : i32
      scf.if %cond3A_158 {
        %dma_wait3A_255 = arith.constant 1 : i32
        %dma_wait3A_256 = arith.constant 0 : i32
        %dma_wait3A_257 = tpu.memref_slice %arg6[%dma_wait3A_255, %dma_wait3A_256] : memref<2x128xi32, #tpu.memory_space<vmem>> -> memref<1x128xi32, #tpu.memory_space<vmem>>
        %dma_wait3A_258 = tpu.memref_squeeze %dma_wait3A_257 : memref<1x128xi32, #tpu.memory_space<vmem>> -> memref<128xi32, #tpu.memory_space<vmem>>
        %dma_wait3A_259 = arith.constant 0 : i32
        %dma_wait3A_260 = arith.constant 0 : i32
        %dma_wait3A_261 = tpu.memref_slice %arg5[%dma_wait3A_259, %dma_wait3A_260] : memref<10240x128xf32, #tpu.memory_space<vmem_shared>> -> memref<10240x128xf32, #tpu.memory_space<vmem_shared>>
        tpu.wait_indirect_dma semaphore(%arg18 : memref<!tpu.dma_semaphore, #tpu.memory_space<semaphore_mem>>) src(%arg10 : memref<128x128xf32, #tpu.memory_space<vmem>>) dst(%dma_wait3A_261 : memref<10240x128xf32, #tpu.memory_space<vmem_shared>>)
      } else {
      }
      %add3A_159 = arith.constant 3 : i32
      %add3A_160 = arith.addi %add3A_153, %add3A_159 : i32
      %lt3A_161 = arith.cmpi slt, %add3A_160, %select_n3A : i32
      %convert_element_type3A_162 = arith.extui %lt3A_161 : i1 to i32
      %cond3A_163 = arith.constant 0 : i32
      %cond3A_164 = arith.cmpi ne, %convert_element_type3A_162, %cond3A_163 : i32
      scf.if %cond3A_164 {
        %add3A_255 = arith.constant 3 : i32
        %add3A_256 = arith.addi %add3A_153, %add3A_255 : i32
        %add3A_257 = arith.addi %select_n3A_8, %add3A_256 : i32
        %dma_start3A_258 = arith.constant 0 : i32
        %dma_start3A_259 = arith.constant 0 : i32
        %dma_start3A_260 = tpu.memref_slice %arg2[%add3A_257, %dma_start3A_258, %dma_start3A_259] : memref<2560x2x128xi32, #tpu.memory_space<hbm>> -> memref<1x2x128xi32, #tpu.memory_space<hbm>>
        %dma_start3A_261 = tpu.memref_squeeze %dma_start3A_260 : memref<1x2x128xi32, #tpu.memory_space<hbm>> -> memref<2x128xi32, #tpu.memory_space<hbm>>
        %dma_start3A_262 = arith.constant 0 : i32
        %dma_start3A_263 = arith.constant 0 : i32
        %dma_start3A_264 = tpu.memref_slice %arg2[%add3A_257, %dma_start3A_262, %dma_start3A_263] : memref<2560x2x128xi32, #tpu.memory_space<hbm>> -> memref<1x2x128xi32, #tpu.memory_space<hbm>>
        %dma_start3A_265 = tpu.memref_squeeze %dma_start3A_264 : memref<1x2x128xi32, #tpu.memory_space<hbm>> -> memref<2x128xi32, #tpu.memory_space<hbm>>
        tpu.enqueue_dma source(%dma_start3A_265 : memref<2x128xi32, #tpu.memory_space<hbm>>) target(%arg6 : memref<2x128xi32, #tpu.memory_space<vmem>>) target_semaphore(%arg12 : memref<!tpu.dma_semaphore, #tpu.memory_space<semaphore_mem>>)
      } else {
      }
      %add3A_165 = arith.constant 1 : i32
      %add3A_166 = arith.addi %add3A_153, %add3A_165 : i32
      %lt3A_167 = arith.cmpi slt, %add3A_166, %select_n3A : i32
      %convert_element_type3A_168 = arith.extui %lt3A_167 : i1 to i32
      %cond3A_169 = arith.constant 0 : i32
      %cond3A_170 = arith.cmpi ne, %convert_element_type3A_168, %cond3A_169 : i32
      scf.if %cond3A_170 {
        %add3A_255 = arith.constant 1 : i32
        %add3A_256 = arith.addi %add3A_153, %add3A_255 : i32
        %add3A_257 = arith.addi %select_n3A_8, %add3A_256 : i32
        %dma_wait3A_258 = arith.constant 0 : i32
        %dma_wait3A_259 = arith.constant 0 : i32
        %dma_wait3A_260 = tpu.memref_slice %arg2[%add3A_257, %dma_wait3A_258, %dma_wait3A_259] : memref<2560x2x128xi32, #tpu.memory_space<hbm>> -> memref<1x2x128xi32, #tpu.memory_space<hbm>>
        %dma_wait3A_261 = tpu.memref_squeeze %dma_wait3A_260 : memref<1x2x128xi32, #tpu.memory_space<hbm>> -> memref<2x128xi32, #tpu.memory_space<hbm>>
        %dma_wait3A_262 = arith.constant 0 : i32
        %dma_wait3A_263 = arith.constant 0 : i32
        %dma_wait3A_264 = tpu.memref_slice %arg2[%add3A_257, %dma_wait3A_262, %dma_wait3A_263] : memref<2560x2x128xi32, #tpu.memory_space<hbm>> -> memref<1x2x128xi32, #tpu.memory_space<hbm>>
        %dma_wait3A_265 = tpu.memref_squeeze %dma_wait3A_264 : memref<1x2x128xi32, #tpu.memory_space<hbm>> -> memref<2x128xi32, #tpu.memory_space<hbm>>
        tpu.wait_dma2 semaphore(%arg14 : memref<!tpu.dma_semaphore, #tpu.memory_space<semaphore_mem>>) src(%dma_wait3A_265 : memref<2x128xi32, #tpu.memory_space<hbm>>) dst(%arg8 : memref<2x128xi32, #tpu.memory_space<vmem>>)
        %dma_start3A_266 = arith.constant 0 : i32
        %dma_start3A_267 = arith.constant 0 : i32
        %dma_start3A_268 = tpu.memref_slice %arg8[%dma_start3A_266, %dma_start3A_267] : memref<2x128xi32, #tpu.memory_space<vmem>> -> memref<1x128xi32, #tpu.memory_space<vmem>>
        %dma_start3A_269 = tpu.memref_squeeze %dma_start3A_268 : memref<1x128xi32, #tpu.memory_space<vmem>> -> memref<128xi32, #tpu.memory_space<vmem>>
        %dma_start3A_270 = arith.constant 0 : i32
        %dma_start3A_271 = arith.constant 0 : i32
        %dma_start3A_272 = tpu.memref_slice %arg3[%dma_start3A_270, %dma_start3A_271] : memref<10000x128xf32, #tpu.memory_space<hbm>> -> memref<10000x128xf32, #tpu.memory_space<hbm>>
        tpu.enqueue_indirect_dma source(%dma_start3A_272 : memref<10000x128xf32, #tpu.memory_space<hbm>>) target(%arg10 : memref<128x128xf32, #tpu.memory_space<vmem>>) offsets(%dma_start3A_269 : memref<128xi32, #tpu.memory_space<vmem>>) semaphore(%arg16 : memref<!tpu.dma_semaphore, #tpu.memory_space<semaphore_mem>>)
      } else {
      }
      %dma_wait3A_171 = arith.constant 0 : i32
      %dma_wait3A_172 = arith.constant 0 : i32
      %dma_wait3A_173 = tpu.memref_slice %arg7[%dma_wait3A_171, %dma_wait3A_172] : memref<2x128xi32, #tpu.memory_space<vmem>> -> memref<1x128xi32, #tpu.memory_space<vmem>>
      %dma_wait3A_174 = tpu.memref_squeeze %dma_wait3A_173 : memref<1x128xi32, #tpu.memory_space<vmem>> -> memref<128xi32, #tpu.memory_space<vmem>>
      %dma_wait3A_175 = arith.constant 0 : i32
      %dma_wait3A_176 = arith.constant 0 : i32
      %dma_wait3A_177 = tpu.memref_slice %arg3[%dma_wait3A_175, %dma_wait3A_176] : memref<10000x128xf32, #tpu.memory_space<hbm>> -> memref<10000x128xf32, #tpu.memory_space<hbm>>
      tpu.wait_indirect_dma semaphore(%arg17 : memref<!tpu.dma_semaphore, #tpu.memory_space<semaphore_mem>>) src(%dma_wait3A_177 : memref<10000x128xf32, #tpu.memory_space<hbm>>) dst(%arg11 : memref<128x128xf32, #tpu.memory_space<vmem>>)
      %dma_start3A_178 = arith.constant 1 : i32
      %dma_start3A_179 = arith.constant 0 : i32
      %dma_start3A_180 = tpu.memref_slice %arg7[%dma_start3A_178, %dma_start3A_179] : memref<2x128xi32, #tpu.memory_space<vmem>> -> memref<1x128xi32, #tpu.memory_space<vmem>>
      %dma_start3A_181 = tpu.memref_squeeze %dma_start3A_180 : memref<1x128xi32, #tpu.memory_space<vmem>> -> memref<128xi32, #tpu.memory_space<vmem>>
      %dma_start3A_182 = arith.constant 0 : i32
      %dma_start3A_183 = arith.constant 0 : i32
      %dma_start3A_184 = tpu.memref_slice %arg5[%dma_start3A_182, %dma_start3A_183] : memref<10240x128xf32, #tpu.memory_space<vmem_shared>> -> memref<10240x128xf32, #tpu.memory_space<vmem_shared>>
      tpu.enqueue_indirect_dma source(%arg11 : memref<128x128xf32, #tpu.memory_space<vmem>>) target(%dma_start3A_184 : memref<10240x128xf32, #tpu.memory_space<vmem_shared>>) offsets(%dma_start3A_181 : memref<128xi32, #tpu.memory_space<vmem>>) semaphore(%arg19 : memref<!tpu.dma_semaphore, #tpu.memory_space<semaphore_mem>>) {add = true}
      %mul3A_185 = arith.constant 4 : i32
      %mul3A_186 = arith.muli %while3A_118, %mul3A_185 : i32
      %add3A_187 = arith.constant 2 : i32
      %add3A_188 = arith.addi %mul3A_186, %add3A_187 : i32
      %ge3A_189 = arith.constant 1 : i32
      %ge3A_190 = arith.cmpi sge, %add3A_188, %ge3A_189 : i32
      %convert_element_type3A_191 = arith.extui %ge3A_190 : i1 to i32
      %cond3A_192 = arith.constant 0 : i32
      %cond3A_193 = arith.cmpi ne, %convert_element_type3A_191, %cond3A_192 : i32
      scf.if %cond3A_193 {
        %dma_wait3A_255 = arith.constant 1 : i32
        %dma_wait3A_256 = arith.constant 0 : i32
        %dma_wait3A_257 = tpu.memref_slice %arg7[%dma_wait3A_255, %dma_wait3A_256] : memref<2x128xi32, #tpu.memory_space<vmem>> -> memref<1x128xi32, #tpu.memory_space<vmem>>
        %dma_wait3A_258 = tpu.memref_squeeze %dma_wait3A_257 : memref<1x128xi32, #tpu.memory_space<vmem>> -> memref<128xi32, #tpu.memory_space<vmem>>
        %dma_wait3A_259 = arith.constant 0 : i32
        %dma_wait3A_260 = arith.constant 0 : i32
        %dma_wait3A_261 = tpu.memref_slice %arg5[%dma_wait3A_259, %dma_wait3A_260] : memref<10240x128xf32, #tpu.memory_space<vmem_shared>> -> memref<10240x128xf32, #tpu.memory_space<vmem_shared>>
        tpu.wait_indirect_dma semaphore(%arg19 : memref<!tpu.dma_semaphore, #tpu.memory_space<semaphore_mem>>) src(%arg11 : memref<128x128xf32, #tpu.memory_space<vmem>>) dst(%dma_wait3A_261 : memref<10240x128xf32, #tpu.memory_space<vmem_shared>>)
      } else {
      }
      %add3A_194 = arith.constant 3 : i32
      %add3A_195 = arith.addi %add3A_188, %add3A_194 : i32
      %lt3A_196 = arith.cmpi slt, %add3A_195, %select_n3A : i32
      %convert_element_type3A_197 = arith.extui %lt3A_196 : i1 to i32
      %cond3A_198 = arith.constant 0 : i32
      %cond3A_199 = arith.cmpi ne, %convert_element_type3A_197, %cond3A_198 : i32
      scf.if %cond3A_199 {
        %add3A_255 = arith.constant 3 : i32
        %add3A_256 = arith.addi %add3A_188, %add3A_255 : i32
        %add3A_257 = arith.addi %select_n3A_8, %add3A_256 : i32
        %dma_start3A_258 = arith.constant 0 : i32
        %dma_start3A_259 = arith.constant 0 : i32
        %dma_start3A_260 = tpu.memref_slice %arg2[%add3A_257, %dma_start3A_258, %dma_start3A_259] : memref<2560x2x128xi32, #tpu.memory_space<hbm>> -> memref<1x2x128xi32, #tpu.memory_space<hbm>>
        %dma_start3A_261 = tpu.memref_squeeze %dma_start3A_260 : memref<1x2x128xi32, #tpu.memory_space<hbm>> -> memref<2x128xi32, #tpu.memory_space<hbm>>
        %dma_start3A_262 = arith.constant 0 : i32
        %dma_start3A_263 = arith.constant 0 : i32
        %dma_start3A_264 = tpu.memref_slice %arg2[%add3A_257, %dma_start3A_262, %dma_start3A_263] : memref<2560x2x128xi32, #tpu.memory_space<hbm>> -> memref<1x2x128xi32, #tpu.memory_space<hbm>>
        %dma_start3A_265 = tpu.memref_squeeze %dma_start3A_264 : memref<1x2x128xi32, #tpu.memory_space<hbm>> -> memref<2x128xi32, #tpu.memory_space<hbm>>
        tpu.enqueue_dma source(%dma_start3A_265 : memref<2x128xi32, #tpu.memory_space<hbm>>) target(%arg7 : memref<2x128xi32, #tpu.memory_space<vmem>>) target_semaphore(%arg13 : memref<!tpu.dma_semaphore, #tpu.memory_space<semaphore_mem>>)
      } else {
      }
      %add3A_200 = arith.constant 1 : i32
      %add3A_201 = arith.addi %add3A_188, %add3A_200 : i32
      %lt3A_202 = arith.cmpi slt, %add3A_201, %select_n3A : i32
      %convert_element_type3A_203 = arith.extui %lt3A_202 : i1 to i32
      %cond3A_204 = arith.constant 0 : i32
      %cond3A_205 = arith.cmpi ne, %convert_element_type3A_203, %cond3A_204 : i32
      scf.if %cond3A_205 {
        %add3A_255 = arith.constant 1 : i32
        %add3A_256 = arith.addi %add3A_188, %add3A_255 : i32
        %add3A_257 = arith.addi %select_n3A_8, %add3A_256 : i32
        %dma_wait3A_258 = arith.constant 0 : i32
        %dma_wait3A_259 = arith.constant 0 : i32
        %dma_wait3A_260 = tpu.memref_slice %arg2[%add3A_257, %dma_wait3A_258, %dma_wait3A_259] : memref<2560x2x128xi32, #tpu.memory_space<hbm>> -> memref<1x2x128xi32, #tpu.memory_space<hbm>>
        %dma_wait3A_261 = tpu.memref_squeeze %dma_wait3A_260 : memref<1x2x128xi32, #tpu.memory_space<hbm>> -> memref<2x128xi32, #tpu.memory_space<hbm>>
        %dma_wait3A_262 = arith.constant 0 : i32
        %dma_wait3A_263 = arith.constant 0 : i32
        %dma_wait3A_264 = tpu.memref_slice %arg2[%add3A_257, %dma_wait3A_262, %dma_wait3A_263] : memref<2560x2x128xi32, #tpu.memory_space<hbm>> -> memref<1x2x128xi32, #tpu.memory_space<hbm>>
        %dma_wait3A_265 = tpu.memref_squeeze %dma_wait3A_264 : memref<1x2x128xi32, #tpu.memory_space<hbm>> -> memref<2x128xi32, #tpu.memory_space<hbm>>
        tpu.wait_dma2 semaphore(%arg15 : memref<!tpu.dma_semaphore, #tpu.memory_space<semaphore_mem>>) src(%dma_wait3A_265 : memref<2x128xi32, #tpu.memory_space<hbm>>) dst(%arg9 : memref<2x128xi32, #tpu.memory_space<vmem>>)
        %dma_start3A_266 = arith.constant 0 : i32
        %dma_start3A_267 = arith.constant 0 : i32
        %dma_start3A_268 = tpu.memref_slice %arg9[%dma_start3A_266, %dma_start3A_267] : memref<2x128xi32, #tpu.memory_space<vmem>> -> memref<1x128xi32, #tpu.memory_space<vmem>>
        %dma_start3A_269 = tpu.memref_squeeze %dma_start3A_268 : memref<1x128xi32, #tpu.memory_space<vmem>> -> memref<128xi32, #tpu.memory_space<vmem>>
        %dma_start3A_270 = arith.constant 0 : i32
        %dma_start3A_271 = arith.constant 0 : i32
        %dma_start3A_272 = tpu.memref_slice %arg3[%dma_start3A_270, %dma_start3A_271] : memref<10000x128xf32, #tpu.memory_space<hbm>> -> memref<10000x128xf32, #tpu.memory_space<hbm>>
        tpu.enqueue_indirect_dma source(%dma_start3A_272 : memref<10000x128xf32, #tpu.memory_space<hbm>>) target(%arg11 : memref<128x128xf32, #tpu.memory_space<vmem>>) offsets(%dma_start3A_269 : memref<128xi32, #tpu.memory_space<vmem>>) semaphore(%arg17 : memref<!tpu.dma_semaphore, #tpu.memory_space<semaphore_mem>>)
      } else {
      }
      %dma_wait3A_206 = arith.constant 0 : i32
      %dma_wait3A_207 = arith.constant 0 : i32
      %dma_wait3A_208 = tpu.memref_slice %arg8[%dma_wait3A_206, %dma_wait3A_207] : memref<2x128xi32, #tpu.memory_space<vmem>> -> memref<1x128xi32, #tpu.memory_space<vmem>>
      %dma_wait3A_209 = tpu.memref_squeeze %dma_wait3A_208 : memref<1x128xi32, #tpu.memory_space<vmem>> -> memref<128xi32, #tpu.memory_space<vmem>>
      %dma_wait3A_210 = arith.constant 0 : i32
      %dma_wait3A_211 = arith.constant 0 : i32
      %dma_wait3A_212 = tpu.memref_slice %arg3[%dma_wait3A_210, %dma_wait3A_211] : memref<10000x128xf32, #tpu.memory_space<hbm>> -> memref<10000x128xf32, #tpu.memory_space<hbm>>
      tpu.wait_indirect_dma semaphore(%arg16 : memref<!tpu.dma_semaphore, #tpu.memory_space<semaphore_mem>>) src(%dma_wait3A_212 : memref<10000x128xf32, #tpu.memory_space<hbm>>) dst(%arg10 : memref<128x128xf32, #tpu.memory_space<vmem>>)
      %dma_start3A_213 = arith.constant 1 : i32
      %dma_start3A_214 = arith.constant 0 : i32
      %dma_start3A_215 = tpu.memref_slice %arg8[%dma_start3A_213, %dma_start3A_214] : memref<2x128xi32, #tpu.memory_space<vmem>> -> memref<1x128xi32, #tpu.memory_space<vmem>>
      %dma_start3A_216 = tpu.memref_squeeze %dma_start3A_215 : memref<1x128xi32, #tpu.memory_space<vmem>> -> memref<128xi32, #tpu.memory_space<vmem>>
      %dma_start3A_217 = arith.constant 0 : i32
      %dma_start3A_218 = arith.constant 0 : i32
      %dma_start3A_219 = tpu.memref_slice %arg5[%dma_start3A_217, %dma_start3A_218] : memref<10240x128xf32, #tpu.memory_space<vmem_shared>> -> memref<10240x128xf32, #tpu.memory_space<vmem_shared>>
      tpu.enqueue_indirect_dma source(%arg10 : memref<128x128xf32, #tpu.memory_space<vmem>>) target(%dma_start3A_219 : memref<10240x128xf32, #tpu.memory_space<vmem_shared>>) offsets(%dma_start3A_216 : memref<128xi32, #tpu.memory_space<vmem>>) semaphore(%arg18 : memref<!tpu.dma_semaphore, #tpu.memory_space<semaphore_mem>>) {add = true}
      %mul3A_220 = arith.constant 4 : i32
      %mul3A_221 = arith.muli %while3A_118, %mul3A_220 : i32
      %add3A_222 = arith.constant 3 : i32
      %add3A_223 = arith.addi %mul3A_221, %add3A_222 : i32
      %ge3A_224 = arith.constant 1 : i32
      %ge3A_225 = arith.cmpi sge, %add3A_223, %ge3A_224 : i32
      %convert_element_type3A_226 = arith.extui %ge3A_225 : i1 to i32
      %cond3A_227 = arith.constant 0 : i32
      %cond3A_228 = arith.cmpi ne, %convert_element_type3A_226, %cond3A_227 : i32
      scf.if %cond3A_228 {
        %dma_wait3A_255 = arith.constant 1 : i32
        %dma_wait3A_256 = arith.constant 0 : i32
        %dma_wait3A_257 = tpu.memref_slice %arg8[%dma_wait3A_255, %dma_wait3A_256] : memref<2x128xi32, #tpu.memory_space<vmem>> -> memref<1x128xi32, #tpu.memory_space<vmem>>
        %dma_wait3A_258 = tpu.memref_squeeze %dma_wait3A_257 : memref<1x128xi32, #tpu.memory_space<vmem>> -> memref<128xi32, #tpu.memory_space<vmem>>
        %dma_wait3A_259 = arith.constant 0 : i32
        %dma_wait3A_260 = arith.constant 0 : i32
        %dma_wait3A_261 = tpu.memref_slice %arg5[%dma_wait3A_259, %dma_wait3A_260] : memref<10240x128xf32, #tpu.memory_space<vmem_shared>> -> memref<10240x128xf32, #tpu.memory_space<vmem_shared>>
        tpu.wait_indirect_dma semaphore(%arg18 : memref<!tpu.dma_semaphore, #tpu.memory_space<semaphore_mem>>) src(%arg10 : memref<128x128xf32, #tpu.memory_space<vmem>>) dst(%dma_wait3A_261 : memref<10240x128xf32, #tpu.memory_space<vmem_shared>>)
      } else {
      }
      %add3A_229 = arith.constant 3 : i32
      %add3A_230 = arith.addi %add3A_223, %add3A_229 : i32
      %lt3A_231 = arith.cmpi slt, %add3A_230, %select_n3A : i32
      %convert_element_type3A_232 = arith.extui %lt3A_231 : i1 to i32
      %cond3A_233 = arith.constant 0 : i32
      %cond3A_234 = arith.cmpi ne, %convert_element_type3A_232, %cond3A_233 : i32
      scf.if %cond3A_234 {
        %add3A_255 = arith.constant 3 : i32
        %add3A_256 = arith.addi %add3A_223, %add3A_255 : i32
        %add3A_257 = arith.addi %select_n3A_8, %add3A_256 : i32
        %dma_start3A_258 = arith.constant 0 : i32
        %dma_start3A_259 = arith.constant 0 : i32
        %dma_start3A_260 = tpu.memref_slice %arg2[%add3A_257, %dma_start3A_258, %dma_start3A_259] : memref<2560x2x128xi32, #tpu.memory_space<hbm>> -> memref<1x2x128xi32, #tpu.memory_space<hbm>>
        %dma_start3A_261 = tpu.memref_squeeze %dma_start3A_260 : memref<1x2x128xi32, #tpu.memory_space<hbm>> -> memref<2x128xi32, #tpu.memory_space<hbm>>
        %dma_start3A_262 = arith.constant 0 : i32
        %dma_start3A_263 = arith.constant 0 : i32
        %dma_start3A_264 = tpu.memref_slice %arg2[%add3A_257, %dma_start3A_262, %dma_start3A_263] : memref<2560x2x128xi32, #tpu.memory_space<hbm>> -> memref<1x2x128xi32, #tpu.memory_space<hbm>>
        %dma_start3A_265 = tpu.memref_squeeze %dma_start3A_264 : memref<1x2x128xi32, #tpu.memory_space<hbm>> -> memref<2x128xi32, #tpu.memory_space<hbm>>
        tpu.enqueue_dma source(%dma_start3A_265 : memref<2x128xi32, #tpu.memory_space<hbm>>) target(%arg8 : memref<2x128xi32, #tpu.memory_space<vmem>>) target_semaphore(%arg14 : memref<!tpu.dma_semaphore, #tpu.memory_space<semaphore_mem>>)
      } else {
      }
      %add3A_235 = arith.constant 1 : i32
      %add3A_236 = arith.addi %add3A_223, %add3A_235 : i32
      %lt3A_237 = arith.cmpi slt, %add3A_236, %select_n3A : i32
      %convert_element_type3A_238 = arith.extui %lt3A_237 : i1 to i32
      %cond3A_239 = arith.constant 0 : i32
      %cond3A_240 = arith.cmpi ne, %convert_element_type3A_238, %cond3A_239 : i32
      scf.if %cond3A_240 {
        %add3A_255 = arith.constant 1 : i32
        %add3A_256 = arith.addi %add3A_223, %add3A_255 : i32
        %add3A_257 = arith.addi %select_n3A_8, %add3A_256 : i32
        %dma_wait3A_258 = arith.constant 0 : i32
        %dma_wait3A_259 = arith.constant 0 : i32
        %dma_wait3A_260 = tpu.memref_slice %arg2[%add3A_257, %dma_wait3A_258, %dma_wait3A_259] : memref<2560x2x128xi32, #tpu.memory_space<hbm>> -> memref<1x2x128xi32, #tpu.memory_space<hbm>>
        %dma_wait3A_261 = tpu.memref_squeeze %dma_wait3A_260 : memref<1x2x128xi32, #tpu.memory_space<hbm>> -> memref<2x128xi32, #tpu.memory_space<hbm>>
        %dma_wait3A_262 = arith.constant 0 : i32
        %dma_wait3A_263 = arith.constant 0 : i32
        %dma_wait3A_264 = tpu.memref_slice %arg2[%add3A_257, %dma_wait3A_262, %dma_wait3A_263] : memref<2560x2x128xi32, #tpu.memory_space<hbm>> -> memref<1x2x128xi32, #tpu.memory_space<hbm>>
        %dma_wait3A_265 = tpu.memref_squeeze %dma_wait3A_264 : memref<1x2x128xi32, #tpu.memory_space<hbm>> -> memref<2x128xi32, #tpu.memory_space<hbm>>
        tpu.wait_dma2 semaphore(%arg12 : memref<!tpu.dma_semaphore, #tpu.memory_space<semaphore_mem>>) src(%dma_wait3A_265 : memref<2x128xi32, #tpu.memory_space<hbm>>) dst(%arg6 : memref<2x128xi32, #tpu.memory_space<vmem>>)
        %dma_start3A_266 = arith.constant 0 : i32
        %dma_start3A_267 = arith.constant 0 : i32
        %dma_start3A_268 = tpu.memref_slice %arg6[%dma_start3A_266, %dma_start3A_267] : memref<2x128xi32, #tpu.memory_space<vmem>> -> memref<1x128xi32, #tpu.memory_space<vmem>>
        %dma_start3A_269 = tpu.memref_squeeze %dma_start3A_268 : memref<1x128xi32, #tpu.memory_space<vmem>> -> memref<128xi32, #tpu.memory_space<vmem>>
        %dma_start3A_270 = arith.constant 0 : i32
        %dma_start3A_271 = arith.constant 0 : i32
        %dma_start3A_272 = tpu.memref_slice %arg3[%dma_start3A_270, %dma_start3A_271] : memref<10000x128xf32, #tpu.memory_space<hbm>> -> memref<10000x128xf32, #tpu.memory_space<hbm>>
        tpu.enqueue_indirect_dma source(%dma_start3A_272 : memref<10000x128xf32, #tpu.memory_space<hbm>>) target(%arg10 : memref<128x128xf32, #tpu.memory_space<vmem>>) offsets(%dma_start3A_269 : memref<128xi32, #tpu.memory_space<vmem>>) semaphore(%arg16 : memref<!tpu.dma_semaphore, #tpu.memory_space<semaphore_mem>>)
      } else {
      }
      %dma_wait3A_241 = arith.constant 0 : i32
      %dma_wait3A_242 = arith.constant 0 : i32
      %dma_wait3A_243 = tpu.memref_slice %arg9[%dma_wait3A_241, %dma_wait3A_242] : memref<2x128xi32, #tpu.memory_space<vmem>> -> memref<1x128xi32, #tpu.memory_space<vmem>>
      %dma_wait3A_244 = tpu.memref_squeeze %dma_wait3A_243 : memref<1x128xi32, #tpu.memory_space<vmem>> -> memref<128xi32, #tpu.memory_space<vmem>>
      %dma_wait3A_245 = arith.constant 0 : i32
      %dma_wait3A_246 = arith.constant 0 : i32
      %dma_wait3A_247 = tpu.memref_slice %arg3[%dma_wait3A_245, %dma_wait3A_246] : memref<10000x128xf32, #tpu.memory_space<hbm>> -> memref<10000x128xf32, #tpu.memory_space<hbm>>
      tpu.wait_indirect_dma semaphore(%arg17 : memref<!tpu.dma_semaphore, #tpu.memory_space<semaphore_mem>>) src(%dma_wait3A_247 : memref<10000x128xf32, #tpu.memory_space<hbm>>) dst(%arg11 : memref<128x128xf32, #tpu.memory_space<vmem>>)
      %dma_start3A_248 = arith.constant 1 : i32
      %dma_start3A_249 = arith.constant 0 : i32
      %dma_start3A_250 = tpu.memref_slice %arg9[%dma_start3A_248, %dma_start3A_249] : memref<2x128xi32, #tpu.memory_space<vmem>> -> memref<1x128xi32, #tpu.memory_space<vmem>>
      %dma_start3A_251 = tpu.memref_squeeze %dma_start3A_250 : memref<1x128xi32, #tpu.memory_space<vmem>> -> memref<128xi32, #tpu.memory_space<vmem>>
      %dma_start3A_252 = arith.constant 0 : i32
      %dma_start3A_253 = arith.constant 0 : i32
      %dma_start3A_254 = tpu.memref_slice %arg5[%dma_start3A_252, %dma_start3A_253] : memref<10240x128xf32, #tpu.memory_space<vmem_shared>> -> memref<10240x128xf32, #tpu.memory_space<vmem_shared>>
      tpu.enqueue_indirect_dma source(%arg11 : memref<128x128xf32, #tpu.memory_space<vmem>>) target(%dma_start3A_254 : memref<10240x128xf32, #tpu.memory_space<vmem_shared>>) offsets(%dma_start3A_251 : memref<128xi32, #tpu.memory_space<vmem>>) semaphore(%arg19 : memref<!tpu.dma_semaphore, #tpu.memory_space<semaphore_mem>>) {add = true}
    }
    %while3A_105 = arith.constant 1 : i32
    scf.for %while3A_118 = %while3A_103 to %while3A_99 step %while3A_105  : i32 {
      %mul3A_119 = arith.constant 4 : i32
      %mul3A_120 = arith.muli %while3A_118, %mul3A_119 : i32
      %add3A_121 = arith.constant 0 : i32
      %add3A_122 = arith.addi %mul3A_120, %add3A_121 : i32
      %ge3A = arith.constant 1 : i32
      %ge3A_123 = arith.cmpi sge, %add3A_122, %ge3A : i32
      %convert_element_type3A = arith.extui %ge3A_123 : i1 to i32
      %cond3A = arith.constant 0 : i32
      %cond3A_124 = arith.cmpi ne, %convert_element_type3A, %cond3A : i32
      scf.if %cond3A_124 {
        %dma_wait3A_255 = arith.constant 1 : i32
        %dma_wait3A_256 = arith.constant 0 : i32
        %dma_wait3A_257 = tpu.memref_slice %arg9[%dma_wait3A_255, %dma_wait3A_256] : memref<2x128xi32, #tpu.memory_space<vmem>> -> memref<1x128xi32, #tpu.memory_space<vmem>>
        %dma_wait3A_258 = tpu.memref_squeeze %dma_wait3A_257 : memref<1x128xi32, #tpu.memory_space<vmem>> -> memref<128xi32, #tpu.memory_space<vmem>>
        %dma_wait3A_259 = arith.constant 0 : i32
        %dma_wait3A_260 = arith.constant 0 : i32
        %dma_wait3A_261 = tpu.memref_slice %arg5[%dma_wait3A_259, %dma_wait3A_260] : memref<10240x128xf32, #tpu.memory_space<vmem_shared>> -> memref<10240x128xf32, #tpu.memory_space<vmem_shared>>
        tpu.wait_indirect_dma semaphore(%arg19 : memref<!tpu.dma_semaphore, #tpu.memory_space<semaphore_mem>>) src(%arg11 : memref<128x128xf32, #tpu.memory_space<vmem>>) dst(%dma_wait3A_261 : memref<10240x128xf32, #tpu.memory_space<vmem_shared>>)
      } else {
      }
      %add3A_125 = arith.constant 3 : i32
      %add3A_126 = arith.addi %add3A_122, %add3A_125 : i32
      %lt3A = arith.cmpi slt, %add3A_126, %select_n3A : i32
      %convert_element_type3A_127 = arith.extui %lt3A : i1 to i32
      %cond3A_128 = arith.constant 0 : i32
      %cond3A_129 = arith.cmpi ne, %convert_element_type3A_127, %cond3A_128 : i32
      scf.if %cond3A_129 {
        %add3A_255 = arith.constant 3 : i32
        %add3A_256 = arith.addi %add3A_122, %add3A_255 : i32
        %add3A_257 = arith.addi %select_n3A_8, %add3A_256 : i32
        %dma_start3A_258 = arith.constant 0 : i32
        %dma_start3A_259 = arith.constant 0 : i32
        %dma_start3A_260 = tpu.memref_slice %arg2[%add3A_257, %dma_start3A_258, %dma_start3A_259] : memref<2560x2x128xi32, #tpu.memory_space<hbm>> -> memref<1x2x128xi32, #tpu.memory_space<hbm>>
        %dma_start3A_261 = tpu.memref_squeeze %dma_start3A_260 : memref<1x2x128xi32, #tpu.memory_space<hbm>> -> memref<2x128xi32, #tpu.memory_space<hbm>>
        %dma_start3A_262 = arith.constant 0 : i32
        %dma_start3A_263 = arith.constant 0 : i32
        %dma_start3A_264 = tpu.memref_slice %arg2[%add3A_257, %dma_start3A_262, %dma_start3A_263] : memref<2560x2x128xi32, #tpu.memory_space<hbm>> -> memref<1x2x128xi32, #tpu.memory_space<hbm>>
        %dma_start3A_265 = tpu.memref_squeeze %dma_start3A_264 : memref<1x2x128xi32, #tpu.memory_space<hbm>> -> memref<2x128xi32, #tpu.memory_space<hbm>>
        tpu.enqueue_dma source(%dma_start3A_265 : memref<2x128xi32, #tpu.memory_space<hbm>>) target(%arg9 : memref<2x128xi32, #tpu.memory_space<vmem>>) target_semaphore(%arg15 : memref<!tpu.dma_semaphore, #tpu.memory_space<semaphore_mem>>)
      } else {
      }
      %add3A_130 = arith.constant 1 : i32
      %add3A_131 = arith.addi %add3A_122, %add3A_130 : i32
      %lt3A_132 = arith.cmpi slt, %add3A_131, %select_n3A : i32
      %convert_element_type3A_133 = arith.extui %lt3A_132 : i1 to i32
      %cond3A_134 = arith.constant 0 : i32
      %cond3A_135 = arith.cmpi ne, %convert_element_type3A_133, %cond3A_134 : i32
      scf.if %cond3A_135 {
        %add3A_255 = arith.constant 1 : i32
        %add3A_256 = arith.addi %add3A_122, %add3A_255 : i32
        %add3A_257 = arith.addi %select_n3A_8, %add3A_256 : i32
        %dma_wait3A_258 = arith.constant 0 : i32
        %dma_wait3A_259 = arith.constant 0 : i32
        %dma_wait3A_260 = tpu.memref_slice %arg2[%add3A_257, %dma_wait3A_258, %dma_wait3A_259] : memref<2560x2x128xi32, #tpu.memory_space<hbm>> -> memref<1x2x128xi32, #tpu.memory_space<hbm>>
        %dma_wait3A_261 = tpu.memref_squeeze %dma_wait3A_260 : memref<1x2x128xi32, #tpu.memory_space<hbm>> -> memref<2x128xi32, #tpu.memory_space<hbm>>
        %dma_wait3A_262 = arith.constant 0 : i32
        %dma_wait3A_263 = arith.constant 0 : i32
        %dma_wait3A_264 = tpu.memref_slice %arg2[%add3A_257, %dma_wait3A_262, %dma_wait3A_263] : memref<2560x2x128xi32, #tpu.memory_space<hbm>> -> memref<1x2x128xi32, #tpu.memory_space<hbm>>
        %dma_wait3A_265 = tpu.memref_squeeze %dma_wait3A_264 : memref<1x2x128xi32, #tpu.memory_space<hbm>> -> memref<2x128xi32, #tpu.memory_space<hbm>>
        tpu.wait_dma2 semaphore(%arg13 : memref<!tpu.dma_semaphore, #tpu.memory_space<semaphore_mem>>) src(%dma_wait3A_265 : memref<2x128xi32, #tpu.memory_space<hbm>>) dst(%arg7 : memref<2x128xi32, #tpu.memory_space<vmem>>)
        %dma_start3A_266 = arith.constant 0 : i32
        %dma_start3A_267 = arith.constant 0 : i32
        %dma_start3A_268 = tpu.memref_slice %arg7[%dma_start3A_266, %dma_start3A_267] : memref<2x128xi32, #tpu.memory_space<vmem>> -> memref<1x128xi32, #tpu.memory_space<vmem>>
        %dma_start3A_269 = tpu.memref_squeeze %dma_start3A_268 : memref<1x128xi32, #tpu.memory_space<vmem>> -> memref<128xi32, #tpu.memory_space<vmem>>
        %dma_start3A_270 = arith.constant 0 : i32
        %dma_start3A_271 = arith.constant 0 : i32
        %dma_start3A_272 = tpu.memref_slice %arg3[%dma_start3A_270, %dma_start3A_271] : memref<10000x128xf32, #tpu.memory_space<hbm>> -> memref<10000x128xf32, #tpu.memory_space<hbm>>
        tpu.enqueue_indirect_dma source(%dma_start3A_272 : memref<10000x128xf32, #tpu.memory_space<hbm>>) target(%arg11 : memref<128x128xf32, #tpu.memory_space<vmem>>) offsets(%dma_start3A_269 : memref<128xi32, #tpu.memory_space<vmem>>) semaphore(%arg17 : memref<!tpu.dma_semaphore, #tpu.memory_space<semaphore_mem>>)
      } else {
      }
      %dma_wait3A_136 = arith.constant 0 : i32
      %dma_wait3A_137 = arith.constant 0 : i32
      %dma_wait3A_138 = tpu.memref_slice %arg6[%dma_wait3A_136, %dma_wait3A_137] : memref<2x128xi32, #tpu.memory_space<vmem>> -> memref<1x128xi32, #tpu.memory_space<vmem>>
      %dma_wait3A_139 = tpu.memref_squeeze %dma_wait3A_138 : memref<1x128xi32, #tpu.memory_space<vmem>> -> memref<128xi32, #tpu.memory_space<vmem>>
      %dma_wait3A_140 = arith.constant 0 : i32
      %dma_wait3A_141 = arith.constant 0 : i32
      %dma_wait3A_142 = tpu.memref_slice %arg3[%dma_wait3A_140, %dma_wait3A_141] : memref<10000x128xf32, #tpu.memory_space<hbm>> -> memref<10000x128xf32, #tpu.memory_space<hbm>>
      tpu.wait_indirect_dma semaphore(%arg16 : memref<!tpu.dma_semaphore, #tpu.memory_space<semaphore_mem>>) src(%dma_wait3A_142 : memref<10000x128xf32, #tpu.memory_space<hbm>>) dst(%arg10 : memref<128x128xf32, #tpu.memory_space<vmem>>)
      %dma_start3A_143 = arith.constant 1 : i32
      %dma_start3A_144 = arith.constant 0 : i32
      %dma_start3A_145 = tpu.memref_slice %arg6[%dma_start3A_143, %dma_start3A_144] : memref<2x128xi32, #tpu.memory_space<vmem>> -> memref<1x128xi32, #tpu.memory_space<vmem>>
      %dma_start3A_146 = tpu.memref_squeeze %dma_start3A_145 : memref<1x128xi32, #tpu.memory_space<vmem>> -> memref<128xi32, #tpu.memory_space<vmem>>
      %dma_start3A_147 = arith.constant 0 : i32
      %dma_start3A_148 = arith.constant 0 : i32
      %dma_start3A_149 = tpu.memref_slice %arg5[%dma_start3A_147, %dma_start3A_148] : memref<10240x128xf32, #tpu.memory_space<vmem_shared>> -> memref<10240x128xf32, #tpu.memory_space<vmem_shared>>
      tpu.enqueue_indirect_dma source(%arg10 : memref<128x128xf32, #tpu.memory_space<vmem>>) target(%dma_start3A_149 : memref<10240x128xf32, #tpu.memory_space<vmem_shared>>) offsets(%dma_start3A_146 : memref<128xi32, #tpu.memory_space<vmem>>) semaphore(%arg18 : memref<!tpu.dma_semaphore, #tpu.memory_space<semaphore_mem>>) {add = true}
      %mul3A_150 = arith.constant 4 : i32
      %mul3A_151 = arith.muli %while3A_118, %mul3A_150 : i32
      %add3A_152 = arith.constant 1 : i32
      %add3A_153 = arith.addi %mul3A_151, %add3A_152 : i32
      %ge3A_154 = arith.constant 1 : i32
      %ge3A_155 = arith.cmpi sge, %add3A_153, %ge3A_154 : i32
      %convert_element_type3A_156 = arith.extui %ge3A_155 : i1 to i32
      %cond3A_157 = arith.constant 0 : i32
      %cond3A_158 = arith.cmpi ne, %convert_element_type3A_156, %cond3A_157 : i32
      scf.if %cond3A_158 {
        %dma_wait3A_255 = arith.constant 1 : i32
        %dma_wait3A_256 = arith.constant 0 : i32
        %dma_wait3A_257 = tpu.memref_slice %arg6[%dma_wait3A_255, %dma_wait3A_256] : memref<2x128xi32, #tpu.memory_space<vmem>> -> memref<1x128xi32, #tpu.memory_space<vmem>>
        %dma_wait3A_258 = tpu.memref_squeeze %dma_wait3A_257 : memref<1x128xi32, #tpu.memory_space<vmem>> -> memref<128xi32, #tpu.memory_space<vmem>>
        %dma_wait3A_259 = arith.constant 0 : i32
        %dma_wait3A_260 = arith.constant 0 : i32
        %dma_wait3A_261 = tpu.memref_slice %arg5[%dma_wait3A_259, %dma_wait3A_260] : memref<10240x128xf32, #tpu.memory_space<vmem_shared>> -> memref<10240x128xf32, #tpu.memory_space<vmem_shared>>
        tpu.wait_indirect_dma semaphore(%arg18 : memref<!tpu.dma_semaphore, #tpu.memory_space<semaphore_mem>>) src(%arg10 : memref<128x128xf32, #tpu.memory_space<vmem>>) dst(%dma_wait3A_261 : memref<10240x128xf32, #tpu.memory_space<vmem_shared>>)
      } else {
      }
      %add3A_159 = arith.constant 3 : i32
      %add3A_160 = arith.addi %add3A_153, %add3A_159 : i32
      %lt3A_161 = arith.cmpi slt, %add3A_160, %select_n3A : i32
      %convert_element_type3A_162 = arith.extui %lt3A_161 : i1 to i32
      %cond3A_163 = arith.constant 0 : i32
      %cond3A_164 = arith.cmpi ne, %convert_element_type3A_162, %cond3A_163 : i32
      scf.if %cond3A_164 {
        %add3A_255 = arith.constant 3 : i32
        %add3A_256 = arith.addi %add3A_153, %add3A_255 : i32
        %add3A_257 = arith.addi %select_n3A_8, %add3A_256 : i32
        %dma_start3A_258 = arith.constant 0 : i32
        %dma_start3A_259 = arith.constant 0 : i32
        %dma_start3A_260 = tpu.memref_slice %arg2[%add3A_257, %dma_start3A_258, %dma_start3A_259] : memref<2560x2x128xi32, #tpu.memory_space<hbm>> -> memref<1x2x128xi32, #tpu.memory_space<hbm>>
        %dma_start3A_261 = tpu.memref_squeeze %dma_start3A_260 : memref<1x2x128xi32, #tpu.memory_space<hbm>> -> memref<2x128xi32, #tpu.memory_space<hbm>>
        %dma_start3A_262 = arith.constant 0 : i32
        %dma_start3A_263 = arith.constant 0 : i32
        %dma_start3A_264 = tpu.memref_slice %arg2[%add3A_257, %dma_start3A_262, %dma_start3A_263] : memref<2560x2x128xi32, #tpu.memory_space<hbm>> -> memref<1x2x128xi32, #tpu.memory_space<hbm>>
        %dma_start3A_265 = tpu.memref_squeeze %dma_start3A_264 : memref<1x2x128xi32, #tpu.memory_space<hbm>> -> memref<2x128xi32, #tpu.memory_space<hbm>>
        tpu.enqueue_dma source(%dma_start3A_265 : memref<2x128xi32, #tpu.memory_space<hbm>>) target(%arg6 : memref<2x128xi32, #tpu.memory_space<vmem>>) target_semaphore(%arg12 : memref<!tpu.dma_semaphore, #tpu.memory_space<semaphore_mem>>)
      } else {
      }
      %add3A_165 = arith.constant 1 : i32
      %add3A_166 = arith.addi %add3A_153, %add3A_165 : i32
      %lt3A_167 = arith.cmpi slt, %add3A_166, %select_n3A : i32
      %convert_element_type3A_168 = arith.extui %lt3A_167 : i1 to i32
      %cond3A_169 = arith.constant 0 : i32
      %cond3A_170 = arith.cmpi ne, %convert_element_type3A_168, %cond3A_169 : i32
      scf.if %cond3A_170 {
        %add3A_255 = arith.constant 1 : i32
        %add3A_256 = arith.addi %add3A_153, %add3A_255 : i32
        %add3A_257 = arith.addi %select_n3A_8, %add3A_256 : i32
        %dma_wait3A_258 = arith.constant 0 : i32
        %dma_wait3A_259 = arith.constant 0 : i32
        %dma_wait3A_260 = tpu.memref_slice %arg2[%add3A_257, %dma_wait3A_258, %dma_wait3A_259] : memref<2560x2x128xi32, #tpu.memory_space<hbm>> -> memref<1x2x128xi32, #tpu.memory_space<hbm>>
        %dma_wait3A_261 = tpu.memref_squeeze %dma_wait3A_260 : memref<1x2x128xi32, #tpu.memory_space<hbm>> -> memref<2x128xi32, #tpu.memory_space<hbm>>
        %dma_wait3A_262 = arith.constant 0 : i32
        %dma_wait3A_263 = arith.constant 0 : i32
        %dma_wait3A_264 = tpu.memref_slice %arg2[%add3A_257, %dma_wait3A_262, %dma_wait3A_263] : memref<2560x2x128xi32, #tpu.memory_space<hbm>> -> memref<1x2x128xi32, #tpu.memory_space<hbm>>
        %dma_wait3A_265 = tpu.memref_squeeze %dma_wait3A_264 : memref<1x2x128xi32, #tpu.memory_space<hbm>> -> memref<2x128xi32, #tpu.memory_space<hbm>>
        tpu.wait_dma2 semaphore(%arg14 : memref<!tpu.dma_semaphore, #tpu.memory_space<semaphore_mem>>) src(%dma_wait3A_265 : memref<2x128xi32, #tpu.memory_space<hbm>>) dst(%arg8 : memref<2x128xi32, #tpu.memory_space<vmem>>)
        %dma_start3A_266 = arith.constant 0 : i32
        %dma_start3A_267 = arith.constant 0 : i32
        %dma_start3A_268 = tpu.memref_slice %arg8[%dma_start3A_266, %dma_start3A_267] : memref<2x128xi32, #tpu.memory_space<vmem>> -> memref<1x128xi32, #tpu.memory_space<vmem>>
        %dma_start3A_269 = tpu.memref_squeeze %dma_start3A_268 : memref<1x128xi32, #tpu.memory_space<vmem>> -> memref<128xi32, #tpu.memory_space<vmem>>
        %dma_start3A_270 = arith.constant 0 : i32
        %dma_start3A_271 = arith.constant 0 : i32
        %dma_start3A_272 = tpu.memref_slice %arg3[%dma_start3A_270, %dma_start3A_271] : memref<10000x128xf32, #tpu.memory_space<hbm>> -> memref<10000x128xf32, #tpu.memory_space<hbm>>
        tpu.enqueue_indirect_dma source(%dma_start3A_272 : memref<10000x128xf32, #tpu.memory_space<hbm>>) target(%arg10 : memref<128x128xf32, #tpu.memory_space<vmem>>) offsets(%dma_start3A_269 : memref<128xi32, #tpu.memory_space<vmem>>) semaphore(%arg16 : memref<!tpu.dma_semaphore, #tpu.memory_space<semaphore_mem>>)
      } else {
      }
      %dma_wait3A_171 = arith.constant 0 : i32
      %dma_wait3A_172 = arith.constant 0 : i32
      %dma_wait3A_173 = tpu.memref_slice %arg7[%dma_wait3A_171, %dma_wait3A_172] : memref<2x128xi32, #tpu.memory_space<vmem>> -> memref<1x128xi32, #tpu.memory_space<vmem>>
      %dma_wait3A_174 = tpu.memref_squeeze %dma_wait3A_173 : memref<1x128xi32, #tpu.memory_space<vmem>> -> memref<128xi32, #tpu.memory_space<vmem>>
      %dma_wait3A_175 = arith.constant 0 : i32
      %dma_wait3A_176 = arith.constant 0 : i32
      %dma_wait3A_177 = tpu.memref_slice %arg3[%dma_wait3A_175, %dma_wait3A_176] : memref<10000x128xf32, #tpu.memory_space<hbm>> -> memref<10000x128xf32, #tpu.memory_space<hbm>>
      tpu.wait_indirect_dma semaphore(%arg17 : memref<!tpu.dma_semaphore, #tpu.memory_space<semaphore_mem>>) src(%dma_wait3A_177 : memref<10000x128xf32, #tpu.memory_space<hbm>>) dst(%arg11 : memref<128x128xf32, #tpu.memory_space<vmem>>)
      %dma_start3A_178 = arith.constant 1 : i32
      %dma_start3A_179 = arith.constant 0 : i32
      %dma_start3A_180 = tpu.memref_slice %arg7[%dma_start3A_178, %dma_start3A_179] : memref<2x128xi32, #tpu.memory_space<vmem>> -> memref<1x128xi32, #tpu.memory_space<vmem>>
      %dma_start3A_181 = tpu.memref_squeeze %dma_start3A_180 : memref<1x128xi32, #tpu.memory_space<vmem>> -> memref<128xi32, #tpu.memory_space<vmem>>
      %dma_start3A_182 = arith.constant 0 : i32
      %dma_start3A_183 = arith.constant 0 : i32
      %dma_start3A_184 = tpu.memref_slice %arg5[%dma_start3A_182, %dma_start3A_183] : memref<10240x128xf32, #tpu.memory_space<vmem_shared>> -> memref<10240x128xf32, #tpu.memory_space<vmem_shared>>
      tpu.enqueue_indirect_dma source(%arg11 : memref<128x128xf32, #tpu.memory_space<vmem>>) target(%dma_start3A_184 : memref<10240x128xf32, #tpu.memory_space<vmem_shared>>) offsets(%dma_start3A_181 : memref<128xi32, #tpu.memory_space<vmem>>) semaphore(%arg19 : memref<!tpu.dma_semaphore, #tpu.memory_space<semaphore_mem>>) {add = true}
      %mul3A_185 = arith.constant 4 : i32
      %mul3A_186 = arith.muli %while3A_118, %mul3A_185 : i32
      %add3A_187 = arith.constant 2 : i32
      %add3A_188 = arith.addi %mul3A_186, %add3A_187 : i32
      %ge3A_189 = arith.constant 1 : i32
      %ge3A_190 = arith.cmpi sge, %add3A_188, %ge3A_189 : i32
      %convert_element_type3A_191 = arith.extui %ge3A_190 : i1 to i32
      %cond3A_192 = arith.constant 0 : i32
      %cond3A_193 = arith.cmpi ne, %convert_element_type3A_191, %cond3A_192 : i32
      scf.if %cond3A_193 {
        %dma_wait3A_255 = arith.constant 1 : i32
        %dma_wait3A_256 = arith.constant 0 : i32
        %dma_wait3A_257 = tpu.memref_slice %arg7[%dma_wait3A_255, %dma_wait3A_256] : memref<2x128xi32, #tpu.memory_space<vmem>> -> memref<1x128xi32, #tpu.memory_space<vmem>>
        %dma_wait3A_258 = tpu.memref_squeeze %dma_wait3A_257 : memref<1x128xi32, #tpu.memory_space<vmem>> -> memref<128xi32, #tpu.memory_space<vmem>>
        %dma_wait3A_259 = arith.constant 0 : i32
        %dma_wait3A_260 = arith.constant 0 : i32
        %dma_wait3A_261 = tpu.memref_slice %arg5[%dma_wait3A_259, %dma_wait3A_260] : memref<10240x128xf32, #tpu.memory_space<vmem_shared>> -> memref<10240x128xf32, #tpu.memory_space<vmem_shared>>
        tpu.wait_indirect_dma semaphore(%arg19 : memref<!tpu.dma_semaphore, #tpu.memory_space<semaphore_mem>>) src(%arg11 : memref<128x128xf32, #tpu.memory_space<vmem>>) dst(%dma_wait3A_261 : memref<10240x128xf32, #tpu.memory_space<vmem_shared>>)
      } else {
      }
      %add3A_194 = arith.constant 3 : i32
      %add3A_195 = arith.addi %add3A_188, %add3A_194 : i32
      %lt3A_196 = arith.cmpi slt, %add3A_195, %select_n3A : i32
      %convert_element_type3A_197 = arith.extui %lt3A_196 : i1 to i32
      %cond3A_198 = arith.constant 0 : i32
      %cond3A_199 = arith.cmpi ne, %convert_element_type3A_197, %cond3A_198 : i32
      scf.if %cond3A_199 {
        %add3A_255 = arith.constant 3 : i32
        %add3A_256 = arith.addi %add3A_188, %add3A_255 : i32
        %add3A_257 = arith.addi %select_n3A_8, %add3A_256 : i32
        %dma_start3A_258 = arith.constant 0 : i32
        %dma_start3A_259 = arith.constant 0 : i32
        %dma_start3A_260 = tpu.memref_slice %arg2[%add3A_257, %dma_start3A_258, %dma_start3A_259] : memref<2560x2x128xi32, #tpu.memory_space<hbm>> -> memref<1x2x128xi32, #tpu.memory_space<hbm>>
        %dma_start3A_261 = tpu.memref_squeeze %dma_start3A_260 : memref<1x2x128xi32, #tpu.memory_space<hbm>> -> memref<2x128xi32, #tpu.memory_space<hbm>>
        %dma_start3A_262 = arith.constant 0 : i32
        %dma_start3A_263 = arith.constant 0 : i32
        %dma_start3A_264 = tpu.memref_slice %arg2[%add3A_257, %dma_start3A_262, %dma_start3A_263] : memref<2560x2x128xi32, #tpu.memory_space<hbm>> -> memref<1x2x128xi32, #tpu.memory_space<hbm>>
        %dma_start3A_265 = tpu.memref_squeeze %dma_start3A_264 : memref<1x2x128xi32, #tpu.memory_space<hbm>> -> memref<2x128xi32, #tpu.memory_space<hbm>>
        tpu.enqueue_dma source(%dma_start3A_265 : memref<2x128xi32, #tpu.memory_space<hbm>>) target(%arg7 : memref<2x128xi32, #tpu.memory_space<vmem>>) target_semaphore(%arg13 : memref<!tpu.dma_semaphore, #tpu.memory_space<semaphore_mem>>)
      } else {
      }
      %add3A_200 = arith.constant 1 : i32
      %add3A_201 = arith.addi %add3A_188, %add3A_200 : i32
      %lt3A_202 = arith.cmpi slt, %add3A_201, %select_n3A : i32
      %convert_element_type3A_203 = arith.extui %lt3A_202 : i1 to i32
      %cond3A_204 = arith.constant 0 : i32
      %cond3A_205 = arith.cmpi ne, %convert_element_type3A_203, %cond3A_204 : i32
      scf.if %cond3A_205 {
        %add3A_255 = arith.constant 1 : i32
        %add3A_256 = arith.addi %add3A_188, %add3A_255 : i32
        %add3A_257 = arith.addi %select_n3A_8, %add3A_256 : i32
        %dma_wait3A_258 = arith.constant 0 : i32
        %dma_wait3A_259 = arith.constant 0 : i32
        %dma_wait3A_260 = tpu.memref_slice %arg2[%add3A_257, %dma_wait3A_258, %dma_wait3A_259] : memref<2560x2x128xi32, #tpu.memory_space<hbm>> -> memref<1x2x128xi32, #tpu.memory_space<hbm>>
        %dma_wait3A_261 = tpu.memref_squeeze %dma_wait3A_260 : memref<1x2x128xi32, #tpu.memory_space<hbm>> -> memref<2x128xi32, #tpu.memory_space<hbm>>
        %dma_wait3A_262 = arith.constant 0 : i32
        %dma_wait3A_263 = arith.constant 0 : i32
        %dma_wait3A_264 = tpu.memref_slice %arg2[%add3A_257, %dma_wait3A_262, %dma_wait3A_263] : memref<2560x2x128xi32, #tpu.memory_space<hbm>> -> memref<1x2x128xi32, #tpu.memory_space<hbm>>
        %dma_wait3A_265 = tpu.memref_squeeze %dma_wait3A_264 : memref<1x2x128xi32, #tpu.memory_space<hbm>> -> memref<2x128xi32, #tpu.memory_space<hbm>>
        tpu.wait_dma2 semaphore(%arg15 : memref<!tpu.dma_semaphore, #tpu.memory_space<semaphore_mem>>) src(%dma_wait3A_265 : memref<2x128xi32, #tpu.memory_space<hbm>>) dst(%arg9 : memref<2x128xi32, #tpu.memory_space<vmem>>)
        %dma_start3A_266 = arith.constant 0 : i32
        %dma_start3A_267 = arith.constant 0 : i32
        %dma_start3A_268 = tpu.memref_slice %arg9[%dma_start3A_266, %dma_start3A_267] : memref<2x128xi32, #tpu.memory_space<vmem>> -> memref<1x128xi32, #tpu.memory_space<vmem>>
        %dma_start3A_269 = tpu.memref_squeeze %dma_start3A_268 : memref<1x128xi32, #tpu.memory_space<vmem>> -> memref<128xi32, #tpu.memory_space<vmem>>
        %dma_start3A_270 = arith.constant 0 : i32
        %dma_start3A_271 = arith.constant 0 : i32
        %dma_start3A_272 = tpu.memref_slice %arg3[%dma_start3A_270, %dma_start3A_271] : memref<10000x128xf32, #tpu.memory_space<hbm>> -> memref<10000x128xf32, #tpu.memory_space<hbm>>
        tpu.enqueue_indirect_dma source(%dma_start3A_272 : memref<10000x128xf32, #tpu.memory_space<hbm>>) target(%arg11 : memref<128x128xf32, #tpu.memory_space<vmem>>) offsets(%dma_start3A_269 : memref<128xi32, #tpu.memory_space<vmem>>) semaphore(%arg17 : memref<!tpu.dma_semaphore, #tpu.memory_space<semaphore_mem>>)
      } else {
      }
      %dma_wait3A_206 = arith.constant 0 : i32
      %dma_wait3A_207 = arith.constant 0 : i32
      %dma_wait3A_208 = tpu.memref_slice %arg8[%dma_wait3A_206, %dma_wait3A_207] : memref<2x128xi32, #tpu.memory_space<vmem>> -> memref<1x128xi32, #tpu.memory_space<vmem>>
      %dma_wait3A_209 = tpu.memref_squeeze %dma_wait3A_208 : memref<1x128xi32, #tpu.memory_space<vmem>> -> memref<128xi32, #tpu.memory_space<vmem>>
      %dma_wait3A_210 = arith.constant 0 : i32
      %dma_wait3A_211 = arith.constant 0 : i32
      %dma_wait3A_212 = tpu.memref_slice %arg3[%dma_wait3A_210, %dma_wait3A_211] : memref<10000x128xf32, #tpu.memory_space<hbm>> -> memref<10000x128xf32, #tpu.memory_space<hbm>>
      tpu.wait_indirect_dma semaphore(%arg16 : memref<!tpu.dma_semaphore, #tpu.memory_space<semaphore_mem>>) src(%dma_wait3A_212 : memref<10000x128xf32, #tpu.memory_space<hbm>>) dst(%arg10 : memref<128x128xf32, #tpu.memory_space<vmem>>)
      %dma_start3A_213 = arith.constant 1 : i32
      %dma_start3A_214 = arith.constant 0 : i32
      %dma_start3A_215 = tpu.memref_slice %arg8[%dma_start3A_213, %dma_start3A_214] : memref<2x128xi32, #tpu.memory_space<vmem>> -> memref<1x128xi32, #tpu.memory_space<vmem>>
      %dma_start3A_216 = tpu.memref_squeeze %dma_start3A_215 : memref<1x128xi32, #tpu.memory_space<vmem>> -> memref<128xi32, #tpu.memory_space<vmem>>
      %dma_start3A_217 = arith.constant 0 : i32
      %dma_start3A_218 = arith.constant 0 : i32
      %dma_start3A_219 = tpu.memref_slice %arg5[%dma_start3A_217, %dma_start3A_218] : memref<10240x128xf32, #tpu.memory_space<vmem_shared>> -> memref<10240x128xf32, #tpu.memory_space<vmem_shared>>
      tpu.enqueue_indirect_dma source(%arg10 : memref<128x128xf32, #tpu.memory_space<vmem>>) target(%dma_start3A_219 : memref<10240x128xf32, #tpu.memory_space<vmem_shared>>) offsets(%dma_start3A_216 : memref<128xi32, #tpu.memory_space<vmem>>) semaphore(%arg18 : memref<!tpu.dma_semaphore, #tpu.memory_space<semaphore_mem>>) {add = true}
      %mul3A_220 = arith.constant 4 : i32
      %mul3A_221 = arith.muli %while3A_118, %mul3A_220 : i32
      %add3A_222 = arith.constant 3 : i32
      %add3A_223 = arith.addi %mul3A_221, %add3A_222 : i32
      %ge3A_224 = arith.constant 1 : i32
      %ge3A_225 = arith.cmpi sge, %add3A_223, %ge3A_224 : i32
      %convert_element_type3A_226 = arith.extui %ge3A_225 : i1 to i32
      %cond3A_227 = arith.constant 0 : i32
      %cond3A_228 = arith.cmpi ne, %convert_element_type3A_226, %cond3A_227 : i32
      scf.if %cond3A_228 {
        %dma_wait3A_255 = arith.constant 1 : i32
        %dma_wait3A_256 = arith.constant 0 : i32
        %dma_wait3A_257 = tpu.memref_slice %arg8[%dma_wait3A_255, %dma_wait3A_256] : memref<2x128xi32, #tpu.memory_space<vmem>> -> memref<1x128xi32, #tpu.memory_space<vmem>>
        %dma_wait3A_258 = tpu.memref_squeeze %dma_wait3A_257 : memref<1x128xi32, #tpu.memory_space<vmem>> -> memref<128xi32, #tpu.memory_space<vmem>>
        %dma_wait3A_259 = arith.constant 0 : i32
        %dma_wait3A_260 = arith.constant 0 : i32
        %dma_wait3A_261 = tpu.memref_slice %arg5[%dma_wait3A_259, %dma_wait3A_260] : memref<10240x128xf32, #tpu.memory_space<vmem_shared>> -> memref<10240x128xf32, #tpu.memory_space<vmem_shared>>
        tpu.wait_indirect_dma semaphore(%arg18 : memref<!tpu.dma_semaphore, #tpu.memory_space<semaphore_mem>>) src(%arg10 : memref<128x128xf32, #tpu.memory_space<vmem>>) dst(%dma_wait3A_261 : memref<10240x128xf32, #tpu.memory_space<vmem_shared>>)
      } else {
      }
      %add3A_229 = arith.constant 3 : i32
      %add3A_230 = arith.addi %add3A_223, %add3A_229 : i32
      %lt3A_231 = arith.cmpi slt, %add3A_230, %select_n3A : i32
      %convert_element_type3A_232 = arith.extui %lt3A_231 : i1 to i32
      %cond3A_233 = arith.constant 0 : i32
      %cond3A_234 = arith.cmpi ne, %convert_element_type3A_232, %cond3A_233 : i32
      scf.if %cond3A_234 {
        %add3A_255 = arith.constant 3 : i32
        %add3A_256 = arith.addi %add3A_223, %add3A_255 : i32
        %add3A_257 = arith.addi %select_n3A_8, %add3A_256 : i32
        %dma_start3A_258 = arith.constant 0 : i32
        %dma_start3A_259 = arith.constant 0 : i32
        %dma_start3A_260 = tpu.memref_slice %arg2[%add3A_257, %dma_start3A_258, %dma_start3A_259] : memref<2560x2x128xi32, #tpu.memory_space<hbm>> -> memref<1x2x128xi32, #tpu.memory_space<hbm>>
        %dma_start3A_261 = tpu.memref_squeeze %dma_start3A_260 : memref<1x2x128xi32, #tpu.memory_space<hbm>> -> memref<2x128xi32, #tpu.memory_space<hbm>>
        %dma_start3A_262 = arith.constant 0 : i32
        %dma_start3A_263 = arith.constant 0 : i32
        %dma_start3A_264 = tpu.memref_slice %arg2[%add3A_257, %dma_start3A_262, %dma_start3A_263] : memref<2560x2x128xi32, #tpu.memory_space<hbm>> -> memref<1x2x128xi32, #tpu.memory_space<hbm>>
        %dma_start3A_265 = tpu.memref_squeeze %dma_start3A_264 : memref<1x2x128xi32, #tpu.memory_space<hbm>> -> memref<2x128xi32, #tpu.memory_space<hbm>>
        tpu.enqueue_dma source(%dma_start3A_265 : memref<2x128xi32, #tpu.memory_space<hbm>>) target(%arg8 : memref<2x128xi32, #tpu.memory_space<vmem>>) target_semaphore(%arg14 : memref<!tpu.dma_semaphore, #tpu.memory_space<semaphore_mem>>)
      } else {
      }
      %add3A_235 = arith.constant 1 : i32
      %add3A_236 = arith.addi %add3A_223, %add3A_235 : i32
      %lt3A_237 = arith.cmpi slt, %add3A_236, %select_n3A : i32
      %convert_element_type3A_238 = arith.extui %lt3A_237 : i1 to i32
      %cond3A_239 = arith.constant 0 : i32
      %cond3A_240 = arith.cmpi ne, %convert_element_type3A_238, %cond3A_239 : i32
      scf.if %cond3A_240 {
        %add3A_255 = arith.constant 1 : i32
        %add3A_256 = arith.addi %add3A_223, %add3A_255 : i32
        %add3A_257 = arith.addi %select_n3A_8, %add3A_256 : i32
        %dma_wait3A_258 = arith.constant 0 : i32
        %dma_wait3A_259 = arith.constant 0 : i32
        %dma_wait3A_260 = tpu.memref_slice %arg2[%add3A_257, %dma_wait3A_258, %dma_wait3A_259] : memref<2560x2x128xi32, #tpu.memory_space<hbm>> -> memref<1x2x128xi32, #tpu.memory_space<hbm>>
        %dma_wait3A_261 = tpu.memref_squeeze %dma_wait3A_260 : memref<1x2x128xi32, #tpu.memory_space<hbm>> -> memref<2x128xi32, #tpu.memory_space<hbm>>
        %dma_wait3A_262 = arith.constant 0 : i32
        %dma_wait3A_263 = arith.constant 0 : i32
        %dma_wait3A_264 = tpu.memref_slice %arg2[%add3A_257, %dma_wait3A_262, %dma_wait3A_263] : memref<2560x2x128xi32, #tpu.memory_space<hbm>> -> memref<1x2x128xi32, #tpu.memory_space<hbm>>
        %dma_wait3A_265 = tpu.memref_squeeze %dma_wait3A_264 : memref<1x2x128xi32, #tpu.memory_space<hbm>> -> memref<2x128xi32, #tpu.memory_space<hbm>>
        tpu.wait_dma2 semaphore(%arg12 : memref<!tpu.dma_semaphore, #tpu.memory_space<semaphore_mem>>) src(%dma_wait3A_265 : memref<2x128xi32, #tpu.memory_space<hbm>>) dst(%arg6 : memref<2x128xi32, #tpu.memory_space<vmem>>)
        %dma_start3A_266 = arith.constant 0 : i32
        %dma_start3A_267 = arith.constant 0 : i32
        %dma_start3A_268 = tpu.memref_slice %arg6[%dma_start3A_266, %dma_start3A_267] : memref<2x128xi32, #tpu.memory_space<vmem>> -> memref<1x128xi32, #tpu.memory_space<vmem>>
        %dma_start3A_269 = tpu.memref_squeeze %dma_start3A_268 : memref<1x128xi32, #tpu.memory_space<vmem>> -> memref<128xi32, #tpu.memory_space<vmem>>
        %dma_start3A_270 = arith.constant 0 : i32
        %dma_start3A_271 = arith.constant 0 : i32
        %dma_start3A_272 = tpu.memref_slice %arg3[%dma_start3A_270, %dma_start3A_271] : memref<10000x128xf32, #tpu.memory_space<hbm>> -> memref<10000x128xf32, #tpu.memory_space<hbm>>
        tpu.enqueue_indirect_dma source(%dma_start3A_272 : memref<10000x128xf32, #tpu.memory_space<hbm>>) target(%arg10 : memref<128x128xf32, #tpu.memory_space<vmem>>) offsets(%dma_start3A_269 : memref<128xi32, #tpu.memory_space<vmem>>) semaphore(%arg16 : memref<!tpu.dma_semaphore, #tpu.memory_space<semaphore_mem>>)
      } else {
      }
      %dma_wait3A_241 = arith.constant 0 : i32
      %dma_wait3A_242 = arith.constant 0 : i32
      %dma_wait3A_243 = tpu.memref_slice %arg9[%dma_wait3A_241, %dma_wait3A_242] : memref<2x128xi32, #tpu.memory_space<vmem>> -> memref<1x128xi32, #tpu.memory_space<vmem>>
      %dma_wait3A_244 = tpu.memref_squeeze %dma_wait3A_243 : memref<1x128xi32, #tpu.memory_space<vmem>> -> memref<128xi32, #tpu.memory_space<vmem>>
      %dma_wait3A_245 = arith.constant 0 : i32
      %dma_wait3A_246 = arith.constant 0 : i32
      %dma_wait3A_247 = tpu.memref_slice %arg3[%dma_wait3A_245, %dma_wait3A_246] : memref<10000x128xf32, #tpu.memory_space<hbm>> -> memref<10000x128xf32, #tpu.memory_space<hbm>>
      tpu.wait_indirect_dma semaphore(%arg17 : memref<!tpu.dma_semaphore, #tpu.memory_space<semaphore_mem>>) src(%dma_wait3A_247 : memref<10000x128xf32, #tpu.memory_space<hbm>>) dst(%arg11 : memref<128x128xf32, #tpu.memory_space<vmem>>)
      %dma_start3A_248 = arith.constant 1 : i32
      %dma_start3A_249 = arith.constant 0 : i32
      %dma_start3A_250 = tpu.memref_slice %arg9[%dma_start3A_248, %dma_start3A_249] : memref<2x128xi32, #tpu.memory_space<vmem>> -> memref<1x128xi32, #tpu.memory_space<vmem>>
      %dma_start3A_251 = tpu.memref_squeeze %dma_start3A_250 : memref<1x128xi32, #tpu.memory_space<vmem>> -> memref<128xi32, #tpu.memory_space<vmem>>
      %dma_start3A_252 = arith.constant 0 : i32
      %dma_start3A_253 = arith.constant 0 : i32
      %dma_start3A_254 = tpu.memref_slice %arg5[%dma_start3A_252, %dma_start3A_253] : memref<10240x128xf32, #tpu.memory_space<vmem_shared>> -> memref<10240x128xf32, #tpu.memory_space<vmem_shared>>
      tpu.enqueue_indirect_dma source(%arg11 : memref<128x128xf32, #tpu.memory_space<vmem>>) target(%dma_start3A_254 : memref<10240x128xf32, #tpu.memory_space<vmem_shared>>) offsets(%dma_start3A_251 : memref<128xi32, #tpu.memory_space<vmem>>) semaphore(%arg19 : memref<!tpu.dma_semaphore, #tpu.memory_space<semaphore_mem>>) {add = true}
    }
    %dma_wait3A_106 = arith.constant 1 : i32
    %dma_wait3A_107 = arith.constant 0 : i32
    %dma_wait3A_108 = tpu.memref_slice %arg9[%dma_wait3A_106, %dma_wait3A_107] : memref<2x128xi32, #tpu.memory_space<vmem>> -> memref<1x128xi32, #tpu.memory_space<vmem>>
    %dma_wait3A_109 = tpu.memref_squeeze %dma_wait3A_108 : memref<1x128xi32, #tpu.memory_space<vmem>> -> memref<128xi32, #tpu.memory_space<vmem>>
    %dma_wait3A_110 = arith.constant 0 : i32
    %dma_wait3A_111 = arith.constant 0 : i32
    %dma_wait3A_112 = tpu.memref_slice %arg5[%dma_wait3A_110, %dma_wait3A_111] : memref<10240x128xf32, #tpu.memory_space<vmem_shared>> -> memref<10240x128xf32, #tpu.memory_space<vmem_shared>>
    tpu.wait_indirect_dma semaphore(%arg19 : memref<!tpu.dma_semaphore, #tpu.memory_space<semaphore_mem>>) src(%arg11 : memref<128x128xf32, #tpu.memory_space<vmem>>) dst(%dma_wait3A_112 : memref<10240x128xf32, #tpu.memory_space<vmem_shared>>)
    %barrier3A_113 = arith.constant 0 : index
    tpu.barrier barrier_id(%barrier3A_113)
    %mul3A_114 = arith.constant 640 : i32
    %mul3A_115 = arith.muli %arg1, %mul3A_114 : i32
    %mul3A_116 = arith.constant 640 : i32
    %mul3A_117 = arith.muli %arg1, %mul3A_116 : i32
    "tpu.region"() ({
      %run_scoped3A = tpu.sem_alloc : memref<!tpu.dma_semaphore, #tpu.memory_space<semaphore_mem>>
      %dma_start3A_118 = arith.constant 0 : i32
      %dma_start3A_119 = tpu.memref_slice %arg4[%arg0, %mul3A_117, %dma_start3A_118] : memref<2x10240x128xf32, #tpu.memory_space<hbm>> -> memref<1x640x128xf32, #tpu.memory_space<hbm>>
      %dma_start3A_120 = tpu.memref_squeeze %dma_start3A_119 : memref<1x640x128xf32, #tpu.memory_space<hbm>> -> memref<640x128xf32, #tpu.memory_space<hbm>>
      %dma_start3A_121 = arith.constant 0 : i32
      %dma_start3A_122 = tpu.memref_slice %arg5[%mul3A_115, %dma_start3A_121] : memref<10240x128xf32, #tpu.memory_space<vmem_shared>> -> memref<640x128xf32, #tpu.memory_space<vmem_shared>>
      tpu.enqueue_dma source(%dma_start3A_122 : memref<640x128xf32, #tpu.memory_space<vmem_shared>>) target(%dma_start3A_120 : memref<640x128xf32, #tpu.memory_space<hbm>>) target_semaphore(%run_scoped3A : memref<!tpu.dma_semaphore, #tpu.memory_space<semaphore_mem>>)
      %dma_wait3A_123 = arith.constant 0 : i32
      %dma_wait3A_124 = tpu.memref_slice %arg4[%arg0, %mul3A_117, %dma_wait3A_123] : memref<2x10240x128xf32, #tpu.memory_space<hbm>> -> memref<1x640x128xf32, #tpu.memory_space<hbm>>
      %dma_wait3A_125 = tpu.memref_squeeze %dma_wait3A_124 : memref<1x640x128xf32, #tpu.memory_space<hbm>> -> memref<640x128xf32, #tpu.memory_space<hbm>>
      %dma_wait3A_126 = arith.constant 0 : i32
      %dma_wait3A_127 = tpu.memref_slice %arg5[%mul3A_115, %dma_wait3A_126] : memref<10240x128xf32, #tpu.memory_space<vmem_shared>> -> memref<640x128xf32, #tpu.memory_space<vmem_shared>>
      tpu.wait_dma2 semaphore(%run_scoped3A : memref<!tpu.dma_semaphore, #tpu.memory_space<semaphore_mem>>) src(%dma_wait3A_127 : memref<640x128xf32, #tpu.memory_space<vmem_shared>>) dst(%dma_wait3A_125 : memref<640x128xf32, #tpu.memory_space<hbm>>)
      tpu.yield
    }) : () -> ()
    return
  }
}

#map = affine_map<(d0, d1) -> (0, 0, 0)>
#map1 = affine_map<(d0, d1) -> (0)>
#map2 = affine_map<(d0, d1) -> (0, 0)>
module attributes {stable_mosaic.version = 14 : i64} {
  func.func @sc_degree(%arg0: i32, %arg1: i32, %arg2: memref<32x80x128xi32, #tpu.memory_space<hbm>>, %arg3: memref<10240xf32, #tpu.memory_space<hbm>>, %arg4: memref<2x10240xf32, #tpu.memory_space<hbm>>, %arg5: memref<10240xf32, #tpu.memory_space<vmem_shared>>, %arg6: memref<80x128xi32, #tpu.memory_space<vmem>>, %arg7: memref<128xf32, #tpu.memory_space<vmem>>) attributes {dimension_semantics = [#tpu.dimension_semantics<core_parallel>, #tpu.dimension_semantics<subcore_parallel>], iteration_bounds = array<i64: 2, 16>, scalar_prefetch = 0 : i64, scratch_operands = 3 : i64, tpu.core_type = #tpu.core_type<sc_vector_subcore>, window_params = [{transform_indices = #map}, {transform_indices = #map1}, {transform_indices = #map2}]} {
    %mul3A = arith.constant 2 : i32
    %mul3A_0 = arith.muli %arg1, %mul3A : i32
    %add3A = arith.addi %mul3A_0, %arg0 : i32
    %mul3A_1 = arith.constant 640 : i32
    %mul3A_2 = arith.muli %arg1, %mul3A_1 : i32
    %mul3A_3 = arith.constant 640 : i32
    %mul3A_4 = arith.muli %arg1, %mul3A_3 : i32
    "tpu.region"() ({
      %run_scoped3A = tpu.sem_alloc : memref<!tpu.dma_semaphore, #tpu.memory_space<semaphore_mem>>
      %dma_start3A = tpu.memref_slice %arg5[%mul3A_4] : memref<10240xf32, #tpu.memory_space<vmem_shared>> -> memref<640xf32, #tpu.memory_space<vmem_shared>>
      %dma_start3A_61 = tpu.memref_slice %arg3[%mul3A_2] : memref<10240xf32, #tpu.memory_space<hbm>> -> memref<640xf32, #tpu.memory_space<hbm>>
      tpu.enqueue_dma source(%dma_start3A_61 : memref<640xf32, #tpu.memory_space<hbm>>) target(%dma_start3A : memref<640xf32, #tpu.memory_space<vmem_shared>>) target_semaphore(%run_scoped3A : memref<!tpu.dma_semaphore, #tpu.memory_space<semaphore_mem>>)
      %dma_wait3A = tpu.memref_slice %arg5[%mul3A_4] : memref<10240xf32, #tpu.memory_space<vmem_shared>> -> memref<640xf32, #tpu.memory_space<vmem_shared>>
      %dma_wait3A_62 = tpu.memref_slice %arg3[%mul3A_2] : memref<10240xf32, #tpu.memory_space<hbm>> -> memref<640xf32, #tpu.memory_space<hbm>>
      tpu.wait_dma2 semaphore(%run_scoped3A : memref<!tpu.dma_semaphore, #tpu.memory_space<semaphore_mem>>) src(%dma_wait3A_62 : memref<640xf32, #tpu.memory_space<hbm>>) dst(%dma_wait3A : memref<640xf32, #tpu.memory_space<vmem_shared>>)
      tpu.yield
    }) : () -> ()
    %broadcast_in_dim3A = arith.constant 1.000000e+00 : f32
    %broadcast_in_dim3A_5 = vector.broadcast %broadcast_in_dim3A : f32 to vector<16xf32>
    %swap3A = arith.constant 0 : index
    %swap3A_6 = tpu.vector_load %arg7[%swap3A] {strides = array<i32>} : memref<128xf32, #tpu.memory_space<vmem>>, vector<16xf32>,
    %swap3A_7 = vector.shape_cast %swap3A_6 : vector<16xf32> to vector<16xf32>
    %swap3A_8 = vector.shape_cast %broadcast_in_dim3A_5 : vector<16xf32> to vector<16xf32>
    tpu.vector_store %arg7[%swap3A], %swap3A_8 {strides = array<i32>} : memref<128xf32, #tpu.memory_space<vmem>>, vector<16xf32>,
    %broadcast_in_dim3A_9 = arith.constant 1.000000e+00 : f32
    %broadcast_in_dim3A_10 = vector.broadcast %broadcast_in_dim3A_9 : f32 to vector<16xf32>
    %swap3A_11 = arith.constant 16 : index
    %swap3A_12 = tpu.vector_load %arg7[%swap3A_11] {strides = array<i32>} : memref<128xf32, #tpu.memory_space<vmem>>, vector<16xf32>,
    %swap3A_13 = vector.shape_cast %swap3A_12 : vector<16xf32> to vector<16xf32>
    %swap3A_14 = vector.shape_cast %broadcast_in_dim3A_10 : vector<16xf32> to vector<16xf32>
    tpu.vector_store %arg7[%swap3A_11], %swap3A_14 {strides = array<i32>} : memref<128xf32, #tpu.memory_space<vmem>>, vector<16xf32>,
    %broadcast_in_dim3A_15 = arith.constant 1.000000e+00 : f32
    %broadcast_in_dim3A_16 = vector.broadcast %broadcast_in_dim3A_15 : f32 to vector<16xf32>
    %swap3A_17 = arith.constant 32 : index
    %swap3A_18 = tpu.vector_load %arg7[%swap3A_17] {strides = array<i32>} : memref<128xf32, #tpu.memory_space<vmem>>, vector<16xf32>,
    %swap3A_19 = vector.shape_cast %swap3A_18 : vector<16xf32> to vector<16xf32>
    %swap3A_20 = vector.shape_cast %broadcast_in_dim3A_16 : vector<16xf32> to vector<16xf32>
    tpu.vector_store %arg7[%swap3A_17], %swap3A_20 {strides = array<i32>} : memref<128xf32, #tpu.memory_space<vmem>>, vector<16xf32>,
    %broadcast_in_dim3A_21 = arith.constant 1.000000e+00 : f32
    %broadcast_in_dim3A_22 = vector.broadcast %broadcast_in_dim3A_21 : f32 to vector<16xf32>
    %swap3A_23 = arith.constant 48 : index
    %swap3A_24 = tpu.vector_load %arg7[%swap3A_23] {strides = array<i32>} : memref<128xf32, #tpu.memory_space<vmem>>, vector<16xf32>,
    %swap3A_25 = vector.shape_cast %swap3A_24 : vector<16xf32> to vector<16xf32>
    %swap3A_26 = vector.shape_cast %broadcast_in_dim3A_22 : vector<16xf32> to vector<16xf32>
    tpu.vector_store %arg7[%swap3A_23], %swap3A_26 {strides = array<i32>} : memref<128xf32, #tpu.memory_space<vmem>>, vector<16xf32>,
    %broadcast_in_dim3A_27 = arith.constant 1.000000e+00 : f32
    %broadcast_in_dim3A_28 = vector.broadcast %broadcast_in_dim3A_27 : f32 to vector<16xf32>
    %swap3A_29 = arith.constant 64 : index
    %swap3A_30 = tpu.vector_load %arg7[%swap3A_29] {strides = array<i32>} : memref<128xf32, #tpu.memory_space<vmem>>, vector<16xf32>,
    %swap3A_31 = vector.shape_cast %swap3A_30 : vector<16xf32> to vector<16xf32>
    %swap3A_32 = vector.shape_cast %broadcast_in_dim3A_28 : vector<16xf32> to vector<16xf32>
    tpu.vector_store %arg7[%swap3A_29], %swap3A_32 {strides = array<i32>} : memref<128xf32, #tpu.memory_space<vmem>>, vector<16xf32>,
    %broadcast_in_dim3A_33 = arith.constant 1.000000e+00 : f32
    %broadcast_in_dim3A_34 = vector.broadcast %broadcast_in_dim3A_33 : f32 to vector<16xf32>
    %swap3A_35 = arith.constant 80 : index
    %swap3A_36 = tpu.vector_load %arg7[%swap3A_35] {strides = array<i32>} : memref<128xf32, #tpu.memory_space<vmem>>, vector<16xf32>,
    %swap3A_37 = vector.shape_cast %swap3A_36 : vector<16xf32> to vector<16xf32>
    %swap3A_38 = vector.shape_cast %broadcast_in_dim3A_34 : vector<16xf32> to vector<16xf32>
    tpu.vector_store %arg7[%swap3A_35], %swap3A_38 {strides = array<i32>} : memref<128xf32, #tpu.memory_space<vmem>>, vector<16xf32>,
    %broadcast_in_dim3A_39 = arith.constant 1.000000e+00 : f32
    %broadcast_in_dim3A_40 = vector.broadcast %broadcast_in_dim3A_39 : f32 to vector<16xf32>
    %swap3A_41 = arith.constant 96 : index
    %swap3A_42 = tpu.vector_load %arg7[%swap3A_41] {strides = array<i32>} : memref<128xf32, #tpu.memory_space<vmem>>, vector<16xf32>,
    %swap3A_43 = vector.shape_cast %swap3A_42 : vector<16xf32> to vector<16xf32>
    %swap3A_44 = vector.shape_cast %broadcast_in_dim3A_40 : vector<16xf32> to vector<16xf32>
    tpu.vector_store %arg7[%swap3A_41], %swap3A_44 {strides = array<i32>} : memref<128xf32, #tpu.memory_space<vmem>>, vector<16xf32>,
    %broadcast_in_dim3A_45 = arith.constant 1.000000e+00 : f32
    %broadcast_in_dim3A_46 = vector.broadcast %broadcast_in_dim3A_45 : f32 to vector<16xf32>
    %swap3A_47 = arith.constant 112 : index
    %swap3A_48 = tpu.vector_load %arg7[%swap3A_47] {strides = array<i32>} : memref<128xf32, #tpu.memory_space<vmem>>, vector<16xf32>,
    %swap3A_49 = vector.shape_cast %swap3A_48 : vector<16xf32> to vector<16xf32>
    %swap3A_50 = vector.shape_cast %broadcast_in_dim3A_46 : vector<16xf32> to vector<16xf32>
    tpu.vector_store %arg7[%swap3A_47], %swap3A_50 {strides = array<i32>} : memref<128xf32, #tpu.memory_space<vmem>>, vector<16xf32>,
    %barrier3A = arith.constant 0 : index
    tpu.barrier barrier_id(%barrier3A)
    "tpu.region"() ({
      %run_scoped3A = tpu.sem_alloc : memref<!tpu.dma_semaphore, #tpu.memory_space<semaphore_mem>>
      %dma_start3A = arith.constant 0 : i32
      %dma_start3A_61 = arith.constant 0 : i32
      %dma_start3A_62 = tpu.memref_slice %arg2[%add3A, %dma_start3A, %dma_start3A_61] : memref<32x80x128xi32, #tpu.memory_space<hbm>> -> memref<1x80x128xi32, #tpu.memory_space<hbm>>
      %dma_start3A_63 = tpu.memref_squeeze %dma_start3A_62 : memref<1x80x128xi32, #tpu.memory_space<hbm>> -> memref<80x128xi32, #tpu.memory_space<hbm>>
      %dma_start3A_64 = arith.constant 0 : i32
      %dma_start3A_65 = arith.constant 0 : i32
      %dma_start3A_66 = tpu.memref_slice %arg2[%add3A, %dma_start3A_64, %dma_start3A_65] : memref<32x80x128xi32, #tpu.memory_space<hbm>> -> memref<1x80x128xi32, #tpu.memory_space<hbm>>
      %dma_start3A_67 = tpu.memref_squeeze %dma_start3A_66 : memref<1x80x128xi32, #tpu.memory_space<hbm>> -> memref<80x128xi32, #tpu.memory_space<hbm>>
      tpu.enqueue_dma source(%dma_start3A_67 : memref<80x128xi32, #tpu.memory_space<hbm>>) target(%arg6 : memref<80x128xi32, #tpu.memory_space<vmem>>) target_semaphore(%run_scoped3A : memref<!tpu.dma_semaphore, #tpu.memory_space<semaphore_mem>>)
      %dma_wait3A = arith.constant 0 : i32
      %dma_wait3A_68 = arith.constant 0 : i32
      %dma_wait3A_69 = tpu.memref_slice %arg2[%add3A, %dma_wait3A, %dma_wait3A_68] : memref<32x80x128xi32, #tpu.memory_space<hbm>> -> memref<1x80x128xi32, #tpu.memory_space<hbm>>
      %dma_wait3A_70 = tpu.memref_squeeze %dma_wait3A_69 : memref<1x80x128xi32, #tpu.memory_space<hbm>> -> memref<80x128xi32, #tpu.memory_space<hbm>>
      %dma_wait3A_71 = arith.constant 0 : i32
      %dma_wait3A_72 = arith.constant 0 : i32
      %dma_wait3A_73 = tpu.memref_slice %arg2[%add3A, %dma_wait3A_71, %dma_wait3A_72] : memref<32x80x128xi32, #tpu.memory_space<hbm>> -> memref<1x80x128xi32, #tpu.memory_space<hbm>>
      %dma_wait3A_74 = tpu.memref_squeeze %dma_wait3A_73 : memref<1x80x128xi32, #tpu.memory_space<hbm>> -> memref<80x128xi32, #tpu.memory_space<hbm>>
      tpu.wait_dma2 semaphore(%run_scoped3A : memref<!tpu.dma_semaphore, #tpu.memory_space<semaphore_mem>>) src(%dma_wait3A_74 : memref<80x128xi32, #tpu.memory_space<hbm>>) dst(%arg6 : memref<80x128xi32, #tpu.memory_space<vmem>>)
      tpu.yield
    }) : () -> ()
    %scan3A = arith.constant 0 : i32
    %scan3A_51 = arith.constant 0 : i32
    %scan3A_52 = arith.constant 80 : i32
    %scan3A_53 = arith.addi %scan3A_51, %scan3A_52 : i32
    %scan3A_54 = arith.constant 1 : i32
    scf.for %scan3A_61 = %scan3A_51 to %scan3A_53 step %scan3A_54  : i32 {
      "tpu.region"() ({
        %run_scoped3A = tpu.sem_alloc : memref<!tpu.dma_semaphore, #tpu.memory_space<semaphore_mem>>
        %dma_start3A = arith.constant 0 : i32
        %dma_start3A_62 = tpu.memref_slice %arg6[%scan3A_61, %dma_start3A] : memref<80x128xi32, #tpu.memory_space<vmem>> -> memref<1x128xi32, #tpu.memory_space<vmem>>
        %dma_start3A_63 = tpu.memref_squeeze %dma_start3A_62 : memref<1x128xi32, #tpu.memory_space<vmem>> -> memref<128xi32, #tpu.memory_space<vmem>>
        %dma_start3A_64 = arith.constant 0 : i32
        %dma_start3A_65 = tpu.memref_slice %arg5[%dma_start3A_64] : memref<10240xf32, #tpu.memory_space<vmem_shared>> -> memref<10240xf32, #tpu.memory_space<vmem_shared>>
        tpu.enqueue_indirect_dma source(%arg7 : memref<128xf32, #tpu.memory_space<vmem>>) target(%dma_start3A_65 : memref<10240xf32, #tpu.memory_space<vmem_shared>>) offsets(%dma_start3A_63 : memref<128xi32, #tpu.memory_space<vmem>>) semaphore(%run_scoped3A : memref<!tpu.dma_semaphore, #tpu.memory_space<semaphore_mem>>) {add = true}
        %dma_wait3A = arith.constant 0 : i32
        %dma_wait3A_66 = tpu.memref_slice %arg6[%scan3A_61, %dma_wait3A] : memref<80x128xi32, #tpu.memory_space<vmem>> -> memref<1x128xi32, #tpu.memory_space<vmem>>
        %dma_wait3A_67 = tpu.memref_squeeze %dma_wait3A_66 : memref<1x128xi32, #tpu.memory_space<vmem>> -> memref<128xi32, #tpu.memory_space<vmem>>
        %dma_wait3A_68 = arith.constant 0 : i32
        %dma_wait3A_69 = tpu.memref_slice %arg5[%dma_wait3A_68] : memref<10240xf32, #tpu.memory_space<vmem_shared>> -> memref<10240xf32, #tpu.memory_space<vmem_shared>>
        tpu.wait_indirect_dma semaphore(%run_scoped3A : memref<!tpu.dma_semaphore, #tpu.memory_space<semaphore_mem>>) src(%arg7 : memref<128xf32, #tpu.memory_space<vmem>>) dst(%dma_wait3A_69 : memref<10240xf32, #tpu.memory_space<vmem_shared>>)
        tpu.yield
      }) : () -> ()
    }
    %scan3A_55 = arith.constant 80 : i32
    %barrier3A_56 = arith.constant 0 : index
    tpu.barrier barrier_id(%barrier3A_56)
    %mul3A_57 = arith.constant 640 : i32
    %mul3A_58 = arith.muli %arg1, %mul3A_57 : i32
    %mul3A_59 = arith.constant 640 : i32
    %mul3A_60 = arith.muli %arg1, %mul3A_59 : i32
    "tpu.region"() ({
      %run_scoped3A = tpu.sem_alloc : memref<!tpu.dma_semaphore, #tpu.memory_space<semaphore_mem>>
      %dma_start3A = tpu.memref_slice %arg4[%arg0, %mul3A_60] : memref<2x10240xf32, #tpu.memory_space<hbm>> -> memref<1x640xf32, #tpu.memory_space<hbm>>
      %dma_start3A_61 = tpu.memref_squeeze %dma_start3A : memref<1x640xf32, #tpu.memory_space<hbm>> -> memref<640xf32, #tpu.memory_space<hbm>>
      %dma_start3A_62 = tpu.memref_slice %arg5[%mul3A_58] : memref<10240xf32, #tpu.memory_space<vmem_shared>> -> memref<640xf32, #tpu.memory_space<vmem_shared>>
      tpu.enqueue_dma source(%dma_start3A_62 : memref<640xf32, #tpu.memory_space<vmem_shared>>) target(%dma_start3A_61 : memref<640xf32, #tpu.memory_space<hbm>>) target_semaphore(%run_scoped3A : memref<!tpu.dma_semaphore, #tpu.memory_space<semaphore_mem>>)
      %dma_wait3A = tpu.memref_slice %arg4[%arg0, %mul3A_60] : memref<2x10240xf32, #tpu.memory_space<hbm>> -> memref<1x640xf32, #tpu.memory_space<hbm>>
      %dma_wait3A_63 = tpu.memref_squeeze %dma_wait3A : memref<1x640xf32, #tpu.memory_space<hbm>> -> memref<640xf32, #tpu.memory_space<hbm>>
      %dma_wait3A_64 = tpu.memref_slice %arg5[%mul3A_58] : memref<10240xf32, #tpu.memory_space<vmem_shared>> -> memref<640xf32, #tpu.memory_space<vmem_shared>>
      tpu.wait_dma2 semaphore(%run_scoped3A : memref<!tpu.dma_semaphore, #tpu.memory_space<semaphore_mem>>) src(%dma_wait3A_64 : memref<640xf32, #tpu.memory_space<vmem_shared>>) dst(%dma_wait3A_63 : memref<640xf32, #tpu.memory_space<hbm>>)
      tpu.yield
    }) : () -> ()
    return
  }
}

#map = affine_map<(d0, d1) -> (0, 0, 0)>
#map1 = affine_map<(d0, d1) -> (0, 0)>
module attributes {stable_mosaic.version = 14 : i64} {
  func.func @sc_aggregate(%arg0: i32, %arg1: i32, %arg2: memref<2560x2x128xi32, #tpu.memory_space<hbm>>, %arg3: memref<10000x128xf32, #tpu.memory_space<hbm>>, %arg4: memref<2x10240x128xf32, #tpu.memory_space<hbm>>, %arg5: memref<10240x128xf32, #tpu.memory_space<vmem_shared>>, %arg6: memref<2x128xi32, #tpu.memory_space<vmem>>, %arg7: memref<2x128xi32, #tpu.memory_space<vmem>>, %arg8: memref<2x128xi32, #tpu.memory_space<vmem>>, %arg9: memref<2x128xi32, #tpu.memory_space<vmem>>, %arg10: memref<128x128xf32, #tpu.memory_space<vmem>>, %arg11: memref<128x128xf32, #tpu.memory_space<vmem>>, %arg12: memref<!tpu.dma_semaphore, #tpu.memory_space<semaphore_mem>>, %arg13: memref<!tpu.dma_semaphore, #tpu.memory_space<semaphore_mem>>, %arg14: memref<!tpu.dma_semaphore, #tpu.memory_space<semaphore_mem>>, %arg15: memref<!tpu.dma_semaphore, #tpu.memory_space<semaphore_mem>>, %arg16: memref<!tpu.dma_semaphore, #tpu.memory_space<semaphore_mem>>, %arg17: memref<!tpu.dma_semaphore, #tpu.memory_space<semaphore_mem>>, %arg18: memref<!tpu.dma_semaphore, #tpu.memory_space<semaphore_mem>>, %arg19: memref<!tpu.dma_semaphore, #tpu.memory_space<semaphore_mem>>) attributes {dimension_semantics = [#tpu.dimension_semantics<core_parallel>, #tpu.dimension_semantics<subcore_parallel>], iteration_bounds = array<i64: 2, 16>, scalar_prefetch = 0 : i64, scratch_operands = 15 : i64, tpu.core_type = #tpu.core_type<sc_vector_subcore>, window_params = [{transform_indices = #map}, {transform_indices = #map1}, {transform_indices = #map}]} {
    %eq3A = arith.constant 0 : i32
    %eq3A_0 = arith.cmpi eq, %arg0, %eq3A : i32
    %jit3A = arith.constant 140 : i32
    %jit3A_1 = arith.constant 20 : i32
    %select_n3A = arith.select %eq3A_0, %jit3A, %jit3A_1 : i32
    %eq3A_2 = arith.constant 0 : i32
    %eq3A_3 = arith.cmpi eq, %arg0, %eq3A_2 : i32
    %mul3A = arith.constant 140 : i32
    %mul3A_4 = arith.muli %arg1, %mul3A : i32
    %mul3A_5 = arith.constant 20 : i32
    %mul3A_6 = arith.muli %arg1, %mul3A_5 : i32
    %add3A = arith.constant 2240 : i32
    %add3A_7 = arith.addi %add3A, %mul3A_6 : i32
    %select_n3A_8 = arith.select %eq3A_3, %mul3A_4, %add3A_7 : i32
    %scan3A = arith.constant 0 : i32
    %scan3A_9 = arith.constant 0 : i32
    %scan3A_10 = arith.constant 1024 : i32
    %scan3A_11 = arith.addi %scan3A_9, %scan3A_10 : i32
    %scan3A_12 = arith.constant 1 : i32
    scf.for %scan3A_118 = %scan3A_9 to %scan3A_11 step %scan3A_12  : i32 {
      %shift_right_logical3A = arith.constant 3 : i32
      %shift_right_logical3A_119 = arith.shrui %scan3A_118, %shift_right_logical3A : i32
      %and3A_120 = arith.constant 7 : i32
      %and3A_121 = arith.andi %scan3A_118, %and3A_120 : i32
      %broadcast_in_dim3A = arith.constant 0.000000e+00 : f32
      %broadcast_in_dim3A_122 = vector.broadcast %broadcast_in_dim3A : f32 to vector<16xf32>
      %mul3A_123 = arith.constant 16 : i32
      %mul3A_124 = arith.muli %and3A_121, %mul3A_123 : i32
      %swap3A = arith.index_cast %shift_right_logical3A_119 : i32 to index
      %swap3A_125 = arith.index_cast %mul3A_124 : i32 to index
      %swap3A_126 = tpu.vector_load %arg10[%swap3A, %swap3A_125] {strides = array<i32>} : memref<128x128xf32, #tpu.memory_space<vmem>>, vector<1x16xf32>,
      %swap3A_127 = vector.shape_cast %swap3A_126 : vector<1x16xf32> to vector<16xf32>
      %swap3A_128 = vector.shape_cast %broadcast_in_dim3A_122 : vector<16xf32> to vector<1x16xf32>
      tpu.vector_store %arg10[%swap3A, %swap3A_125], %swap3A_128 {strides = array<i32>} : memref<128x128xf32, #tpu.memory_space<vmem>>, vector<1x16xf32>,
    }
    %scan3A_13 = arith.constant 1024 : i32
    %mul3A_14 = arith.constant 640 : i32
    %mul3A_15 = arith.muli %arg1, %mul3A_14 : i32
    %add3A_16 = arith.constant 0 : i32
    %add3A_17 = arith.addi %mul3A_15, %add3A_16 : i32
    "tpu.region"() ({
      %run_scoped3A = tpu.sem_alloc : memref<!tpu.dma_semaphore, #tpu.memory_space<semaphore_mem>>
      %dma_start3A_118 = arith.constant 0 : i32
      %dma_start3A_119 = tpu.memref_slice %arg5[%add3A_17, %dma_start3A_118] : memref<10240x128xf32, #tpu.memory_space<vmem_shared>> -> memref<128x128xf32, #tpu.memory_space<vmem_shared>>
      %dma_start3A_120 = arith.constant 0 : i32
      %dma_start3A_121 = tpu.memref_slice %arg5[%add3A_17, %dma_start3A_120] : memref<10240x128xf32, #tpu.memory_space<vmem_shared>> -> memref<128x128xf32, #tpu.memory_space<vmem_shared>>
      tpu.enqueue_dma source(%arg10 : memref<128x128xf32, #tpu.memory_space<vmem>>) target(%dma_start3A_121 : memref<128x128xf32, #tpu.memory_space<vmem_shared>>) target_semaphore(%run_scoped3A : memref<!tpu.dma_semaphore, #tpu.memory_space<semaphore_mem>>)
      %dma_wait3A_122 = arith.constant 0 : i32
      %dma_wait3A_123 = tpu.memref_slice %arg5[%add3A_17, %dma_wait3A_122] : memref<10240x128xf32, #tpu.memory_space<vmem_shared>> -> memref<128x128xf32, #tpu.memory_space<vmem_shared>>
      %dma_wait3A_124 = arith.constant 0 : i32
      %dma_wait3A_125 = tpu.memref_slice %arg5[%add3A_17, %dma_wait3A_124] : memref<10240x128xf32, #tpu.memory_space<vmem_shared>> -> memref<128x128xf32, #tpu.memory_space<vmem_shared>>
      tpu.wait_dma2 semaphore(%run_scoped3A : memref<!tpu.dma_semaphore, #tpu.memory_space<semaphore_mem>>) src(%arg10 : memref<128x128xf32, #tpu.memory_space<vmem>>) dst(%dma_wait3A_125 : memref<128x128xf32, #tpu.memory_space<vmem_shared>>)
      tpu.yield
    }) : () -> ()
    %mul3A_18 = arith.constant 640 : i32
    %mul3A_19 = arith.muli %arg1, %mul3A_18 : i32
    %add3A_20 = arith.constant 128 : i32
    %add3A_21 = arith.addi %mul3A_19, %add3A_20 : i32
    "tpu.region"() ({
      %run_scoped3A = tpu.sem_alloc : memref<!tpu.dma_semaphore, #tpu.memory_space<semaphore_mem>>
      %dma_start3A_118 = arith.constant 0 : i32
      %dma_start3A_119 = tpu.memref_slice %arg5[%add3A_21, %dma_start3A_118] : memref<10240x128xf32, #tpu.memory_space<vmem_shared>> -> memref<128x128xf32, #tpu.memory_space<vmem_shared>>
      %dma_start3A_120 = arith.constant 0 : i32
      %dma_start3A_121 = tpu.memref_slice %arg5[%add3A_21, %dma_start3A_120] : memref<10240x128xf32, #tpu.memory_space<vmem_shared>> -> memref<128x128xf32, #tpu.memory_space<vmem_shared>>
      tpu.enqueue_dma source(%arg10 : memref<128x128xf32, #tpu.memory_space<vmem>>) target(%dma_start3A_121 : memref<128x128xf32, #tpu.memory_space<vmem_shared>>) target_semaphore(%run_scoped3A : memref<!tpu.dma_semaphore, #tpu.memory_space<semaphore_mem>>)
      %dma_wait3A_122 = arith.constant 0 : i32
      %dma_wait3A_123 = tpu.memref_slice %arg5[%add3A_21, %dma_wait3A_122] : memref<10240x128xf32, #tpu.memory_space<vmem_shared>> -> memref<128x128xf32, #tpu.memory_space<vmem_shared>>
      %dma_wait3A_124 = arith.constant 0 : i32
      %dma_wait3A_125 = tpu.memref_slice %arg5[%add3A_21, %dma_wait3A_124] : memref<10240x128xf32, #tpu.memory_space<vmem_shared>> -> memref<128x128xf32, #tpu.memory_space<vmem_shared>>
      tpu.wait_dma2 semaphore(%run_scoped3A : memref<!tpu.dma_semaphore, #tpu.memory_space<semaphore_mem>>) src(%arg10 : memref<128x128xf32, #tpu.memory_space<vmem>>) dst(%dma_wait3A_125 : memref<128x128xf32, #tpu.memory_space<vmem_shared>>)
      tpu.yield
    }) : () -> ()
    %mul3A_22 = arith.constant 640 : i32
    %mul3A_23 = arith.muli %arg1, %mul3A_22 : i32
    %add3A_24 = arith.constant 256 : i32
    %add3A_25 = arith.addi %mul3A_23, %add3A_24 : i32
    "tpu.region"() ({
      %run_scoped3A = tpu.sem_alloc : memref<!tpu.dma_semaphore, #tpu.memory_space<semaphore_mem>>
      %dma_start3A_118 = arith.constant 0 : i32
      %dma_start3A_119 = tpu.memref_slice %arg5[%add3A_25, %dma_start3A_118] : memref<10240x128xf32, #tpu.memory_space<vmem_shared>> -> memref<128x128xf32, #tpu.memory_space<vmem_shared>>
      %dma_start3A_120 = arith.constant 0 : i32
      %dma_start3A_121 = tpu.memref_slice %arg5[%add3A_25, %dma_start3A_120] : memref<10240x128xf32, #tpu.memory_space<vmem_shared>> -> memref<128x128xf32, #tpu.memory_space<vmem_shared>>
      tpu.enqueue_dma source(%arg10 : memref<128x128xf32, #tpu.memory_space<vmem>>) target(%dma_start3A_121 : memref<128x128xf32, #tpu.memory_space<vmem_shared>>) target_semaphore(%run_scoped3A : memref<!tpu.dma_semaphore, #tpu.memory_space<semaphore_mem>>)
      %dma_wait3A_122 = arith.constant 0 : i32
      %dma_wait3A_123 = tpu.memref_slice %arg5[%add3A_25, %dma_wait3A_122] : memref<10240x128xf32, #tpu.memory_space<vmem_shared>> -> memref<128x128xf32, #tpu.memory_space<vmem_shared>>
      %dma_wait3A_124 = arith.constant 0 : i32
      %dma_wait3A_125 = tpu.memref_slice %arg5[%add3A_25, %dma_wait3A_124] : memref<10240x128xf32, #tpu.memory_space<vmem_shared>> -> memref<128x128xf32, #tpu.memory_space<vmem_shared>>
      tpu.wait_dma2 semaphore(%run_scoped3A : memref<!tpu.dma_semaphore, #tpu.memory_space<semaphore_mem>>) src(%arg10 : memref<128x128xf32, #tpu.memory_space<vmem>>) dst(%dma_wait3A_125 : memref<128x128xf32, #tpu.memory_space<vmem_shared>>)
      tpu.yield
    }) : () -> ()
    %mul3A_26 = arith.constant 640 : i32
    %mul3A_27 = arith.muli %arg1, %mul3A_26 : i32
    %add3A_28 = arith.constant 384 : i32
    %add3A_29 = arith.addi %mul3A_27, %add3A_28 : i32
    "tpu.region"() ({
      %run_scoped3A = tpu.sem_alloc : memref<!tpu.dma_semaphore, #tpu.memory_space<semaphore_mem>>
      %dma_start3A_118 = arith.constant 0 : i32
      %dma_start3A_119 = tpu.memref_slice %arg5[%add3A_29, %dma_start3A_118] : memref<10240x128xf32, #tpu.memory_space<vmem_shared>> -> memref<128x128xf32, #tpu.memory_space<vmem_shared>>
      %dma_start3A_120 = arith.constant 0 : i32
      %dma_start3A_121 = tpu.memref_slice %arg5[%add3A_29, %dma_start3A_120] : memref<10240x128xf32, #tpu.memory_space<vmem_shared>> -> memref<128x128xf32, #tpu.memory_space<vmem_shared>>
      tpu.enqueue_dma source(%arg10 : memref<128x128xf32, #tpu.memory_space<vmem>>) target(%dma_start3A_121 : memref<128x128xf32, #tpu.memory_space<vmem_shared>>) target_semaphore(%run_scoped3A : memref<!tpu.dma_semaphore, #tpu.memory_space<semaphore_mem>>)
      %dma_wait3A_122 = arith.constant 0 : i32
      %dma_wait3A_123 = tpu.memref_slice %arg5[%add3A_29, %dma_wait3A_122] : memref<10240x128xf32, #tpu.memory_space<vmem_shared>> -> memref<128x128xf32, #tpu.memory_space<vmem_shared>>
      %dma_wait3A_124 = arith.constant 0 : i32
      %dma_wait3A_125 = tpu.memref_slice %arg5[%add3A_29, %dma_wait3A_124] : memref<10240x128xf32, #tpu.memory_space<vmem_shared>> -> memref<128x128xf32, #tpu.memory_space<vmem_shared>>
      tpu.wait_dma2 semaphore(%run_scoped3A : memref<!tpu.dma_semaphore, #tpu.memory_space<semaphore_mem>>) src(%arg10 : memref<128x128xf32, #tpu.memory_space<vmem>>) dst(%dma_wait3A_125 : memref<128x128xf32, #tpu.memory_space<vmem_shared>>)
      tpu.yield
    }) : () -> ()
    %mul3A_30 = arith.constant 640 : i32
    %mul3A_31 = arith.muli %arg1, %mul3A_30 : i32
    %add3A_32 = arith.constant 512 : i32
    %add3A_33 = arith.addi %mul3A_31, %add3A_32 : i32
    "tpu.region"() ({
      %run_scoped3A = tpu.sem_alloc : memref<!tpu.dma_semaphore, #tpu.memory_space<semaphore_mem>>
      %dma_start3A_118 = arith.constant 0 : i32
      %dma_start3A_119 = tpu.memref_slice %arg5[%add3A_33, %dma_start3A_118] : memref<10240x128xf32, #tpu.memory_space<vmem_shared>> -> memref<128x128xf32, #tpu.memory_space<vmem_shared>>
      %dma_start3A_120 = arith.constant 0 : i32
      %dma_start3A_121 = tpu.memref_slice %arg5[%add3A_33, %dma_start3A_120] : memref<10240x128xf32, #tpu.memory_space<vmem_shared>> -> memref<128x128xf32, #tpu.memory_space<vmem_shared>>
      tpu.enqueue_dma source(%arg10 : memref<128x128xf32, #tpu.memory_space<vmem>>) target(%dma_start3A_121 : memref<128x128xf32, #tpu.memory_space<vmem_shared>>) target_semaphore(%run_scoped3A : memref<!tpu.dma_semaphore, #tpu.memory_space<semaphore_mem>>)
      %dma_wait3A_122 = arith.constant 0 : i32
      %dma_wait3A_123 = tpu.memref_slice %arg5[%add3A_33, %dma_wait3A_122] : memref<10240x128xf32, #tpu.memory_space<vmem_shared>> -> memref<128x128xf32, #tpu.memory_space<vmem_shared>>
      %dma_wait3A_124 = arith.constant 0 : i32
      %dma_wait3A_125 = tpu.memref_slice %arg5[%add3A_33, %dma_wait3A_124] : memref<10240x128xf32, #tpu.memory_space<vmem_shared>> -> memref<128x128xf32, #tpu.memory_space<vmem_shared>>
      tpu.wait_dma2 semaphore(%run_scoped3A : memref<!tpu.dma_semaphore, #tpu.memory_space<semaphore_mem>>) src(%arg10 : memref<128x128xf32, #tpu.memory_space<vmem>>) dst(%dma_wait3A_125 : memref<128x128xf32, #tpu.memory_space<vmem_shared>>)
      tpu.yield
    }) : () -> ()
    %barrier3A = arith.constant 0 : index
    tpu.barrier barrier_id(%barrier3A)
    %add3A_34 = arith.constant 0 : i32
    %add3A_35 = arith.addi %select_n3A_8, %add3A_34 : i32
    %dma_start3A = arith.constant 0 : i32
    %dma_start3A_36 = arith.constant 0 : i32
    %dma_start3A_37 = tpu.memref_slice %arg2[%add3A_35, %dma_start3A, %dma_start3A_36] : memref<2560x2x128xi32, #tpu.memory_space<hbm>> -> memref<1x2x128xi32, #tpu.memory_space<hbm>>
    %dma_start3A_38 = tpu.memref_squeeze %dma_start3A_37 : memref<1x2x128xi32, #tpu.memory_space<hbm>> -> memref<2x128xi32, #tpu.memory_space<hbm>>
    %dma_start3A_39 = arith.constant 0 : i32
    %dma_start3A_40 = arith.constant 0 : i32
    %dma_start3A_41 = tpu.memref_slice %arg2[%add3A_35, %dma_start3A_39, %dma_start3A_40] : memref<2560x2x128xi32, #tpu.memory_space<hbm>> -> memref<1x2x128xi32, #tpu.memory_space<hbm>>
    %dma_start3A_42 = tpu.memref_squeeze %dma_start3A_41 : memref<1x2x128xi32, #tpu.memory_space<hbm>> -> memref<2x128xi32, #tpu.memory_space<hbm>>
    tpu.enqueue_dma source(%dma_start3A_42 : memref<2x128xi32, #tpu.memory_space<hbm>>) target(%arg6 : memref<2x128xi32, #tpu.memory_space<vmem>>) target_semaphore(%arg12 : memref<!tpu.dma_semaphore, #tpu.memory_space<semaphore_mem>>)
    %add3A_43 = arith.constant 1 : i32
    %add3A_44 = arith.addi %select_n3A_8, %add3A_43 : i32
    %dma_start3A_45 = arith.constant 0 : i32
    %dma_start3A_46 = arith.constant 0 : i32
    %dma_start3A_47 = tpu.memref_slice %arg2[%add3A_44, %dma_start3A_45, %dma_start3A_46] : memref<2560x2x128xi32, #tpu.memory_space<hbm>> -> memref<1x2x128xi32, #tpu.memory_space<hbm>>
    %dma_start3A_48 = tpu.memref_squeeze %dma_start3A_47 : memref<1x2x128xi32, #tpu.memory_space<hbm>> -> memref<2x128xi32, #tpu.memory_space<hbm>>
    %dma_start3A_49 = arith.constant 0 : i32
    %dma_start3A_50 = arith.constant 0 : i32
    %dma_start3A_51 = tpu.memref_slice %arg2[%add3A_44, %dma_start3A_49, %dma_start3A_50] : memref<2560x2x128xi32, #tpu.memory_space<hbm>> -> memref<1x2x128xi32, #tpu.memory_space<hbm>>
    %dma_start3A_52 = tpu.memref_squeeze %dma_start3A_51 : memref<1x2x128xi32, #tpu.memory_space<hbm>> -> memref<2x128xi32, #tpu.memory_space<hbm>>
    tpu.enqueue_dma source(%dma_start3A_52 : memref<2x128xi32, #tpu.memory_space<hbm>>) target(%arg7 : memref<2x128xi32, #tpu.memory_space<vmem>>) target_semaphore(%arg13 : memref<!tpu.dma_semaphore, #tpu.memory_space<semaphore_mem>>)
    %add3A_53 = arith.constant 2 : i32
    %add3A_54 = arith.addi %select_n3A_8, %add3A_53 : i32
    %dma_start3A_55 = arith.constant 0 : i32
    %dma_start3A_56 = arith.constant 0 : i32
    %dma_start3A_57 = tpu.memref_slice %arg2[%add3A_54, %dma_start3A_55, %dma_start3A_56] : memref<2560x2x128xi32, #tpu.memory_space<hbm>> -> memref<1x2x128xi32, #tpu.memory_space<hbm>>
    %dma_start3A_58 = tpu.memref_squeeze %dma_start3A_57 : memref<1x2x128xi32, #tpu.memory_space<hbm>> -> memref<2x128xi32, #tpu.memory_space<hbm>>
    %dma_start3A_59 = arith.constant 0 : i32
    %dma_start3A_60 = arith.constant 0 : i32
    %dma_start3A_61 = tpu.memref_slice %arg2[%add3A_54, %dma_start3A_59, %dma_start3A_60] : memref<2560x2x128xi32, #tpu.memory_space<hbm>> -> memref<1x2x128xi32, #tpu.memory_space<hbm>>
    %dma_start3A_62 = tpu.memref_squeeze %dma_start3A_61 : memref<1x2x128xi32, #tpu.memory_space<hbm>> -> memref<2x128xi32, #tpu.memory_space<hbm>>
    tpu.enqueue_dma source(%dma_start3A_62 : memref<2x128xi32, #tpu.memory_space<hbm>>) target(%arg8 : memref<2x128xi32, #tpu.memory_space<vmem>>) target_semaphore(%arg14 : memref<!tpu.dma_semaphore, #tpu.memory_space<semaphore_mem>>)
    %add3A_63 = arith.constant 0 : i32
    %add3A_64 = arith.addi %select_n3A_8, %add3A_63 : i32
    %dma_wait3A = arith.constant 0 : i32
    %dma_wait3A_65 = arith.constant 0 : i32
    %dma_wait3A_66 = tpu.memref_slice %arg2[%add3A_64, %dma_wait3A, %dma_wait3A_65] : memref<2560x2x128xi32, #tpu.memory_space<hbm>> -> memref<1x2x128xi32, #tpu.memory_space<hbm>>
    %dma_wait3A_67 = tpu.memref_squeeze %dma_wait3A_66 : memref<1x2x128xi32, #tpu.memory_space<hbm>> -> memref<2x128xi32, #tpu.memory_space<hbm>>
    %dma_wait3A_68 = arith.constant 0 : i32
    %dma_wait3A_69 = arith.constant 0 : i32
    %dma_wait3A_70 = tpu.memref_slice %arg2[%add3A_64, %dma_wait3A_68, %dma_wait3A_69] : memref<2560x2x128xi32, #tpu.memory_space<hbm>> -> memref<1x2x128xi32, #tpu.memory_space<hbm>>
    %dma_wait3A_71 = tpu.memref_squeeze %dma_wait3A_70 : memref<1x2x128xi32, #tpu.memory_space<hbm>> -> memref<2x128xi32, #tpu.memory_space<hbm>>
    tpu.wait_dma2 semaphore(%arg12 : memref<!tpu.dma_semaphore, #tpu.memory_space<semaphore_mem>>) src(%dma_wait3A_71 : memref<2x128xi32, #tpu.memory_space<hbm>>) dst(%arg6 : memref<2x128xi32, #tpu.memory_space<vmem>>)
    %dma_start3A_72 = arith.constant 0 : i32
    %dma_start3A_73 = arith.constant 0 : i32
    %dma_start3A_74 = tpu.memref_slice %arg6[%dma_start3A_72, %dma_start3A_73] : memref<2x128xi32, #tpu.memory_space<vmem>> -> memref<1x128xi32, #tpu.memory_space<vmem>>
    %dma_start3A_75 = tpu.memref_squeeze %dma_start3A_74 : memref<1x128xi32, #tpu.memory_space<vmem>> -> memref<128xi32, #tpu.memory_space<vmem>>
    %dma_start3A_76 = arith.constant 0 : i32
    %dma_start3A_77 = arith.constant 0 : i32
    %dma_start3A_78 = tpu.memref_slice %arg3[%dma_start3A_76, %dma_start3A_77] : memref<10000x128xf32, #tpu.memory_space<hbm>> -> memref<10000x128xf32, #tpu.memory_space<hbm>>
    tpu.enqueue_indirect_dma source(%dma_start3A_78 : memref<10000x128xf32, #tpu.memory_space<hbm>>) target(%arg10 : memref<128x128xf32, #tpu.memory_space<vmem>>) offsets(%dma_start3A_75 : memref<128xi32, #tpu.memory_space<vmem>>) semaphore(%arg16 : memref<!tpu.dma_semaphore, #tpu.memory_space<semaphore_mem>>)
    %jit3A_79 = arith.constant 4 : i32
    %div3A = arith.divsi %select_n3A, %jit3A_79 : i32
    %sign3A = arith.constant 0 : i32
    %sign3A_80 = arith.cmpi sgt, %select_n3A, %sign3A : i32
    %sign3A_81 = arith.extui %sign3A_80 : i1 to i32
    %sign3A_82 = arith.constant 0 : i32
    %sign3A_83 = arith.cmpi slt, %select_n3A, %sign3A_82 : i32
    %sign3A_84 = arith.extui %sign3A_83 : i1 to i32
    %sign3A_85 = arith.subi %sign3A_81, %sign3A_84 : i32
    %sign3A_86 = arith.constant 0 : i32
    %sign3A_87 = arith.cmpi sgt, %jit3A_79, %sign3A_86 : i32
    %sign3A_88 = arith.extui %sign3A_87 : i1 to i32
    %sign3A_89 = arith.constant 0 : i32
    %sign3A_90 = arith.cmpi slt, %jit3A_79, %sign3A_89 : i32
    %sign3A_91 = arith.extui %sign3A_90 : i1 to i32
    %sign3A_92 = arith.subi %sign3A_88, %sign3A_91 : i32
    %ne3A = arith.cmpi ne, %sign3A_85, %sign3A_92 : i32
    %rem3A = arith.remsi %select_n3A, %jit3A_79 : i32
    %ne3A_93 = arith.constant 0 : i32
    %ne3A_94 = arith.cmpi ne, %rem3A, %ne3A_93 : i32
    %and3A = arith.andi %ne3A, %ne3A_94 : i1
    %sub3A = arith.constant 1 : i32
    %sub3A_95 = arith.subi %div3A, %sub3A : i32
    %select_n3A_96 = arith.select %and3A, %sub3A_95, %div3A : i32
    %while3A = arith.constant 0 : i32
    %while3A_97 = arith.constant 0 : i32
    %while3A_98 = arith.subi %select_n3A_96, %while3A_97 : i32
    %while3A_99 = arith.addi %while3A_97, %while3A_98 : i32
    %while3A_100 = arith.constant 1 : i32
    %while3A_101 = arith.divsi %while3A_98, %while3A_100 : i32
    %while3A_102 = arith.muli %while3A_101, %while3A_100 : i32
    %while3A_103 = arith.addi %while3A_97, %while3A_102 : i32
    %while3A_104 = arith.constant 1 : i32
    scf.for %while3A_118 = %while3A_97 to %while3A_103 step %while3A_104  : i32 {
      %mul3A_119 = arith.constant 4 : i32
      %mul3A_120 = arith.muli %while3A_118, %mul3A_119 : i32
      %add3A_121 = arith.constant 0 : i32
      %add3A_122 = arith.addi %mul3A_120, %add3A_121 : i32
      %ge3A = arith.constant 1 : i32
      %ge3A_123 = arith.cmpi sge, %add3A_122, %ge3A : i32
      %convert_element_type3A = arith.extui %ge3A_123 : i1 to i32
      %cond3A = arith.constant 0 : i32
      %cond3A_124 = arith.cmpi ne, %convert_element_type3A, %cond3A : i32
      scf.if %cond3A_124 {
        %dma_wait3A_255 = arith.constant 1 : i32
        %dma_wait3A_256 = arith.constant 0 : i32
        %dma_wait3A_257 = tpu.memref_slice %arg9[%dma_wait3A_255, %dma_wait3A_256] : memref<2x128xi32, #tpu.memory_space<vmem>> -> memref<1x128xi32, #tpu.memory_space<vmem>>
        %dma_wait3A_258 = tpu.memref_squeeze %dma_wait3A_257 : memref<1x128xi32, #tpu.memory_space<vmem>> -> memref<128xi32, #tpu.memory_space<vmem>>
        %dma_wait3A_259 = arith.constant 0 : i32
        %dma_wait3A_260 = arith.constant 0 : i32
        %dma_wait3A_261 = tpu.memref_slice %arg5[%dma_wait3A_259, %dma_wait3A_260] : memref<10240x128xf32, #tpu.memory_space<vmem_shared>> -> memref<10240x128xf32, #tpu.memory_space<vmem_shared>>
        tpu.wait_indirect_dma semaphore(%arg19 : memref<!tpu.dma_semaphore, #tpu.memory_space<semaphore_mem>>) src(%arg11 : memref<128x128xf32, #tpu.memory_space<vmem>>) dst(%dma_wait3A_261 : memref<10240x128xf32, #tpu.memory_space<vmem_shared>>)
      } else {
      }
      %add3A_125 = arith.constant 3 : i32
      %add3A_126 = arith.addi %add3A_122, %add3A_125 : i32
      %lt3A = arith.cmpi slt, %add3A_126, %select_n3A : i32
      %convert_element_type3A_127 = arith.extui %lt3A : i1 to i32
      %cond3A_128 = arith.constant 0 : i32
      %cond3A_129 = arith.cmpi ne, %convert_element_type3A_127, %cond3A_128 : i32
      scf.if %cond3A_129 {
        %add3A_255 = arith.constant 3 : i32
        %add3A_256 = arith.addi %add3A_122, %add3A_255 : i32
        %add3A_257 = arith.addi %select_n3A_8, %add3A_256 : i32
        %dma_start3A_258 = arith.constant 0 : i32
        %dma_start3A_259 = arith.constant 0 : i32
        %dma_start3A_260 = tpu.memref_slice %arg2[%add3A_257, %dma_start3A_258, %dma_start3A_259] : memref<2560x2x128xi32, #tpu.memory_space<hbm>> -> memref<1x2x128xi32, #tpu.memory_space<hbm>>
        %dma_start3A_261 = tpu.memref_squeeze %dma_start3A_260 : memref<1x2x128xi32, #tpu.memory_space<hbm>> -> memref<2x128xi32, #tpu.memory_space<hbm>>
        %dma_start3A_262 = arith.constant 0 : i32
        %dma_start3A_263 = arith.constant 0 : i32
        %dma_start3A_264 = tpu.memref_slice %arg2[%add3A_257, %dma_start3A_262, %dma_start3A_263] : memref<2560x2x128xi32, #tpu.memory_space<hbm>> -> memref<1x2x128xi32, #tpu.memory_space<hbm>>
        %dma_start3A_265 = tpu.memref_squeeze %dma_start3A_264 : memref<1x2x128xi32, #tpu.memory_space<hbm>> -> memref<2x128xi32, #tpu.memory_space<hbm>>
        tpu.enqueue_dma source(%dma_start3A_265 : memref<2x128xi32, #tpu.memory_space<hbm>>) target(%arg9 : memref<2x128xi32, #tpu.memory_space<vmem>>) target_semaphore(%arg15 : memref<!tpu.dma_semaphore, #tpu.memory_space<semaphore_mem>>)
      } else {
      }
      %add3A_130 = arith.constant 1 : i32
      %add3A_131 = arith.addi %add3A_122, %add3A_130 : i32
      %lt3A_132 = arith.cmpi slt, %add3A_131, %select_n3A : i32
      %convert_element_type3A_133 = arith.extui %lt3A_132 : i1 to i32
      %cond3A_134 = arith.constant 0 : i32
      %cond3A_135 = arith.cmpi ne, %convert_element_type3A_133, %cond3A_134 : i32
      scf.if %cond3A_135 {
        %add3A_255 = arith.constant 1 : i32
        %add3A_256 = arith.addi %add3A_122, %add3A_255 : i32
        %add3A_257 = arith.addi %select_n3A_8, %add3A_256 : i32
        %dma_wait3A_258 = arith.constant 0 : i32
        %dma_wait3A_259 = arith.constant 0 : i32
        %dma_wait3A_260 = tpu.memref_slice %arg2[%add3A_257, %dma_wait3A_258, %dma_wait3A_259] : memref<2560x2x128xi32, #tpu.memory_space<hbm>> -> memref<1x2x128xi32, #tpu.memory_space<hbm>>
        %dma_wait3A_261 = tpu.memref_squeeze %dma_wait3A_260 : memref<1x2x128xi32, #tpu.memory_space<hbm>> -> memref<2x128xi32, #tpu.memory_space<hbm>>
        %dma_wait3A_262 = arith.constant 0 : i32
        %dma_wait3A_263 = arith.constant 0 : i32
        %dma_wait3A_264 = tpu.memref_slice %arg2[%add3A_257, %dma_wait3A_262, %dma_wait3A_263] : memref<2560x2x128xi32, #tpu.memory_space<hbm>> -> memref<1x2x128xi32, #tpu.memory_space<hbm>>
        %dma_wait3A_265 = tpu.memref_squeeze %dma_wait3A_264 : memref<1x2x128xi32, #tpu.memory_space<hbm>> -> memref<2x128xi32, #tpu.memory_space<hbm>>
        tpu.wait_dma2 semaphore(%arg13 : memref<!tpu.dma_semaphore, #tpu.memory_space<semaphore_mem>>) src(%dma_wait3A_265 : memref<2x128xi32, #tpu.memory_space<hbm>>) dst(%arg7 : memref<2x128xi32, #tpu.memory_space<vmem>>)
        %dma_start3A_266 = arith.constant 0 : i32
        %dma_start3A_267 = arith.constant 0 : i32
        %dma_start3A_268 = tpu.memref_slice %arg7[%dma_start3A_266, %dma_start3A_267] : memref<2x128xi32, #tpu.memory_space<vmem>> -> memref<1x128xi32, #tpu.memory_space<vmem>>
        %dma_start3A_269 = tpu.memref_squeeze %dma_start3A_268 : memref<1x128xi32, #tpu.memory_space<vmem>> -> memref<128xi32, #tpu.memory_space<vmem>>
        %dma_start3A_270 = arith.constant 0 : i32
        %dma_start3A_271 = arith.constant 0 : i32
        %dma_start3A_272 = tpu.memref_slice %arg3[%dma_start3A_270, %dma_start3A_271] : memref<10000x128xf32, #tpu.memory_space<hbm>> -> memref<10000x128xf32, #tpu.memory_space<hbm>>
        tpu.enqueue_indirect_dma source(%dma_start3A_272 : memref<10000x128xf32, #tpu.memory_space<hbm>>) target(%arg11 : memref<128x128xf32, #tpu.memory_space<vmem>>) offsets(%dma_start3A_269 : memref<128xi32, #tpu.memory_space<vmem>>) semaphore(%arg17 : memref<!tpu.dma_semaphore, #tpu.memory_space<semaphore_mem>>)
      } else {
      }
      %dma_wait3A_136 = arith.constant 0 : i32
      %dma_wait3A_137 = arith.constant 0 : i32
      %dma_wait3A_138 = tpu.memref_slice %arg6[%dma_wait3A_136, %dma_wait3A_137] : memref<2x128xi32, #tpu.memory_space<vmem>> -> memref<1x128xi32, #tpu.memory_space<vmem>>
      %dma_wait3A_139 = tpu.memref_squeeze %dma_wait3A_138 : memref<1x128xi32, #tpu.memory_space<vmem>> -> memref<128xi32, #tpu.memory_space<vmem>>
      %dma_wait3A_140 = arith.constant 0 : i32
      %dma_wait3A_141 = arith.constant 0 : i32
      %dma_wait3A_142 = tpu.memref_slice %arg3[%dma_wait3A_140, %dma_wait3A_141] : memref<10000x128xf32, #tpu.memory_space<hbm>> -> memref<10000x128xf32, #tpu.memory_space<hbm>>
      tpu.wait_indirect_dma semaphore(%arg16 : memref<!tpu.dma_semaphore, #tpu.memory_space<semaphore_mem>>) src(%dma_wait3A_142 : memref<10000x128xf32, #tpu.memory_space<hbm>>) dst(%arg10 : memref<128x128xf32, #tpu.memory_space<vmem>>)
      %dma_start3A_143 = arith.constant 1 : i32
      %dma_start3A_144 = arith.constant 0 : i32
      %dma_start3A_145 = tpu.memref_slice %arg6[%dma_start3A_143, %dma_start3A_144] : memref<2x128xi32, #tpu.memory_space<vmem>> -> memref<1x128xi32, #tpu.memory_space<vmem>>
      %dma_start3A_146 = tpu.memref_squeeze %dma_start3A_145 : memref<1x128xi32, #tpu.memory_space<vmem>> -> memref<128xi32, #tpu.memory_space<vmem>>
      %dma_start3A_147 = arith.constant 0 : i32
      %dma_start3A_148 = arith.constant 0 : i32
      %dma_start3A_149 = tpu.memref_slice %arg5[%dma_start3A_147, %dma_start3A_148] : memref<10240x128xf32, #tpu.memory_space<vmem_shared>> -> memref<10240x128xf32, #tpu.memory_space<vmem_shared>>
      tpu.enqueue_indirect_dma source(%arg10 : memref<128x128xf32, #tpu.memory_space<vmem>>) target(%dma_start3A_149 : memref<10240x128xf32, #tpu.memory_space<vmem_shared>>) offsets(%dma_start3A_146 : memref<128xi32, #tpu.memory_space<vmem>>) semaphore(%arg18 : memref<!tpu.dma_semaphore, #tpu.memory_space<semaphore_mem>>) {add = true}
      %mul3A_150 = arith.constant 4 : i32
      %mul3A_151 = arith.muli %while3A_118, %mul3A_150 : i32
      %add3A_152 = arith.constant 1 : i32
      %add3A_153 = arith.addi %mul3A_151, %add3A_152 : i32
      %ge3A_154 = arith.constant 1 : i32
      %ge3A_155 = arith.cmpi sge, %add3A_153, %ge3A_154 : i32
      %convert_element_type3A_156 = arith.extui %ge3A_155 : i1 to i32
      %cond3A_157 = arith.constant 0 : i32
      %cond3A_158 = arith.cmpi ne, %convert_element_type3A_156, %cond3A_157 : i32
      scf.if %cond3A_158 {
        %dma_wait3A_255 = arith.constant 1 : i32
        %dma_wait3A_256 = arith.constant 0 : i32
        %dma_wait3A_257 = tpu.memref_slice %arg6[%dma_wait3A_255, %dma_wait3A_256] : memref<2x128xi32, #tpu.memory_space<vmem>> -> memref<1x128xi32, #tpu.memory_space<vmem>>
        %dma_wait3A_258 = tpu.memref_squeeze %dma_wait3A_257 : memref<1x128xi32, #tpu.memory_space<vmem>> -> memref<128xi32, #tpu.memory_space<vmem>>
        %dma_wait3A_259 = arith.constant 0 : i32
        %dma_wait3A_260 = arith.constant 0 : i32
        %dma_wait3A_261 = tpu.memref_slice %arg5[%dma_wait3A_259, %dma_wait3A_260] : memref<10240x128xf32, #tpu.memory_space<vmem_shared>> -> memref<10240x128xf32, #tpu.memory_space<vmem_shared>>
        tpu.wait_indirect_dma semaphore(%arg18 : memref<!tpu.dma_semaphore, #tpu.memory_space<semaphore_mem>>) src(%arg10 : memref<128x128xf32, #tpu.memory_space<vmem>>) dst(%dma_wait3A_261 : memref<10240x128xf32, #tpu.memory_space<vmem_shared>>)
      } else {
      }
      %add3A_159 = arith.constant 3 : i32
      %add3A_160 = arith.addi %add3A_153, %add3A_159 : i32
      %lt3A_161 = arith.cmpi slt, %add3A_160, %select_n3A : i32
      %convert_element_type3A_162 = arith.extui %lt3A_161 : i1 to i32
      %cond3A_163 = arith.constant 0 : i32
      %cond3A_164 = arith.cmpi ne, %convert_element_type3A_162, %cond3A_163 : i32
      scf.if %cond3A_164 {
        %add3A_255 = arith.constant 3 : i32
        %add3A_256 = arith.addi %add3A_153, %add3A_255 : i32
        %add3A_257 = arith.addi %select_n3A_8, %add3A_256 : i32
        %dma_start3A_258 = arith.constant 0 : i32
        %dma_start3A_259 = arith.constant 0 : i32
        %dma_start3A_260 = tpu.memref_slice %arg2[%add3A_257, %dma_start3A_258, %dma_start3A_259] : memref<2560x2x128xi32, #tpu.memory_space<hbm>> -> memref<1x2x128xi32, #tpu.memory_space<hbm>>
        %dma_start3A_261 = tpu.memref_squeeze %dma_start3A_260 : memref<1x2x128xi32, #tpu.memory_space<hbm>> -> memref<2x128xi32, #tpu.memory_space<hbm>>
        %dma_start3A_262 = arith.constant 0 : i32
        %dma_start3A_263 = arith.constant 0 : i32
        %dma_start3A_264 = tpu.memref_slice %arg2[%add3A_257, %dma_start3A_262, %dma_start3A_263] : memref<2560x2x128xi32, #tpu.memory_space<hbm>> -> memref<1x2x128xi32, #tpu.memory_space<hbm>>
        %dma_start3A_265 = tpu.memref_squeeze %dma_start3A_264 : memref<1x2x128xi32, #tpu.memory_space<hbm>> -> memref<2x128xi32, #tpu.memory_space<hbm>>
        tpu.enqueue_dma source(%dma_start3A_265 : memref<2x128xi32, #tpu.memory_space<hbm>>) target(%arg6 : memref<2x128xi32, #tpu.memory_space<vmem>>) target_semaphore(%arg12 : memref<!tpu.dma_semaphore, #tpu.memory_space<semaphore_mem>>)
      } else {
      }
      %add3A_165 = arith.constant 1 : i32
      %add3A_166 = arith.addi %add3A_153, %add3A_165 : i32
      %lt3A_167 = arith.cmpi slt, %add3A_166, %select_n3A : i32
      %convert_element_type3A_168 = arith.extui %lt3A_167 : i1 to i32
      %cond3A_169 = arith.constant 0 : i32
      %cond3A_170 = arith.cmpi ne, %convert_element_type3A_168, %cond3A_169 : i32
      scf.if %cond3A_170 {
        %add3A_255 = arith.constant 1 : i32
        %add3A_256 = arith.addi %add3A_153, %add3A_255 : i32
        %add3A_257 = arith.addi %select_n3A_8, %add3A_256 : i32
        %dma_wait3A_258 = arith.constant 0 : i32
        %dma_wait3A_259 = arith.constant 0 : i32
        %dma_wait3A_260 = tpu.memref_slice %arg2[%add3A_257, %dma_wait3A_258, %dma_wait3A_259] : memref<2560x2x128xi32, #tpu.memory_space<hbm>> -> memref<1x2x128xi32, #tpu.memory_space<hbm>>
        %dma_wait3A_261 = tpu.memref_squeeze %dma_wait3A_260 : memref<1x2x128xi32, #tpu.memory_space<hbm>> -> memref<2x128xi32, #tpu.memory_space<hbm>>
        %dma_wait3A_262 = arith.constant 0 : i32
        %dma_wait3A_263 = arith.constant 0 : i32
        %dma_wait3A_264 = tpu.memref_slice %arg2[%add3A_257, %dma_wait3A_262, %dma_wait3A_263] : memref<2560x2x128xi32, #tpu.memory_space<hbm>> -> memref<1x2x128xi32, #tpu.memory_space<hbm>>
        %dma_wait3A_265 = tpu.memref_squeeze %dma_wait3A_264 : memref<1x2x128xi32, #tpu.memory_space<hbm>> -> memref<2x128xi32, #tpu.memory_space<hbm>>
        tpu.wait_dma2 semaphore(%arg14 : memref<!tpu.dma_semaphore, #tpu.memory_space<semaphore_mem>>) src(%dma_wait3A_265 : memref<2x128xi32, #tpu.memory_space<hbm>>) dst(%arg8 : memref<2x128xi32, #tpu.memory_space<vmem>>)
        %dma_start3A_266 = arith.constant 0 : i32
        %dma_start3A_267 = arith.constant 0 : i32
        %dma_start3A_268 = tpu.memref_slice %arg8[%dma_start3A_266, %dma_start3A_267] : memref<2x128xi32, #tpu.memory_space<vmem>> -> memref<1x128xi32, #tpu.memory_space<vmem>>
        %dma_start3A_269 = tpu.memref_squeeze %dma_start3A_268 : memref<1x128xi32, #tpu.memory_space<vmem>> -> memref<128xi32, #tpu.memory_space<vmem>>
        %dma_start3A_270 = arith.constant 0 : i32
        %dma_start3A_271 = arith.constant 0 : i32
        %dma_start3A_272 = tpu.memref_slice %arg3[%dma_start3A_270, %dma_start3A_271] : memref<10000x128xf32, #tpu.memory_space<hbm>> -> memref<10000x128xf32, #tpu.memory_space<hbm>>
        tpu.enqueue_indirect_dma source(%dma_start3A_272 : memref<10000x128xf32, #tpu.memory_space<hbm>>) target(%arg10 : memref<128x128xf32, #tpu.memory_space<vmem>>) offsets(%dma_start3A_269 : memref<128xi32, #tpu.memory_space<vmem>>) semaphore(%arg16 : memref<!tpu.dma_semaphore, #tpu.memory_space<semaphore_mem>>)
      } else {
      }
      %dma_wait3A_171 = arith.constant 0 : i32
      %dma_wait3A_172 = arith.constant 0 : i32
      %dma_wait3A_173 = tpu.memref_slice %arg7[%dma_wait3A_171, %dma_wait3A_172] : memref<2x128xi32, #tpu.memory_space<vmem>> -> memref<1x128xi32, #tpu.memory_space<vmem>>
      %dma_wait3A_174 = tpu.memref_squeeze %dma_wait3A_173 : memref<1x128xi32, #tpu.memory_space<vmem>> -> memref<128xi32, #tpu.memory_space<vmem>>
      %dma_wait3A_175 = arith.constant 0 : i32
      %dma_wait3A_176 = arith.constant 0 : i32
      %dma_wait3A_177 = tpu.memref_slice %arg3[%dma_wait3A_175, %dma_wait3A_176] : memref<10000x128xf32, #tpu.memory_space<hbm>> -> memref<10000x128xf32, #tpu.memory_space<hbm>>
      tpu.wait_indirect_dma semaphore(%arg17 : memref<!tpu.dma_semaphore, #tpu.memory_space<semaphore_mem>>) src(%dma_wait3A_177 : memref<10000x128xf32, #tpu.memory_space<hbm>>) dst(%arg11 : memref<128x128xf32, #tpu.memory_space<vmem>>)
      %dma_start3A_178 = arith.constant 1 : i32
      %dma_start3A_179 = arith.constant 0 : i32
      %dma_start3A_180 = tpu.memref_slice %arg7[%dma_start3A_178, %dma_start3A_179] : memref<2x128xi32, #tpu.memory_space<vmem>> -> memref<1x128xi32, #tpu.memory_space<vmem>>
      %dma_start3A_181 = tpu.memref_squeeze %dma_start3A_180 : memref<1x128xi32, #tpu.memory_space<vmem>> -> memref<128xi32, #tpu.memory_space<vmem>>
      %dma_start3A_182 = arith.constant 0 : i32
      %dma_start3A_183 = arith.constant 0 : i32
      %dma_start3A_184 = tpu.memref_slice %arg5[%dma_start3A_182, %dma_start3A_183] : memref<10240x128xf32, #tpu.memory_space<vmem_shared>> -> memref<10240x128xf32, #tpu.memory_space<vmem_shared>>
      tpu.enqueue_indirect_dma source(%arg11 : memref<128x128xf32, #tpu.memory_space<vmem>>) target(%dma_start3A_184 : memref<10240x128xf32, #tpu.memory_space<vmem_shared>>) offsets(%dma_start3A_181 : memref<128xi32, #tpu.memory_space<vmem>>) semaphore(%arg19 : memref<!tpu.dma_semaphore, #tpu.memory_space<semaphore_mem>>) {add = true}
      %mul3A_185 = arith.constant 4 : i32
      %mul3A_186 = arith.muli %while3A_118, %mul3A_185 : i32
      %add3A_187 = arith.constant 2 : i32
      %add3A_188 = arith.addi %mul3A_186, %add3A_187 : i32
      %ge3A_189 = arith.constant 1 : i32
      %ge3A_190 = arith.cmpi sge, %add3A_188, %ge3A_189 : i32
      %convert_element_type3A_191 = arith.extui %ge3A_190 : i1 to i32
      %cond3A_192 = arith.constant 0 : i32
      %cond3A_193 = arith.cmpi ne, %convert_element_type3A_191, %cond3A_192 : i32
      scf.if %cond3A_193 {
        %dma_wait3A_255 = arith.constant 1 : i32
        %dma_wait3A_256 = arith.constant 0 : i32
        %dma_wait3A_257 = tpu.memref_slice %arg7[%dma_wait3A_255, %dma_wait3A_256] : memref<2x128xi32, #tpu.memory_space<vmem>> -> memref<1x128xi32, #tpu.memory_space<vmem>>
        %dma_wait3A_258 = tpu.memref_squeeze %dma_wait3A_257 : memref<1x128xi32, #tpu.memory_space<vmem>> -> memref<128xi32, #tpu.memory_space<vmem>>
        %dma_wait3A_259 = arith.constant 0 : i32
        %dma_wait3A_260 = arith.constant 0 : i32
        %dma_wait3A_261 = tpu.memref_slice %arg5[%dma_wait3A_259, %dma_wait3A_260] : memref<10240x128xf32, #tpu.memory_space<vmem_shared>> -> memref<10240x128xf32, #tpu.memory_space<vmem_shared>>
        tpu.wait_indirect_dma semaphore(%arg19 : memref<!tpu.dma_semaphore, #tpu.memory_space<semaphore_mem>>) src(%arg11 : memref<128x128xf32, #tpu.memory_space<vmem>>) dst(%dma_wait3A_261 : memref<10240x128xf32, #tpu.memory_space<vmem_shared>>)
      } else {
      }
      %add3A_194 = arith.constant 3 : i32
      %add3A_195 = arith.addi %add3A_188, %add3A_194 : i32
      %lt3A_196 = arith.cmpi slt, %add3A_195, %select_n3A : i32
      %convert_element_type3A_197 = arith.extui %lt3A_196 : i1 to i32
      %cond3A_198 = arith.constant 0 : i32
      %cond3A_199 = arith.cmpi ne, %convert_element_type3A_197, %cond3A_198 : i32
      scf.if %cond3A_199 {
        %add3A_255 = arith.constant 3 : i32
        %add3A_256 = arith.addi %add3A_188, %add3A_255 : i32
        %add3A_257 = arith.addi %select_n3A_8, %add3A_256 : i32
        %dma_start3A_258 = arith.constant 0 : i32
        %dma_start3A_259 = arith.constant 0 : i32
        %dma_start3A_260 = tpu.memref_slice %arg2[%add3A_257, %dma_start3A_258, %dma_start3A_259] : memref<2560x2x128xi32, #tpu.memory_space<hbm>> -> memref<1x2x128xi32, #tpu.memory_space<hbm>>
        %dma_start3A_261 = tpu.memref_squeeze %dma_start3A_260 : memref<1x2x128xi32, #tpu.memory_space<hbm>> -> memref<2x128xi32, #tpu.memory_space<hbm>>
        %dma_start3A_262 = arith.constant 0 : i32
        %dma_start3A_263 = arith.constant 0 : i32
        %dma_start3A_264 = tpu.memref_slice %arg2[%add3A_257, %dma_start3A_262, %dma_start3A_263] : memref<2560x2x128xi32, #tpu.memory_space<hbm>> -> memref<1x2x128xi32, #tpu.memory_space<hbm>>
        %dma_start3A_265 = tpu.memref_squeeze %dma_start3A_264 : memref<1x2x128xi32, #tpu.memory_space<hbm>> -> memref<2x128xi32, #tpu.memory_space<hbm>>
        tpu.enqueue_dma source(%dma_start3A_265 : memref<2x128xi32, #tpu.memory_space<hbm>>) target(%arg7 : memref<2x128xi32, #tpu.memory_space<vmem>>) target_semaphore(%arg13 : memref<!tpu.dma_semaphore, #tpu.memory_space<semaphore_mem>>)
      } else {
      }
      %add3A_200 = arith.constant 1 : i32
      %add3A_201 = arith.addi %add3A_188, %add3A_200 : i32
      %lt3A_202 = arith.cmpi slt, %add3A_201, %select_n3A : i32
      %convert_element_type3A_203 = arith.extui %lt3A_202 : i1 to i32
      %cond3A_204 = arith.constant 0 : i32
      %cond3A_205 = arith.cmpi ne, %convert_element_type3A_203, %cond3A_204 : i32
      scf.if %cond3A_205 {
        %add3A_255 = arith.constant 1 : i32
        %add3A_256 = arith.addi %add3A_188, %add3A_255 : i32
        %add3A_257 = arith.addi %select_n3A_8, %add3A_256 : i32
        %dma_wait3A_258 = arith.constant 0 : i32
        %dma_wait3A_259 = arith.constant 0 : i32
        %dma_wait3A_260 = tpu.memref_slice %arg2[%add3A_257, %dma_wait3A_258, %dma_wait3A_259] : memref<2560x2x128xi32, #tpu.memory_space<hbm>> -> memref<1x2x128xi32, #tpu.memory_space<hbm>>
        %dma_wait3A_261 = tpu.memref_squeeze %dma_wait3A_260 : memref<1x2x128xi32, #tpu.memory_space<hbm>> -> memref<2x128xi32, #tpu.memory_space<hbm>>
        %dma_wait3A_262 = arith.constant 0 : i32
        %dma_wait3A_263 = arith.constant 0 : i32
        %dma_wait3A_264 = tpu.memref_slice %arg2[%add3A_257, %dma_wait3A_262, %dma_wait3A_263] : memref<2560x2x128xi32, #tpu.memory_space<hbm>> -> memref<1x2x128xi32, #tpu.memory_space<hbm>>
        %dma_wait3A_265 = tpu.memref_squeeze %dma_wait3A_264 : memref<1x2x128xi32, #tpu.memory_space<hbm>> -> memref<2x128xi32, #tpu.memory_space<hbm>>
        tpu.wait_dma2 semaphore(%arg15 : memref<!tpu.dma_semaphore, #tpu.memory_space<semaphore_mem>>) src(%dma_wait3A_265 : memref<2x128xi32, #tpu.memory_space<hbm>>) dst(%arg9 : memref<2x128xi32, #tpu.memory_space<vmem>>)
        %dma_start3A_266 = arith.constant 0 : i32
        %dma_start3A_267 = arith.constant 0 : i32
        %dma_start3A_268 = tpu.memref_slice %arg9[%dma_start3A_266, %dma_start3A_267] : memref<2x128xi32, #tpu.memory_space<vmem>> -> memref<1x128xi32, #tpu.memory_space<vmem>>
        %dma_start3A_269 = tpu.memref_squeeze %dma_start3A_268 : memref<1x128xi32, #tpu.memory_space<vmem>> -> memref<128xi32, #tpu.memory_space<vmem>>
        %dma_start3A_270 = arith.constant 0 : i32
        %dma_start3A_271 = arith.constant 0 : i32
        %dma_start3A_272 = tpu.memref_slice %arg3[%dma_start3A_270, %dma_start3A_271] : memref<10000x128xf32, #tpu.memory_space<hbm>> -> memref<10000x128xf32, #tpu.memory_space<hbm>>
        tpu.enqueue_indirect_dma source(%dma_start3A_272 : memref<10000x128xf32, #tpu.memory_space<hbm>>) target(%arg11 : memref<128x128xf32, #tpu.memory_space<vmem>>) offsets(%dma_start3A_269 : memref<128xi32, #tpu.memory_space<vmem>>) semaphore(%arg17 : memref<!tpu.dma_semaphore, #tpu.memory_space<semaphore_mem>>)
      } else {
      }
      %dma_wait3A_206 = arith.constant 0 : i32
      %dma_wait3A_207 = arith.constant 0 : i32
      %dma_wait3A_208 = tpu.memref_slice %arg8[%dma_wait3A_206, %dma_wait3A_207] : memref<2x128xi32, #tpu.memory_space<vmem>> -> memref<1x128xi32, #tpu.memory_space<vmem>>
      %dma_wait3A_209 = tpu.memref_squeeze %dma_wait3A_208 : memref<1x128xi32, #tpu.memory_space<vmem>> -> memref<128xi32, #tpu.memory_space<vmem>>
      %dma_wait3A_210 = arith.constant 0 : i32
      %dma_wait3A_211 = arith.constant 0 : i32
      %dma_wait3A_212 = tpu.memref_slice %arg3[%dma_wait3A_210, %dma_wait3A_211] : memref<10000x128xf32, #tpu.memory_space<hbm>> -> memref<10000x128xf32, #tpu.memory_space<hbm>>
      tpu.wait_indirect_dma semaphore(%arg16 : memref<!tpu.dma_semaphore, #tpu.memory_space<semaphore_mem>>) src(%dma_wait3A_212 : memref<10000x128xf32, #tpu.memory_space<hbm>>) dst(%arg10 : memref<128x128xf32, #tpu.memory_space<vmem>>)
      %dma_start3A_213 = arith.constant 1 : i32
      %dma_start3A_214 = arith.constant 0 : i32
      %dma_start3A_215 = tpu.memref_slice %arg8[%dma_start3A_213, %dma_start3A_214] : memref<2x128xi32, #tpu.memory_space<vmem>> -> memref<1x128xi32, #tpu.memory_space<vmem>>
      %dma_start3A_216 = tpu.memref_squeeze %dma_start3A_215 : memref<1x128xi32, #tpu.memory_space<vmem>> -> memref<128xi32, #tpu.memory_space<vmem>>
      %dma_start3A_217 = arith.constant 0 : i32
      %dma_start3A_218 = arith.constant 0 : i32
      %dma_start3A_219 = tpu.memref_slice %arg5[%dma_start3A_217, %dma_start3A_218] : memref<10240x128xf32, #tpu.memory_space<vmem_shared>> -> memref<10240x128xf32, #tpu.memory_space<vmem_shared>>
      tpu.enqueue_indirect_dma source(%arg10 : memref<128x128xf32, #tpu.memory_space<vmem>>) target(%dma_start3A_219 : memref<10240x128xf32, #tpu.memory_space<vmem_shared>>) offsets(%dma_start3A_216 : memref<128xi32, #tpu.memory_space<vmem>>) semaphore(%arg18 : memref<!tpu.dma_semaphore, #tpu.memory_space<semaphore_mem>>) {add = true}
      %mul3A_220 = arith.constant 4 : i32
      %mul3A_221 = arith.muli %while3A_118, %mul3A_220 : i32
      %add3A_222 = arith.constant 3 : i32
      %add3A_223 = arith.addi %mul3A_221, %add3A_222 : i32
      %ge3A_224 = arith.constant 1 : i32
      %ge3A_225 = arith.cmpi sge, %add3A_223, %ge3A_224 : i32
      %convert_element_type3A_226 = arith.extui %ge3A_225 : i1 to i32
      %cond3A_227 = arith.constant 0 : i32
      %cond3A_228 = arith.cmpi ne, %convert_element_type3A_226, %cond3A_227 : i32
      scf.if %cond3A_228 {
        %dma_wait3A_255 = arith.constant 1 : i32
        %dma_wait3A_256 = arith.constant 0 : i32
        %dma_wait3A_257 = tpu.memref_slice %arg8[%dma_wait3A_255, %dma_wait3A_256] : memref<2x128xi32, #tpu.memory_space<vmem>> -> memref<1x128xi32, #tpu.memory_space<vmem>>
        %dma_wait3A_258 = tpu.memref_squeeze %dma_wait3A_257 : memref<1x128xi32, #tpu.memory_space<vmem>> -> memref<128xi32, #tpu.memory_space<vmem>>
        %dma_wait3A_259 = arith.constant 0 : i32
        %dma_wait3A_260 = arith.constant 0 : i32
        %dma_wait3A_261 = tpu.memref_slice %arg5[%dma_wait3A_259, %dma_wait3A_260] : memref<10240x128xf32, #tpu.memory_space<vmem_shared>> -> memref<10240x128xf32, #tpu.memory_space<vmem_shared>>
        tpu.wait_indirect_dma semaphore(%arg18 : memref<!tpu.dma_semaphore, #tpu.memory_space<semaphore_mem>>) src(%arg10 : memref<128x128xf32, #tpu.memory_space<vmem>>) dst(%dma_wait3A_261 : memref<10240x128xf32, #tpu.memory_space<vmem_shared>>)
      } else {
      }
      %add3A_229 = arith.constant 3 : i32
      %add3A_230 = arith.addi %add3A_223, %add3A_229 : i32
      %lt3A_231 = arith.cmpi slt, %add3A_230, %select_n3A : i32
      %convert_element_type3A_232 = arith.extui %lt3A_231 : i1 to i32
      %cond3A_233 = arith.constant 0 : i32
      %cond3A_234 = arith.cmpi ne, %convert_element_type3A_232, %cond3A_233 : i32
      scf.if %cond3A_234 {
        %add3A_255 = arith.constant 3 : i32
        %add3A_256 = arith.addi %add3A_223, %add3A_255 : i32
        %add3A_257 = arith.addi %select_n3A_8, %add3A_256 : i32
        %dma_start3A_258 = arith.constant 0 : i32
        %dma_start3A_259 = arith.constant 0 : i32
        %dma_start3A_260 = tpu.memref_slice %arg2[%add3A_257, %dma_start3A_258, %dma_start3A_259] : memref<2560x2x128xi32, #tpu.memory_space<hbm>> -> memref<1x2x128xi32, #tpu.memory_space<hbm>>
        %dma_start3A_261 = tpu.memref_squeeze %dma_start3A_260 : memref<1x2x128xi32, #tpu.memory_space<hbm>> -> memref<2x128xi32, #tpu.memory_space<hbm>>
        %dma_start3A_262 = arith.constant 0 : i32
        %dma_start3A_263 = arith.constant 0 : i32
        %dma_start3A_264 = tpu.memref_slice %arg2[%add3A_257, %dma_start3A_262, %dma_start3A_263] : memref<2560x2x128xi32, #tpu.memory_space<hbm>> -> memref<1x2x128xi32, #tpu.memory_space<hbm>>
        %dma_start3A_265 = tpu.memref_squeeze %dma_start3A_264 : memref<1x2x128xi32, #tpu.memory_space<hbm>> -> memref<2x128xi32, #tpu.memory_space<hbm>>
        tpu.enqueue_dma source(%dma_start3A_265 : memref<2x128xi32, #tpu.memory_space<hbm>>) target(%arg8 : memref<2x128xi32, #tpu.memory_space<vmem>>) target_semaphore(%arg14 : memref<!tpu.dma_semaphore, #tpu.memory_space<semaphore_mem>>)
      } else {
      }
      %add3A_235 = arith.constant 1 : i32
      %add3A_236 = arith.addi %add3A_223, %add3A_235 : i32
      %lt3A_237 = arith.cmpi slt, %add3A_236, %select_n3A : i32
      %convert_element_type3A_238 = arith.extui %lt3A_237 : i1 to i32
      %cond3A_239 = arith.constant 0 : i32
      %cond3A_240 = arith.cmpi ne, %convert_element_type3A_238, %cond3A_239 : i32
      scf.if %cond3A_240 {
        %add3A_255 = arith.constant 1 : i32
        %add3A_256 = arith.addi %add3A_223, %add3A_255 : i32
        %add3A_257 = arith.addi %select_n3A_8, %add3A_256 : i32
        %dma_wait3A_258 = arith.constant 0 : i32
        %dma_wait3A_259 = arith.constant 0 : i32
        %dma_wait3A_260 = tpu.memref_slice %arg2[%add3A_257, %dma_wait3A_258, %dma_wait3A_259] : memref<2560x2x128xi32, #tpu.memory_space<hbm>> -> memref<1x2x128xi32, #tpu.memory_space<hbm>>
        %dma_wait3A_261 = tpu.memref_squeeze %dma_wait3A_260 : memref<1x2x128xi32, #tpu.memory_space<hbm>> -> memref<2x128xi32, #tpu.memory_space<hbm>>
        %dma_wait3A_262 = arith.constant 0 : i32
        %dma_wait3A_263 = arith.constant 0 : i32
        %dma_wait3A_264 = tpu.memref_slice %arg2[%add3A_257, %dma_wait3A_262, %dma_wait3A_263] : memref<2560x2x128xi32, #tpu.memory_space<hbm>> -> memref<1x2x128xi32, #tpu.memory_space<hbm>>
        %dma_wait3A_265 = tpu.memref_squeeze %dma_wait3A_264 : memref<1x2x128xi32, #tpu.memory_space<hbm>> -> memref<2x128xi32, #tpu.memory_space<hbm>>
        tpu.wait_dma2 semaphore(%arg12 : memref<!tpu.dma_semaphore, #tpu.memory_space<semaphore_mem>>) src(%dma_wait3A_265 : memref<2x128xi32, #tpu.memory_space<hbm>>) dst(%arg6 : memref<2x128xi32, #tpu.memory_space<vmem>>)
        %dma_start3A_266 = arith.constant 0 : i32
        %dma_start3A_267 = arith.constant 0 : i32
        %dma_start3A_268 = tpu.memref_slice %arg6[%dma_start3A_266, %dma_start3A_267] : memref<2x128xi32, #tpu.memory_space<vmem>> -> memref<1x128xi32, #tpu.memory_space<vmem>>
        %dma_start3A_269 = tpu.memref_squeeze %dma_start3A_268 : memref<1x128xi32, #tpu.memory_space<vmem>> -> memref<128xi32, #tpu.memory_space<vmem>>
        %dma_start3A_270 = arith.constant 0 : i32
        %dma_start3A_271 = arith.constant 0 : i32
        %dma_start3A_272 = tpu.memref_slice %arg3[%dma_start3A_270, %dma_start3A_271] : memref<10000x128xf32, #tpu.memory_space<hbm>> -> memref<10000x128xf32, #tpu.memory_space<hbm>>
        tpu.enqueue_indirect_dma source(%dma_start3A_272 : memref<10000x128xf32, #tpu.memory_space<hbm>>) target(%arg10 : memref<128x128xf32, #tpu.memory_space<vmem>>) offsets(%dma_start3A_269 : memref<128xi32, #tpu.memory_space<vmem>>) semaphore(%arg16 : memref<!tpu.dma_semaphore, #tpu.memory_space<semaphore_mem>>)
      } else {
      }
      %dma_wait3A_241 = arith.constant 0 : i32
      %dma_wait3A_242 = arith.constant 0 : i32
      %dma_wait3A_243 = tpu.memref_slice %arg9[%dma_wait3A_241, %dma_wait3A_242] : memref<2x128xi32, #tpu.memory_space<vmem>> -> memref<1x128xi32, #tpu.memory_space<vmem>>
      %dma_wait3A_244 = tpu.memref_squeeze %dma_wait3A_243 : memref<1x128xi32, #tpu.memory_space<vmem>> -> memref<128xi32, #tpu.memory_space<vmem>>
      %dma_wait3A_245 = arith.constant 0 : i32
      %dma_wait3A_246 = arith.constant 0 : i32
      %dma_wait3A_247 = tpu.memref_slice %arg3[%dma_wait3A_245, %dma_wait3A_246] : memref<10000x128xf32, #tpu.memory_space<hbm>> -> memref<10000x128xf32, #tpu.memory_space<hbm>>
      tpu.wait_indirect_dma semaphore(%arg17 : memref<!tpu.dma_semaphore, #tpu.memory_space<semaphore_mem>>) src(%dma_wait3A_247 : memref<10000x128xf32, #tpu.memory_space<hbm>>) dst(%arg11 : memref<128x128xf32, #tpu.memory_space<vmem>>)
      %dma_start3A_248 = arith.constant 1 : i32
      %dma_start3A_249 = arith.constant 0 : i32
      %dma_start3A_250 = tpu.memref_slice %arg9[%dma_start3A_248, %dma_start3A_249] : memref<2x128xi32, #tpu.memory_space<vmem>> -> memref<1x128xi32, #tpu.memory_space<vmem>>
      %dma_start3A_251 = tpu.memref_squeeze %dma_start3A_250 : memref<1x128xi32, #tpu.memory_space<vmem>> -> memref<128xi32, #tpu.memory_space<vmem>>
      %dma_start3A_252 = arith.constant 0 : i32
      %dma_start3A_253 = arith.constant 0 : i32
      %dma_start3A_254 = tpu.memref_slice %arg5[%dma_start3A_252, %dma_start3A_253] : memref<10240x128xf32, #tpu.memory_space<vmem_shared>> -> memref<10240x128xf32, #tpu.memory_space<vmem_shared>>
      tpu.enqueue_indirect_dma source(%arg11 : memref<128x128xf32, #tpu.memory_space<vmem>>) target(%dma_start3A_254 : memref<10240x128xf32, #tpu.memory_space<vmem_shared>>) offsets(%dma_start3A_251 : memref<128xi32, #tpu.memory_space<vmem>>) semaphore(%arg19 : memref<!tpu.dma_semaphore, #tpu.memory_space<semaphore_mem>>) {add = true}
    }
    %while3A_105 = arith.constant 1 : i32
    scf.for %while3A_118 = %while3A_103 to %while3A_99 step %while3A_105  : i32 {
      %mul3A_119 = arith.constant 4 : i32
      %mul3A_120 = arith.muli %while3A_118, %mul3A_119 : i32
      %add3A_121 = arith.constant 0 : i32
      %add3A_122 = arith.addi %mul3A_120, %add3A_121 : i32
      %ge3A = arith.constant 1 : i32
      %ge3A_123 = arith.cmpi sge, %add3A_122, %ge3A : i32
      %convert_element_type3A = arith.extui %ge3A_123 : i1 to i32
      %cond3A = arith.constant 0 : i32
      %cond3A_124 = arith.cmpi ne, %convert_element_type3A, %cond3A : i32
      scf.if %cond3A_124 {
        %dma_wait3A_255 = arith.constant 1 : i32
        %dma_wait3A_256 = arith.constant 0 : i32
        %dma_wait3A_257 = tpu.memref_slice %arg9[%dma_wait3A_255, %dma_wait3A_256] : memref<2x128xi32, #tpu.memory_space<vmem>> -> memref<1x128xi32, #tpu.memory_space<vmem>>
        %dma_wait3A_258 = tpu.memref_squeeze %dma_wait3A_257 : memref<1x128xi32, #tpu.memory_space<vmem>> -> memref<128xi32, #tpu.memory_space<vmem>>
        %dma_wait3A_259 = arith.constant 0 : i32
        %dma_wait3A_260 = arith.constant 0 : i32
        %dma_wait3A_261 = tpu.memref_slice %arg5[%dma_wait3A_259, %dma_wait3A_260] : memref<10240x128xf32, #tpu.memory_space<vmem_shared>> -> memref<10240x128xf32, #tpu.memory_space<vmem_shared>>
        tpu.wait_indirect_dma semaphore(%arg19 : memref<!tpu.dma_semaphore, #tpu.memory_space<semaphore_mem>>) src(%arg11 : memref<128x128xf32, #tpu.memory_space<vmem>>) dst(%dma_wait3A_261 : memref<10240x128xf32, #tpu.memory_space<vmem_shared>>)
      } else {
      }
      %add3A_125 = arith.constant 3 : i32
      %add3A_126 = arith.addi %add3A_122, %add3A_125 : i32
      %lt3A = arith.cmpi slt, %add3A_126, %select_n3A : i32
      %convert_element_type3A_127 = arith.extui %lt3A : i1 to i32
      %cond3A_128 = arith.constant 0 : i32
      %cond3A_129 = arith.cmpi ne, %convert_element_type3A_127, %cond3A_128 : i32
      scf.if %cond3A_129 {
        %add3A_255 = arith.constant 3 : i32
        %add3A_256 = arith.addi %add3A_122, %add3A_255 : i32
        %add3A_257 = arith.addi %select_n3A_8, %add3A_256 : i32
        %dma_start3A_258 = arith.constant 0 : i32
        %dma_start3A_259 = arith.constant 0 : i32
        %dma_start3A_260 = tpu.memref_slice %arg2[%add3A_257, %dma_start3A_258, %dma_start3A_259] : memref<2560x2x128xi32, #tpu.memory_space<hbm>> -> memref<1x2x128xi32, #tpu.memory_space<hbm>>
        %dma_start3A_261 = tpu.memref_squeeze %dma_start3A_260 : memref<1x2x128xi32, #tpu.memory_space<hbm>> -> memref<2x128xi32, #tpu.memory_space<hbm>>
        %dma_start3A_262 = arith.constant 0 : i32
        %dma_start3A_263 = arith.constant 0 : i32
        %dma_start3A_264 = tpu.memref_slice %arg2[%add3A_257, %dma_start3A_262, %dma_start3A_263] : memref<2560x2x128xi32, #tpu.memory_space<hbm>> -> memref<1x2x128xi32, #tpu.memory_space<hbm>>
        %dma_start3A_265 = tpu.memref_squeeze %dma_start3A_264 : memref<1x2x128xi32, #tpu.memory_space<hbm>> -> memref<2x128xi32, #tpu.memory_space<hbm>>
        tpu.enqueue_dma source(%dma_start3A_265 : memref<2x128xi32, #tpu.memory_space<hbm>>) target(%arg9 : memref<2x128xi32, #tpu.memory_space<vmem>>) target_semaphore(%arg15 : memref<!tpu.dma_semaphore, #tpu.memory_space<semaphore_mem>>)
      } else {
      }
      %add3A_130 = arith.constant 1 : i32
      %add3A_131 = arith.addi %add3A_122, %add3A_130 : i32
      %lt3A_132 = arith.cmpi slt, %add3A_131, %select_n3A : i32
      %convert_element_type3A_133 = arith.extui %lt3A_132 : i1 to i32
      %cond3A_134 = arith.constant 0 : i32
      %cond3A_135 = arith.cmpi ne, %convert_element_type3A_133, %cond3A_134 : i32
      scf.if %cond3A_135 {
        %add3A_255 = arith.constant 1 : i32
        %add3A_256 = arith.addi %add3A_122, %add3A_255 : i32
        %add3A_257 = arith.addi %select_n3A_8, %add3A_256 : i32
        %dma_wait3A_258 = arith.constant 0 : i32
        %dma_wait3A_259 = arith.constant 0 : i32
        %dma_wait3A_260 = tpu.memref_slice %arg2[%add3A_257, %dma_wait3A_258, %dma_wait3A_259] : memref<2560x2x128xi32, #tpu.memory_space<hbm>> -> memref<1x2x128xi32, #tpu.memory_space<hbm>>
        %dma_wait3A_261 = tpu.memref_squeeze %dma_wait3A_260 : memref<1x2x128xi32, #tpu.memory_space<hbm>> -> memref<2x128xi32, #tpu.memory_space<hbm>>
        %dma_wait3A_262 = arith.constant 0 : i32
        %dma_wait3A_263 = arith.constant 0 : i32
        %dma_wait3A_264 = tpu.memref_slice %arg2[%add3A_257, %dma_wait3A_262, %dma_wait3A_263] : memref<2560x2x128xi32, #tpu.memory_space<hbm>> -> memref<1x2x128xi32, #tpu.memory_space<hbm>>
        %dma_wait3A_265 = tpu.memref_squeeze %dma_wait3A_264 : memref<1x2x128xi32, #tpu.memory_space<hbm>> -> memref<2x128xi32, #tpu.memory_space<hbm>>
        tpu.wait_dma2 semaphore(%arg13 : memref<!tpu.dma_semaphore, #tpu.memory_space<semaphore_mem>>) src(%dma_wait3A_265 : memref<2x128xi32, #tpu.memory_space<hbm>>) dst(%arg7 : memref<2x128xi32, #tpu.memory_space<vmem>>)
        %dma_start3A_266 = arith.constant 0 : i32
        %dma_start3A_267 = arith.constant 0 : i32
        %dma_start3A_268 = tpu.memref_slice %arg7[%dma_start3A_266, %dma_start3A_267] : memref<2x128xi32, #tpu.memory_space<vmem>> -> memref<1x128xi32, #tpu.memory_space<vmem>>
        %dma_start3A_269 = tpu.memref_squeeze %dma_start3A_268 : memref<1x128xi32, #tpu.memory_space<vmem>> -> memref<128xi32, #tpu.memory_space<vmem>>
        %dma_start3A_270 = arith.constant 0 : i32
        %dma_start3A_271 = arith.constant 0 : i32
        %dma_start3A_272 = tpu.memref_slice %arg3[%dma_start3A_270, %dma_start3A_271] : memref<10000x128xf32, #tpu.memory_space<hbm>> -> memref<10000x128xf32, #tpu.memory_space<hbm>>
        tpu.enqueue_indirect_dma source(%dma_start3A_272 : memref<10000x128xf32, #tpu.memory_space<hbm>>) target(%arg11 : memref<128x128xf32, #tpu.memory_space<vmem>>) offsets(%dma_start3A_269 : memref<128xi32, #tpu.memory_space<vmem>>) semaphore(%arg17 : memref<!tpu.dma_semaphore, #tpu.memory_space<semaphore_mem>>)
      } else {
      }
      %dma_wait3A_136 = arith.constant 0 : i32
      %dma_wait3A_137 = arith.constant 0 : i32
      %dma_wait3A_138 = tpu.memref_slice %arg6[%dma_wait3A_136, %dma_wait3A_137] : memref<2x128xi32, #tpu.memory_space<vmem>> -> memref<1x128xi32, #tpu.memory_space<vmem>>
      %dma_wait3A_139 = tpu.memref_squeeze %dma_wait3A_138 : memref<1x128xi32, #tpu.memory_space<vmem>> -> memref<128xi32, #tpu.memory_space<vmem>>
      %dma_wait3A_140 = arith.constant 0 : i32
      %dma_wait3A_141 = arith.constant 0 : i32
      %dma_wait3A_142 = tpu.memref_slice %arg3[%dma_wait3A_140, %dma_wait3A_141] : memref<10000x128xf32, #tpu.memory_space<hbm>> -> memref<10000x128xf32, #tpu.memory_space<hbm>>
      tpu.wait_indirect_dma semaphore(%arg16 : memref<!tpu.dma_semaphore, #tpu.memory_space<semaphore_mem>>) src(%dma_wait3A_142 : memref<10000x128xf32, #tpu.memory_space<hbm>>) dst(%arg10 : memref<128x128xf32, #tpu.memory_space<vmem>>)
      %dma_start3A_143 = arith.constant 1 : i32
      %dma_start3A_144 = arith.constant 0 : i32
      %dma_start3A_145 = tpu.memref_slice %arg6[%dma_start3A_143, %dma_start3A_144] : memref<2x128xi32, #tpu.memory_space<vmem>> -> memref<1x128xi32, #tpu.memory_space<vmem>>
      %dma_start3A_146 = tpu.memref_squeeze %dma_start3A_145 : memref<1x128xi32, #tpu.memory_space<vmem>> -> memref<128xi32, #tpu.memory_space<vmem>>
      %dma_start3A_147 = arith.constant 0 : i32
      %dma_start3A_148 = arith.constant 0 : i32
      %dma_start3A_149 = tpu.memref_slice %arg5[%dma_start3A_147, %dma_start3A_148] : memref<10240x128xf32, #tpu.memory_space<vmem_shared>> -> memref<10240x128xf32, #tpu.memory_space<vmem_shared>>
      tpu.enqueue_indirect_dma source(%arg10 : memref<128x128xf32, #tpu.memory_space<vmem>>) target(%dma_start3A_149 : memref<10240x128xf32, #tpu.memory_space<vmem_shared>>) offsets(%dma_start3A_146 : memref<128xi32, #tpu.memory_space<vmem>>) semaphore(%arg18 : memref<!tpu.dma_semaphore, #tpu.memory_space<semaphore_mem>>) {add = true}
      %mul3A_150 = arith.constant 4 : i32
      %mul3A_151 = arith.muli %while3A_118, %mul3A_150 : i32
      %add3A_152 = arith.constant 1 : i32
      %add3A_153 = arith.addi %mul3A_151, %add3A_152 : i32
      %ge3A_154 = arith.constant 1 : i32
      %ge3A_155 = arith.cmpi sge, %add3A_153, %ge3A_154 : i32
      %convert_element_type3A_156 = arith.extui %ge3A_155 : i1 to i32
      %cond3A_157 = arith.constant 0 : i32
      %cond3A_158 = arith.cmpi ne, %convert_element_type3A_156, %cond3A_157 : i32
      scf.if %cond3A_158 {
        %dma_wait3A_255 = arith.constant 1 : i32
        %dma_wait3A_256 = arith.constant 0 : i32
        %dma_wait3A_257 = tpu.memref_slice %arg6[%dma_wait3A_255, %dma_wait3A_256] : memref<2x128xi32, #tpu.memory_space<vmem>> -> memref<1x128xi32, #tpu.memory_space<vmem>>
        %dma_wait3A_258 = tpu.memref_squeeze %dma_wait3A_257 : memref<1x128xi32, #tpu.memory_space<vmem>> -> memref<128xi32, #tpu.memory_space<vmem>>
        %dma_wait3A_259 = arith.constant 0 : i32
        %dma_wait3A_260 = arith.constant 0 : i32
        %dma_wait3A_261 = tpu.memref_slice %arg5[%dma_wait3A_259, %dma_wait3A_260] : memref<10240x128xf32, #tpu.memory_space<vmem_shared>> -> memref<10240x128xf32, #tpu.memory_space<vmem_shared>>
        tpu.wait_indirect_dma semaphore(%arg18 : memref<!tpu.dma_semaphore, #tpu.memory_space<semaphore_mem>>) src(%arg10 : memref<128x128xf32, #tpu.memory_space<vmem>>) dst(%dma_wait3A_261 : memref<10240x128xf32, #tpu.memory_space<vmem_shared>>)
      } else {
      }
      %add3A_159 = arith.constant 3 : i32
      %add3A_160 = arith.addi %add3A_153, %add3A_159 : i32
      %lt3A_161 = arith.cmpi slt, %add3A_160, %select_n3A : i32
      %convert_element_type3A_162 = arith.extui %lt3A_161 : i1 to i32
      %cond3A_163 = arith.constant 0 : i32
      %cond3A_164 = arith.cmpi ne, %convert_element_type3A_162, %cond3A_163 : i32
      scf.if %cond3A_164 {
        %add3A_255 = arith.constant 3 : i32
        %add3A_256 = arith.addi %add3A_153, %add3A_255 : i32
        %add3A_257 = arith.addi %select_n3A_8, %add3A_256 : i32
        %dma_start3A_258 = arith.constant 0 : i32
        %dma_start3A_259 = arith.constant 0 : i32
        %dma_start3A_260 = tpu.memref_slice %arg2[%add3A_257, %dma_start3A_258, %dma_start3A_259] : memref<2560x2x128xi32, #tpu.memory_space<hbm>> -> memref<1x2x128xi32, #tpu.memory_space<hbm>>
        %dma_start3A_261 = tpu.memref_squeeze %dma_start3A_260 : memref<1x2x128xi32, #tpu.memory_space<hbm>> -> memref<2x128xi32, #tpu.memory_space<hbm>>
        %dma_start3A_262 = arith.constant 0 : i32
        %dma_start3A_263 = arith.constant 0 : i32
        %dma_start3A_264 = tpu.memref_slice %arg2[%add3A_257, %dma_start3A_262, %dma_start3A_263] : memref<2560x2x128xi32, #tpu.memory_space<hbm>> -> memref<1x2x128xi32, #tpu.memory_space<hbm>>
        %dma_start3A_265 = tpu.memref_squeeze %dma_start3A_264 : memref<1x2x128xi32, #tpu.memory_space<hbm>> -> memref<2x128xi32, #tpu.memory_space<hbm>>
        tpu.enqueue_dma source(%dma_start3A_265 : memref<2x128xi32, #tpu.memory_space<hbm>>) target(%arg6 : memref<2x128xi32, #tpu.memory_space<vmem>>) target_semaphore(%arg12 : memref<!tpu.dma_semaphore, #tpu.memory_space<semaphore_mem>>)
      } else {
      }
      %add3A_165 = arith.constant 1 : i32
      %add3A_166 = arith.addi %add3A_153, %add3A_165 : i32
      %lt3A_167 = arith.cmpi slt, %add3A_166, %select_n3A : i32
      %convert_element_type3A_168 = arith.extui %lt3A_167 : i1 to i32
      %cond3A_169 = arith.constant 0 : i32
      %cond3A_170 = arith.cmpi ne, %convert_element_type3A_168, %cond3A_169 : i32
      scf.if %cond3A_170 {
        %add3A_255 = arith.constant 1 : i32
        %add3A_256 = arith.addi %add3A_153, %add3A_255 : i32
        %add3A_257 = arith.addi %select_n3A_8, %add3A_256 : i32
        %dma_wait3A_258 = arith.constant 0 : i32
        %dma_wait3A_259 = arith.constant 0 : i32
        %dma_wait3A_260 = tpu.memref_slice %arg2[%add3A_257, %dma_wait3A_258, %dma_wait3A_259] : memref<2560x2x128xi32, #tpu.memory_space<hbm>> -> memref<1x2x128xi32, #tpu.memory_space<hbm>>
        %dma_wait3A_261 = tpu.memref_squeeze %dma_wait3A_260 : memref<1x2x128xi32, #tpu.memory_space<hbm>> -> memref<2x128xi32, #tpu.memory_space<hbm>>
        %dma_wait3A_262 = arith.constant 0 : i32
        %dma_wait3A_263 = arith.constant 0 : i32
        %dma_wait3A_264 = tpu.memref_slice %arg2[%add3A_257, %dma_wait3A_262, %dma_wait3A_263] : memref<2560x2x128xi32, #tpu.memory_space<hbm>> -> memref<1x2x128xi32, #tpu.memory_space<hbm>>
        %dma_wait3A_265 = tpu.memref_squeeze %dma_wait3A_264 : memref<1x2x128xi32, #tpu.memory_space<hbm>> -> memref<2x128xi32, #tpu.memory_space<hbm>>
        tpu.wait_dma2 semaphore(%arg14 : memref<!tpu.dma_semaphore, #tpu.memory_space<semaphore_mem>>) src(%dma_wait3A_265 : memref<2x128xi32, #tpu.memory_space<hbm>>) dst(%arg8 : memref<2x128xi32, #tpu.memory_space<vmem>>)
        %dma_start3A_266 = arith.constant 0 : i32
        %dma_start3A_267 = arith.constant 0 : i32
        %dma_start3A_268 = tpu.memref_slice %arg8[%dma_start3A_266, %dma_start3A_267] : memref<2x128xi32, #tpu.memory_space<vmem>> -> memref<1x128xi32, #tpu.memory_space<vmem>>
        %dma_start3A_269 = tpu.memref_squeeze %dma_start3A_268 : memref<1x128xi32, #tpu.memory_space<vmem>> -> memref<128xi32, #tpu.memory_space<vmem>>
        %dma_start3A_270 = arith.constant 0 : i32
        %dma_start3A_271 = arith.constant 0 : i32
        %dma_start3A_272 = tpu.memref_slice %arg3[%dma_start3A_270, %dma_start3A_271] : memref<10000x128xf32, #tpu.memory_space<hbm>> -> memref<10000x128xf32, #tpu.memory_space<hbm>>
        tpu.enqueue_indirect_dma source(%dma_start3A_272 : memref<10000x128xf32, #tpu.memory_space<hbm>>) target(%arg10 : memref<128x128xf32, #tpu.memory_space<vmem>>) offsets(%dma_start3A_269 : memref<128xi32, #tpu.memory_space<vmem>>) semaphore(%arg16 : memref<!tpu.dma_semaphore, #tpu.memory_space<semaphore_mem>>)
      } else {
      }
      %dma_wait3A_171 = arith.constant 0 : i32
      %dma_wait3A_172 = arith.constant 0 : i32
      %dma_wait3A_173 = tpu.memref_slice %arg7[%dma_wait3A_171, %dma_wait3A_172] : memref<2x128xi32, #tpu.memory_space<vmem>> -> memref<1x128xi32, #tpu.memory_space<vmem>>
      %dma_wait3A_174 = tpu.memref_squeeze %dma_wait3A_173 : memref<1x128xi32, #tpu.memory_space<vmem>> -> memref<128xi32, #tpu.memory_space<vmem>>
      %dma_wait3A_175 = arith.constant 0 : i32
      %dma_wait3A_176 = arith.constant 0 : i32
      %dma_wait3A_177 = tpu.memref_slice %arg3[%dma_wait3A_175, %dma_wait3A_176] : memref<10000x128xf32, #tpu.memory_space<hbm>> -> memref<10000x128xf32, #tpu.memory_space<hbm>>
      tpu.wait_indirect_dma semaphore(%arg17 : memref<!tpu.dma_semaphore, #tpu.memory_space<semaphore_mem>>) src(%dma_wait3A_177 : memref<10000x128xf32, #tpu.memory_space<hbm>>) dst(%arg11 : memref<128x128xf32, #tpu.memory_space<vmem>>)
      %dma_start3A_178 = arith.constant 1 : i32
      %dma_start3A_179 = arith.constant 0 : i32
      %dma_start3A_180 = tpu.memref_slice %arg7[%dma_start3A_178, %dma_start3A_179] : memref<2x128xi32, #tpu.memory_space<vmem>> -> memref<1x128xi32, #tpu.memory_space<vmem>>
      %dma_start3A_181 = tpu.memref_squeeze %dma_start3A_180 : memref<1x128xi32, #tpu.memory_space<vmem>> -> memref<128xi32, #tpu.memory_space<vmem>>
      %dma_start3A_182 = arith.constant 0 : i32
      %dma_start3A_183 = arith.constant 0 : i32
      %dma_start3A_184 = tpu.memref_slice %arg5[%dma_start3A_182, %dma_start3A_183] : memref<10240x128xf32, #tpu.memory_space<vmem_shared>> -> memref<10240x128xf32, #tpu.memory_space<vmem_shared>>
      tpu.enqueue_indirect_dma source(%arg11 : memref<128x128xf32, #tpu.memory_space<vmem>>) target(%dma_start3A_184 : memref<10240x128xf32, #tpu.memory_space<vmem_shared>>) offsets(%dma_start3A_181 : memref<128xi32, #tpu.memory_space<vmem>>) semaphore(%arg19 : memref<!tpu.dma_semaphore, #tpu.memory_space<semaphore_mem>>) {add = true}
      %mul3A_185 = arith.constant 4 : i32
      %mul3A_186 = arith.muli %while3A_118, %mul3A_185 : i32
      %add3A_187 = arith.constant 2 : i32
      %add3A_188 = arith.addi %mul3A_186, %add3A_187 : i32
      %ge3A_189 = arith.constant 1 : i32
      %ge3A_190 = arith.cmpi sge, %add3A_188, %ge3A_189 : i32
      %convert_element_type3A_191 = arith.extui %ge3A_190 : i1 to i32
      %cond3A_192 = arith.constant 0 : i32
      %cond3A_193 = arith.cmpi ne, %convert_element_type3A_191, %cond3A_192 : i32
      scf.if %cond3A_193 {
        %dma_wait3A_255 = arith.constant 1 : i32
        %dma_wait3A_256 = arith.constant 0 : i32
        %dma_wait3A_257 = tpu.memref_slice %arg7[%dma_wait3A_255, %dma_wait3A_256] : memref<2x128xi32, #tpu.memory_space<vmem>> -> memref<1x128xi32, #tpu.memory_space<vmem>>
        %dma_wait3A_258 = tpu.memref_squeeze %dma_wait3A_257 : memref<1x128xi32, #tpu.memory_space<vmem>> -> memref<128xi32, #tpu.memory_space<vmem>>
        %dma_wait3A_259 = arith.constant 0 : i32
        %dma_wait3A_260 = arith.constant 0 : i32
        %dma_wait3A_261 = tpu.memref_slice %arg5[%dma_wait3A_259, %dma_wait3A_260] : memref<10240x128xf32, #tpu.memory_space<vmem_shared>> -> memref<10240x128xf32, #tpu.memory_space<vmem_shared>>
        tpu.wait_indirect_dma semaphore(%arg19 : memref<!tpu.dma_semaphore, #tpu.memory_space<semaphore_mem>>) src(%arg11 : memref<128x128xf32, #tpu.memory_space<vmem>>) dst(%dma_wait3A_261 : memref<10240x128xf32, #tpu.memory_space<vmem_shared>>)
      } else {
      }
      %add3A_194 = arith.constant 3 : i32
      %add3A_195 = arith.addi %add3A_188, %add3A_194 : i32
      %lt3A_196 = arith.cmpi slt, %add3A_195, %select_n3A : i32
      %convert_element_type3A_197 = arith.extui %lt3A_196 : i1 to i32
      %cond3A_198 = arith.constant 0 : i32
      %cond3A_199 = arith.cmpi ne, %convert_element_type3A_197, %cond3A_198 : i32
      scf.if %cond3A_199 {
        %add3A_255 = arith.constant 3 : i32
        %add3A_256 = arith.addi %add3A_188, %add3A_255 : i32
        %add3A_257 = arith.addi %select_n3A_8, %add3A_256 : i32
        %dma_start3A_258 = arith.constant 0 : i32
        %dma_start3A_259 = arith.constant 0 : i32
        %dma_start3A_260 = tpu.memref_slice %arg2[%add3A_257, %dma_start3A_258, %dma_start3A_259] : memref<2560x2x128xi32, #tpu.memory_space<hbm>> -> memref<1x2x128xi32, #tpu.memory_space<hbm>>
        %dma_start3A_261 = tpu.memref_squeeze %dma_start3A_260 : memref<1x2x128xi32, #tpu.memory_space<hbm>> -> memref<2x128xi32, #tpu.memory_space<hbm>>
        %dma_start3A_262 = arith.constant 0 : i32
        %dma_start3A_263 = arith.constant 0 : i32
        %dma_start3A_264 = tpu.memref_slice %arg2[%add3A_257, %dma_start3A_262, %dma_start3A_263] : memref<2560x2x128xi32, #tpu.memory_space<hbm>> -> memref<1x2x128xi32, #tpu.memory_space<hbm>>
        %dma_start3A_265 = tpu.memref_squeeze %dma_start3A_264 : memref<1x2x128xi32, #tpu.memory_space<hbm>> -> memref<2x128xi32, #tpu.memory_space<hbm>>
        tpu.enqueue_dma source(%dma_start3A_265 : memref<2x128xi32, #tpu.memory_space<hbm>>) target(%arg7 : memref<2x128xi32, #tpu.memory_space<vmem>>) target_semaphore(%arg13 : memref<!tpu.dma_semaphore, #tpu.memory_space<semaphore_mem>>)
      } else {
      }
      %add3A_200 = arith.constant 1 : i32
      %add3A_201 = arith.addi %add3A_188, %add3A_200 : i32
      %lt3A_202 = arith.cmpi slt, %add3A_201, %select_n3A : i32
      %convert_element_type3A_203 = arith.extui %lt3A_202 : i1 to i32
      %cond3A_204 = arith.constant 0 : i32
      %cond3A_205 = arith.cmpi ne, %convert_element_type3A_203, %cond3A_204 : i32
      scf.if %cond3A_205 {
        %add3A_255 = arith.constant 1 : i32
        %add3A_256 = arith.addi %add3A_188, %add3A_255 : i32
        %add3A_257 = arith.addi %select_n3A_8, %add3A_256 : i32
        %dma_wait3A_258 = arith.constant 0 : i32
        %dma_wait3A_259 = arith.constant 0 : i32
        %dma_wait3A_260 = tpu.memref_slice %arg2[%add3A_257, %dma_wait3A_258, %dma_wait3A_259] : memref<2560x2x128xi32, #tpu.memory_space<hbm>> -> memref<1x2x128xi32, #tpu.memory_space<hbm>>
        %dma_wait3A_261 = tpu.memref_squeeze %dma_wait3A_260 : memref<1x2x128xi32, #tpu.memory_space<hbm>> -> memref<2x128xi32, #tpu.memory_space<hbm>>
        %dma_wait3A_262 = arith.constant 0 : i32
        %dma_wait3A_263 = arith.constant 0 : i32
        %dma_wait3A_264 = tpu.memref_slice %arg2[%add3A_257, %dma_wait3A_262, %dma_wait3A_263] : memref<2560x2x128xi32, #tpu.memory_space<hbm>> -> memref<1x2x128xi32, #tpu.memory_space<hbm>>
        %dma_wait3A_265 = tpu.memref_squeeze %dma_wait3A_264 : memref<1x2x128xi32, #tpu.memory_space<hbm>> -> memref<2x128xi32, #tpu.memory_space<hbm>>
        tpu.wait_dma2 semaphore(%arg15 : memref<!tpu.dma_semaphore, #tpu.memory_space<semaphore_mem>>) src(%dma_wait3A_265 : memref<2x128xi32, #tpu.memory_space<hbm>>) dst(%arg9 : memref<2x128xi32, #tpu.memory_space<vmem>>)
        %dma_start3A_266 = arith.constant 0 : i32
        %dma_start3A_267 = arith.constant 0 : i32
        %dma_start3A_268 = tpu.memref_slice %arg9[%dma_start3A_266, %dma_start3A_267] : memref<2x128xi32, #tpu.memory_space<vmem>> -> memref<1x128xi32, #tpu.memory_space<vmem>>
        %dma_start3A_269 = tpu.memref_squeeze %dma_start3A_268 : memref<1x128xi32, #tpu.memory_space<vmem>> -> memref<128xi32, #tpu.memory_space<vmem>>
        %dma_start3A_270 = arith.constant 0 : i32
        %dma_start3A_271 = arith.constant 0 : i32
        %dma_start3A_272 = tpu.memref_slice %arg3[%dma_start3A_270, %dma_start3A_271] : memref<10000x128xf32, #tpu.memory_space<hbm>> -> memref<10000x128xf32, #tpu.memory_space<hbm>>
        tpu.enqueue_indirect_dma source(%dma_start3A_272 : memref<10000x128xf32, #tpu.memory_space<hbm>>) target(%arg11 : memref<128x128xf32, #tpu.memory_space<vmem>>) offsets(%dma_start3A_269 : memref<128xi32, #tpu.memory_space<vmem>>) semaphore(%arg17 : memref<!tpu.dma_semaphore, #tpu.memory_space<semaphore_mem>>)
      } else {
      }
      %dma_wait3A_206 = arith.constant 0 : i32
      %dma_wait3A_207 = arith.constant 0 : i32
      %dma_wait3A_208 = tpu.memref_slice %arg8[%dma_wait3A_206, %dma_wait3A_207] : memref<2x128xi32, #tpu.memory_space<vmem>> -> memref<1x128xi32, #tpu.memory_space<vmem>>
      %dma_wait3A_209 = tpu.memref_squeeze %dma_wait3A_208 : memref<1x128xi32, #tpu.memory_space<vmem>> -> memref<128xi32, #tpu.memory_space<vmem>>
      %dma_wait3A_210 = arith.constant 0 : i32
      %dma_wait3A_211 = arith.constant 0 : i32
      %dma_wait3A_212 = tpu.memref_slice %arg3[%dma_wait3A_210, %dma_wait3A_211] : memref<10000x128xf32, #tpu.memory_space<hbm>> -> memref<10000x128xf32, #tpu.memory_space<hbm>>
      tpu.wait_indirect_dma semaphore(%arg16 : memref<!tpu.dma_semaphore, #tpu.memory_space<semaphore_mem>>) src(%dma_wait3A_212 : memref<10000x128xf32, #tpu.memory_space<hbm>>) dst(%arg10 : memref<128x128xf32, #tpu.memory_space<vmem>>)
      %dma_start3A_213 = arith.constant 1 : i32
      %dma_start3A_214 = arith.constant 0 : i32
      %dma_start3A_215 = tpu.memref_slice %arg8[%dma_start3A_213, %dma_start3A_214] : memref<2x128xi32, #tpu.memory_space<vmem>> -> memref<1x128xi32, #tpu.memory_space<vmem>>
      %dma_start3A_216 = tpu.memref_squeeze %dma_start3A_215 : memref<1x128xi32, #tpu.memory_space<vmem>> -> memref<128xi32, #tpu.memory_space<vmem>>
      %dma_start3A_217 = arith.constant 0 : i32
      %dma_start3A_218 = arith.constant 0 : i32
      %dma_start3A_219 = tpu.memref_slice %arg5[%dma_start3A_217, %dma_start3A_218] : memref<10240x128xf32, #tpu.memory_space<vmem_shared>> -> memref<10240x128xf32, #tpu.memory_space<vmem_shared>>
      tpu.enqueue_indirect_dma source(%arg10 : memref<128x128xf32, #tpu.memory_space<vmem>>) target(%dma_start3A_219 : memref<10240x128xf32, #tpu.memory_space<vmem_shared>>) offsets(%dma_start3A_216 : memref<128xi32, #tpu.memory_space<vmem>>) semaphore(%arg18 : memref<!tpu.dma_semaphore, #tpu.memory_space<semaphore_mem>>) {add = true}
      %mul3A_220 = arith.constant 4 : i32
      %mul3A_221 = arith.muli %while3A_118, %mul3A_220 : i32
      %add3A_222 = arith.constant 3 : i32
      %add3A_223 = arith.addi %mul3A_221, %add3A_222 : i32
      %ge3A_224 = arith.constant 1 : i32
      %ge3A_225 = arith.cmpi sge, %add3A_223, %ge3A_224 : i32
      %convert_element_type3A_226 = arith.extui %ge3A_225 : i1 to i32
      %cond3A_227 = arith.constant 0 : i32
      %cond3A_228 = arith.cmpi ne, %convert_element_type3A_226, %cond3A_227 : i32
      scf.if %cond3A_228 {
        %dma_wait3A_255 = arith.constant 1 : i32
        %dma_wait3A_256 = arith.constant 0 : i32
        %dma_wait3A_257 = tpu.memref_slice %arg8[%dma_wait3A_255, %dma_wait3A_256] : memref<2x128xi32, #tpu.memory_space<vmem>> -> memref<1x128xi32, #tpu.memory_space<vmem>>
        %dma_wait3A_258 = tpu.memref_squeeze %dma_wait3A_257 : memref<1x128xi32, #tpu.memory_space<vmem>> -> memref<128xi32, #tpu.memory_space<vmem>>
        %dma_wait3A_259 = arith.constant 0 : i32
        %dma_wait3A_260 = arith.constant 0 : i32
        %dma_wait3A_261 = tpu.memref_slice %arg5[%dma_wait3A_259, %dma_wait3A_260] : memref<10240x128xf32, #tpu.memory_space<vmem_shared>> -> memref<10240x128xf32, #tpu.memory_space<vmem_shared>>
        tpu.wait_indirect_dma semaphore(%arg18 : memref<!tpu.dma_semaphore, #tpu.memory_space<semaphore_mem>>) src(%arg10 : memref<128x128xf32, #tpu.memory_space<vmem>>) dst(%dma_wait3A_261 : memref<10240x128xf32, #tpu.memory_space<vmem_shared>>)
      } else {
      }
      %add3A_229 = arith.constant 3 : i32
      %add3A_230 = arith.addi %add3A_223, %add3A_229 : i32
      %lt3A_231 = arith.cmpi slt, %add3A_230, %select_n3A : i32
      %convert_element_type3A_232 = arith.extui %lt3A_231 : i1 to i32
      %cond3A_233 = arith.constant 0 : i32
      %cond3A_234 = arith.cmpi ne, %convert_element_type3A_232, %cond3A_233 : i32
      scf.if %cond3A_234 {
        %add3A_255 = arith.constant 3 : i32
        %add3A_256 = arith.addi %add3A_223, %add3A_255 : i32
        %add3A_257 = arith.addi %select_n3A_8, %add3A_256 : i32
        %dma_start3A_258 = arith.constant 0 : i32
        %dma_start3A_259 = arith.constant 0 : i32
        %dma_start3A_260 = tpu.memref_slice %arg2[%add3A_257, %dma_start3A_258, %dma_start3A_259] : memref<2560x2x128xi32, #tpu.memory_space<hbm>> -> memref<1x2x128xi32, #tpu.memory_space<hbm>>
        %dma_start3A_261 = tpu.memref_squeeze %dma_start3A_260 : memref<1x2x128xi32, #tpu.memory_space<hbm>> -> memref<2x128xi32, #tpu.memory_space<hbm>>
        %dma_start3A_262 = arith.constant 0 : i32
        %dma_start3A_263 = arith.constant 0 : i32
        %dma_start3A_264 = tpu.memref_slice %arg2[%add3A_257, %dma_start3A_262, %dma_start3A_263] : memref<2560x2x128xi32, #tpu.memory_space<hbm>> -> memref<1x2x128xi32, #tpu.memory_space<hbm>>
        %dma_start3A_265 = tpu.memref_squeeze %dma_start3A_264 : memref<1x2x128xi32, #tpu.memory_space<hbm>> -> memref<2x128xi32, #tpu.memory_space<hbm>>
        tpu.enqueue_dma source(%dma_start3A_265 : memref<2x128xi32, #tpu.memory_space<hbm>>) target(%arg8 : memref<2x128xi32, #tpu.memory_space<vmem>>) target_semaphore(%arg14 : memref<!tpu.dma_semaphore, #tpu.memory_space<semaphore_mem>>)
      } else {
      }
      %add3A_235 = arith.constant 1 : i32
      %add3A_236 = arith.addi %add3A_223, %add3A_235 : i32
      %lt3A_237 = arith.cmpi slt, %add3A_236, %select_n3A : i32
      %convert_element_type3A_238 = arith.extui %lt3A_237 : i1 to i32
      %cond3A_239 = arith.constant 0 : i32
      %cond3A_240 = arith.cmpi ne, %convert_element_type3A_238, %cond3A_239 : i32
      scf.if %cond3A_240 {
        %add3A_255 = arith.constant 1 : i32
        %add3A_256 = arith.addi %add3A_223, %add3A_255 : i32
        %add3A_257 = arith.addi %select_n3A_8, %add3A_256 : i32
        %dma_wait3A_258 = arith.constant 0 : i32
        %dma_wait3A_259 = arith.constant 0 : i32
        %dma_wait3A_260 = tpu.memref_slice %arg2[%add3A_257, %dma_wait3A_258, %dma_wait3A_259] : memref<2560x2x128xi32, #tpu.memory_space<hbm>> -> memref<1x2x128xi32, #tpu.memory_space<hbm>>
        %dma_wait3A_261 = tpu.memref_squeeze %dma_wait3A_260 : memref<1x2x128xi32, #tpu.memory_space<hbm>> -> memref<2x128xi32, #tpu.memory_space<hbm>>
        %dma_wait3A_262 = arith.constant 0 : i32
        %dma_wait3A_263 = arith.constant 0 : i32
        %dma_wait3A_264 = tpu.memref_slice %arg2[%add3A_257, %dma_wait3A_262, %dma_wait3A_263] : memref<2560x2x128xi32, #tpu.memory_space<hbm>> -> memref<1x2x128xi32, #tpu.memory_space<hbm>>
        %dma_wait3A_265 = tpu.memref_squeeze %dma_wait3A_264 : memref<1x2x128xi32, #tpu.memory_space<hbm>> -> memref<2x128xi32, #tpu.memory_space<hbm>>
        tpu.wait_dma2 semaphore(%arg12 : memref<!tpu.dma_semaphore, #tpu.memory_space<semaphore_mem>>) src(%dma_wait3A_265 : memref<2x128xi32, #tpu.memory_space<hbm>>) dst(%arg6 : memref<2x128xi32, #tpu.memory_space<vmem>>)
        %dma_start3A_266 = arith.constant 0 : i32
        %dma_start3A_267 = arith.constant 0 : i32
        %dma_start3A_268 = tpu.memref_slice %arg6[%dma_start3A_266, %dma_start3A_267] : memref<2x128xi32, #tpu.memory_space<vmem>> -> memref<1x128xi32, #tpu.memory_space<vmem>>
        %dma_start3A_269 = tpu.memref_squeeze %dma_start3A_268 : memref<1x128xi32, #tpu.memory_space<vmem>> -> memref<128xi32, #tpu.memory_space<vmem>>
        %dma_start3A_270 = arith.constant 0 : i32
        %dma_start3A_271 = arith.constant 0 : i32
        %dma_start3A_272 = tpu.memref_slice %arg3[%dma_start3A_270, %dma_start3A_271] : memref<10000x128xf32, #tpu.memory_space<hbm>> -> memref<10000x128xf32, #tpu.memory_space<hbm>>
        tpu.enqueue_indirect_dma source(%dma_start3A_272 : memref<10000x128xf32, #tpu.memory_space<hbm>>) target(%arg10 : memref<128x128xf32, #tpu.memory_space<vmem>>) offsets(%dma_start3A_269 : memref<128xi32, #tpu.memory_space<vmem>>) semaphore(%arg16 : memref<!tpu.dma_semaphore, #tpu.memory_space<semaphore_mem>>)
      } else {
      }
      %dma_wait3A_241 = arith.constant 0 : i32
      %dma_wait3A_242 = arith.constant 0 : i32
      %dma_wait3A_243 = tpu.memref_slice %arg9[%dma_wait3A_241, %dma_wait3A_242] : memref<2x128xi32, #tpu.memory_space<vmem>> -> memref<1x128xi32, #tpu.memory_space<vmem>>
      %dma_wait3A_244 = tpu.memref_squeeze %dma_wait3A_243 : memref<1x128xi32, #tpu.memory_space<vmem>> -> memref<128xi32, #tpu.memory_space<vmem>>
      %dma_wait3A_245 = arith.constant 0 : i32
      %dma_wait3A_246 = arith.constant 0 : i32
      %dma_wait3A_247 = tpu.memref_slice %arg3[%dma_wait3A_245, %dma_wait3A_246] : memref<10000x128xf32, #tpu.memory_space<hbm>> -> memref<10000x128xf32, #tpu.memory_space<hbm>>
      tpu.wait_indirect_dma semaphore(%arg17 : memref<!tpu.dma_semaphore, #tpu.memory_space<semaphore_mem>>) src(%dma_wait3A_247 : memref<10000x128xf32, #tpu.memory_space<hbm>>) dst(%arg11 : memref<128x128xf32, #tpu.memory_space<vmem>>)
      %dma_start3A_248 = arith.constant 1 : i32
      %dma_start3A_249 = arith.constant 0 : i32
      %dma_start3A_250 = tpu.memref_slice %arg9[%dma_start3A_248, %dma_start3A_249] : memref<2x128xi32, #tpu.memory_space<vmem>> -> memref<1x128xi32, #tpu.memory_space<vmem>>
      %dma_start3A_251 = tpu.memref_squeeze %dma_start3A_250 : memref<1x128xi32, #tpu.memory_space<vmem>> -> memref<128xi32, #tpu.memory_space<vmem>>
      %dma_start3A_252 = arith.constant 0 : i32
      %dma_start3A_253 = arith.constant 0 : i32
      %dma_start3A_254 = tpu.memref_slice %arg5[%dma_start3A_252, %dma_start3A_253] : memref<10240x128xf32, #tpu.memory_space<vmem_shared>> -> memref<10240x128xf32, #tpu.memory_space<vmem_shared>>
      tpu.enqueue_indirect_dma source(%arg11 : memref<128x128xf32, #tpu.memory_space<vmem>>) target(%dma_start3A_254 : memref<10240x128xf32, #tpu.memory_space<vmem_shared>>) offsets(%dma_start3A_251 : memref<128xi32, #tpu.memory_space<vmem>>) semaphore(%arg19 : memref<!tpu.dma_semaphore, #tpu.memory_space<semaphore_mem>>) {add = true}
    }
    %dma_wait3A_106 = arith.constant 1 : i32
    %dma_wait3A_107 = arith.constant 0 : i32
    %dma_wait3A_108 = tpu.memref_slice %arg9[%dma_wait3A_106, %dma_wait3A_107] : memref<2x128xi32, #tpu.memory_space<vmem>> -> memref<1x128xi32, #tpu.memory_space<vmem>>
    %dma_wait3A_109 = tpu.memref_squeeze %dma_wait3A_108 : memref<1x128xi32, #tpu.memory_space<vmem>> -> memref<128xi32, #tpu.memory_space<vmem>>
    %dma_wait3A_110 = arith.constant 0 : i32
    %dma_wait3A_111 = arith.constant 0 : i32
    %dma_wait3A_112 = tpu.memref_slice %arg5[%dma_wait3A_110, %dma_wait3A_111] : memref<10240x128xf32, #tpu.memory_space<vmem_shared>> -> memref<10240x128xf32, #tpu.memory_space<vmem_shared>>
    tpu.wait_indirect_dma semaphore(%arg19 : memref<!tpu.dma_semaphore, #tpu.memory_space<semaphore_mem>>) src(%arg11 : memref<128x128xf32, #tpu.memory_space<vmem>>) dst(%dma_wait3A_112 : memref<10240x128xf32, #tpu.memory_space<vmem_shared>>)
    %barrier3A_113 = arith.constant 0 : index
    tpu.barrier barrier_id(%barrier3A_113)
    %mul3A_114 = arith.constant 640 : i32
    %mul3A_115 = arith.muli %arg1, %mul3A_114 : i32
    %mul3A_116 = arith.constant 640 : i32
    %mul3A_117 = arith.muli %arg1, %mul3A_116 : i32
    "tpu.region"() ({
      %run_scoped3A = tpu.sem_alloc : memref<!tpu.dma_semaphore, #tpu.memory_space<semaphore_mem>>
      %dma_start3A_118 = arith.constant 0 : i32
      %dma_start3A_119 = tpu.memref_slice %arg4[%arg0, %mul3A_117, %dma_start3A_118] : memref<2x10240x128xf32, #tpu.memory_space<hbm>> -> memref<1x640x128xf32, #tpu.memory_space<hbm>>
      %dma_start3A_120 = tpu.memref_squeeze %dma_start3A_119 : memref<1x640x128xf32, #tpu.memory_space<hbm>> -> memref<640x128xf32, #tpu.memory_space<hbm>>
      %dma_start3A_121 = arith.constant 0 : i32
      %dma_start3A_122 = tpu.memref_slice %arg5[%mul3A_115, %dma_start3A_121] : memref<10240x128xf32, #tpu.memory_space<vmem_shared>> -> memref<640x128xf32, #tpu.memory_space<vmem_shared>>
      tpu.enqueue_dma source(%dma_start3A_122 : memref<640x128xf32, #tpu.memory_space<vmem_shared>>) target(%dma_start3A_120 : memref<640x128xf32, #tpu.memory_space<hbm>>) target_semaphore(%run_scoped3A : memref<!tpu.dma_semaphore, #tpu.memory_space<semaphore_mem>>)
      %dma_wait3A_123 = arith.constant 0 : i32
      %dma_wait3A_124 = tpu.memref_slice %arg4[%arg0, %mul3A_117, %dma_wait3A_123] : memref<2x10240x128xf32, #tpu.memory_space<hbm>> -> memref<1x640x128xf32, #tpu.memory_space<hbm>>
      %dma_wait3A_125 = tpu.memref_squeeze %dma_wait3A_124 : memref<1x640x128xf32, #tpu.memory_space<hbm>> -> memref<640x128xf32, #tpu.memory_space<hbm>>
      %dma_wait3A_126 = arith.constant 0 : i32
      %dma_wait3A_127 = tpu.memref_slice %arg5[%mul3A_115, %dma_wait3A_126] : memref<10240x128xf32, #tpu.memory_space<vmem_shared>> -> memref<640x128xf32, #tpu.memory_space<vmem_shared>>
      tpu.wait_dma2 semaphore(%run_scoped3A : memref<!tpu.dma_semaphore, #tpu.memory_space<semaphore_mem>>) src(%dma_wait3A_127 : memref<640x128xf32, #tpu.memory_space<vmem_shared>>) dst(%dma_wait3A_125 : memref<640x128xf32, #tpu.memory_space<hbm>>)
      tpu.yield
    }) : () -> ()
    return
  }
}

module attributes {stable_mosaic.version = 14 : i64} {
  func.func @_mlp1_body(%arg0: i32, %arg1: memref<400x1xf32, #tpu.memory_space<vmem>>, %arg2: memref<400x1xf32, #tpu.memory_space<vmem>>, %arg3: memref<1x128xf32, #tpu.memory_space<vmem>>, %arg4: memref<128x128xf32, #tpu.memory_space<vmem>>, %arg5: memref<1x128xf32, #tpu.memory_space<vmem>>, %arg6: memref<128x128xf32, #tpu.memory_space<vmem>>, %arg7: memref<1x128xf32, #tpu.memory_space<vmem>>, %arg8: memref<400x128xf32, #tpu.memory_space<vmem>>) attributes {dimension_semantics = [#tpu.dimension_semantics<arbitrary>], iteration_bounds = array<i64: 25>, scalar_prefetch = 0 : i64, scratch_operands = 0 : i64, tpu.core_type = #tpu.core_type<tc>, window_params = [{transform_indices = @transform_0, window_bounds = array<i64: 400, 1>}, {transform_indices = @transform_1, window_bounds = array<i64: 400, 1>}, {pipeline_mode = #tpu.pipeline_mode<synchronous>, transform_indices = @transform_2, window_bounds = array<i64: 1, 128>}, {pipeline_mode = #tpu.pipeline_mode<synchronous>, transform_indices = @transform_3, window_bounds = array<i64: 128, 128>}, {pipeline_mode = #tpu.pipeline_mode<synchronous>, transform_indices = @transform_4, window_bounds = array<i64: 1, 128>}, {pipeline_mode = #tpu.pipeline_mode<synchronous>, transform_indices = @transform_5, window_bounds = array<i64: 128, 128>}, {pipeline_mode = #tpu.pipeline_mode<synchronous>, transform_indices = @transform_6, window_bounds = array<i64: 1, 128>}, {transform_indices = @transform_7, window_bounds = array<i64: 400, 128>}]} {
    %get3A = arith.constant 0 : index
    %get3A_0 = arith.constant 0 : index
    %get3A_1 = vector.load %arg3[%get3A, %get3A_0] : memref<1x128xf32, #tpu.memory_space<vmem>>, vector<1x128xf32>
    %get3A_2 = arith.constant 0 : index
    %get3A_3 = arith.constant 0 : index
    %get3A_4 = vector.load %arg4[%get3A_2, %get3A_3] : memref<128x128xf32, #tpu.memory_space<vmem>>, vector<128x128xf32>
    %dot_general3A = arith.constant dense<0.000000e+00> : vector<1x128xf32>
    %dot_general3A_5 = tpu.matmul %get3A_1, %get3A_4, %dot_general3A {dimension_numbers = #tpu.dot_dimension_numbers<[1], [0], [0], [1], [0, 0, 1, 1], [], []>, transpose_lhs_hint = false} : vector<1x128xf32>, vector<128x128xf32>, vector<1x128xf32> -> vector<1x128xf32>
    %get3A_6 = arith.constant 0 : index
    %get3A_7 = arith.constant 0 : index
    %get3A_8 = vector.load %arg1[%get3A_6, %get3A_7] : memref<400x1xf32, #tpu.memory_space<vmem>>, vector<400x1xf32>
    %add3A = arith.constant 1.000000e+00 : f32
    %add3A_9 = vector.broadcast %add3A : f32 to vector<400x1xf32>
    %add3A_10 = arith.addf %add3A_9, %get3A_8 : vector<400x1xf32>
    %get3A_11 = arith.constant 0 : index
    %get3A_12 = arith.constant 0 : index
    %get3A_13 = vector.load %arg2[%get3A_11, %get3A_12] : memref<400x1xf32, #tpu.memory_space<vmem>>, vector<400x1xf32>
    %add3A_14 = arith.addf %add3A_10, %get3A_13 : vector<400x1xf32>
    %mul3A = vector.broadcast %add3A_14 : vector<400x1xf32> to vector<400x128xf32>
    %mul3A_15 = vector.broadcast %dot_general3A_5 : vector<1x128xf32> to vector<400x128xf32>
    %mul3A_16 = arith.mulf %mul3A, %mul3A_15 : vector<400x128xf32>
    %get3A_17 = arith.constant 0 : index
    %get3A_18 = arith.constant 0 : index
    %get3A_19 = vector.load %arg5[%get3A_17, %get3A_18] : memref<1x128xf32, #tpu.memory_space<vmem>>, vector<1x128xf32>
    %add3A_20 = vector.broadcast %get3A_19 : vector<1x128xf32> to vector<400x128xf32>
    %add3A_21 = arith.addf %mul3A_16, %add3A_20 : vector<400x128xf32>
    %max3A = arith.constant 0.000000e+00 : f32
    %max3A_22 = vector.broadcast %max3A : f32 to vector<400x128xf32>
    %max3A_23 = arith.maximumf %add3A_21, %max3A_22 : vector<400x128xf32>
    %get3A_24 = arith.constant 0 : index
    %get3A_25 = arith.constant 0 : index
    %get3A_26 = vector.load %arg6[%get3A_24, %get3A_25] : memref<128x128xf32, #tpu.memory_space<vmem>>, vector<128x128xf32>
    %dot_general3A_27 = arith.constant dense<0.000000e+00> : vector<400x128xf32>
    %dot_general3A_28 = tpu.matmul %max3A_23, %get3A_26, %dot_general3A_27 {dimension_numbers = #tpu.dot_dimension_numbers<[1], [0], [0], [1], [0, 0, 1, 1], [], []>, transpose_lhs_hint = false} : vector<400x128xf32>, vector<128x128xf32>, vector<400x128xf32> -> vector<400x128xf32>
    %get3A_29 = arith.constant 0 : index
    %get3A_30 = arith.constant 0 : index
    %get3A_31 = vector.load %arg7[%get3A_29, %get3A_30] : memref<1x128xf32, #tpu.memory_space<vmem>>, vector<1x128xf32>
    %add3A_32 = vector.broadcast %get3A_31 : vector<1x128xf32> to vector<400x128xf32>
    %add3A_33 = arith.addf %dot_general3A_28, %add3A_32 : vector<400x128xf32>
    %swap3A = arith.constant 0 : index
    %swap3A_34 = arith.constant 0 : index
    %swap3A_35 = vector.load %arg8[%swap3A, %swap3A_34] : memref<400x128xf32, #tpu.memory_space<vmem>>, vector<400x128xf32>
    tpu.vector_store %arg8[%swap3A, %swap3A_34], %add3A_33 {strides = array<i32>} : memref<400x128xf32, #tpu.memory_space<vmem>>, vector<400x128xf32>,
    return
  }
  func.func @transform_0(%arg0: i32) -> (i32, i32) {
    %c0_i32 = arith.constant 0 : i32
    %c0_i32_0 = arith.constant 0 : i32
    return %arg0, %c0_i32 : i32, i32
  }
  func.func @transform_1(%arg0: i32) -> (i32, i32) {
    %c0_i32 = arith.constant 0 : i32
    %c0_i32_0 = arith.constant 0 : i32
    return %arg0, %c0_i32 : i32, i32
  }
  func.func @transform_2(%arg0: i32) -> (i32, i32) {
    %c0_i32 = arith.constant 0 : i32
    %c0_i32_0 = arith.constant 0 : i32
    %c0_i32_1 = arith.constant 0 : i32
    return %c0_i32, %c0_i32_0 : i32, i32
  }
  func.func @transform_3(%arg0: i32) -> (i32, i32) {
    %c0_i32 = arith.constant 0 : i32
    %c0_i32_0 = arith.constant 0 : i32
    %c0_i32_1 = arith.constant 0 : i32
    return %c0_i32, %c0_i32_0 : i32, i32
  }
  func.func @transform_4(%arg0: i32) -> (i32, i32) {
    %c0_i32 = arith.constant 0 : i32
    %c0_i32_0 = arith.constant 0 : i32
    %c0_i32_1 = arith.constant 0 : i32
    return %c0_i32, %c0_i32_0 : i32, i32
  }
  func.func @transform_5(%arg0: i32) -> (i32, i32) {
    %c0_i32 = arith.constant 0 : i32
    %c0_i32_0 = arith.constant 0 : i32
    %c0_i32_1 = arith.constant 0 : i32
    return %c0_i32, %c0_i32_0 : i32, i32
  }
  func.func @transform_6(%arg0: i32) -> (i32, i32) {
    %c0_i32 = arith.constant 0 : i32
    %c0_i32_0 = arith.constant 0 : i32
    %c0_i32_1 = arith.constant 0 : i32
    return %c0_i32, %c0_i32_0 : i32, i32
  }
  func.func @transform_7(%arg0: i32) -> (i32, i32) {
    %c0_i32 = arith.constant 0 : i32
    %c0_i32_0 = arith.constant 0 : i32
    return %arg0, %c0_i32 : i32, i32
  }
}

module attributes {stable_mosaic.version = 14 : i64} {
  func.func @_mlp_body(%arg0: i32, %arg1: memref<400x128xf32, #tpu.memory_space<vmem>>, %arg2: memref<400x128xf32, #tpu.memory_space<vmem>>, %arg3: memref<400x128xf32, #tpu.memory_space<vmem>>, %arg4: memref<128x128xf32, #tpu.memory_space<vmem>>, %arg5: memref<1x128xf32, #tpu.memory_space<vmem>>, %arg6: memref<128x128xf32, #tpu.memory_space<vmem>>, %arg7: memref<1x128xf32, #tpu.memory_space<vmem>>, %arg8: memref<400x128xf32, #tpu.memory_space<vmem>>) attributes {dimension_semantics = [#tpu.dimension_semantics<arbitrary>], iteration_bounds = array<i64: 25>, scalar_prefetch = 0 : i64, scratch_operands = 0 : i64, tpu.core_type = #tpu.core_type<tc>, window_params = [{transform_indices = @transform_0, window_bounds = array<i64: 400, 128>}, {transform_indices = @transform_1, window_bounds = array<i64: 400, 128>}, {transform_indices = @transform_2, window_bounds = array<i64: 400, 128>}, {pipeline_mode = #tpu.pipeline_mode<synchronous>, transform_indices = @transform_3, window_bounds = array<i64: 128, 128>}, {pipeline_mode = #tpu.pipeline_mode<synchronous>, transform_indices = @transform_4, window_bounds = array<i64: 1, 128>}, {pipeline_mode = #tpu.pipeline_mode<synchronous>, transform_indices = @transform_5, window_bounds = array<i64: 128, 128>}, {pipeline_mode = #tpu.pipeline_mode<synchronous>, transform_indices = @transform_6, window_bounds = array<i64: 1, 128>}, {transform_indices = @transform_7, window_bounds = array<i64: 400, 128>}]} {
    %get3A = arith.constant 0 : index
    %get3A_0 = arith.constant 0 : index
    %get3A_1 = vector.load %arg1[%get3A, %get3A_0] : memref<400x128xf32, #tpu.memory_space<vmem>>, vector<400x128xf32>
    %get3A_2 = arith.constant 0 : index
    %get3A_3 = arith.constant 0 : index
    %get3A_4 = vector.load %arg2[%get3A_2, %get3A_3] : memref<400x128xf32, #tpu.memory_space<vmem>>, vector<400x128xf32>
    %add3A = arith.addf %get3A_1, %get3A_4 : vector<400x128xf32>
    %get3A_5 = arith.constant 0 : index
    %get3A_6 = arith.constant 0 : index
    %get3A_7 = vector.load %arg3[%get3A_5, %get3A_6] : memref<400x128xf32, #tpu.memory_space<vmem>>, vector<400x128xf32>
    %add3A_8 = arith.addf %add3A, %get3A_7 : vector<400x128xf32>
    %get3A_9 = arith.constant 0 : index
    %get3A_10 = arith.constant 0 : index
    %get3A_11 = vector.load %arg4[%get3A_9, %get3A_10] : memref<128x128xf32, #tpu.memory_space<vmem>>, vector<128x128xf32>
    %dot_general3A = arith.constant dense<0.000000e+00> : vector<400x128xf32>
    %dot_general3A_12 = tpu.matmul %add3A_8, %get3A_11, %dot_general3A {dimension_numbers = #tpu.dot_dimension_numbers<[1], [0], [0], [1], [0, 0, 1, 1], [], []>, transpose_lhs_hint = false} : vector<400x128xf32>, vector<128x128xf32>, vector<400x128xf32> -> vector<400x128xf32>
    %get3A_13 = arith.constant 0 : index
    %get3A_14 = arith.constant 0 : index
    %get3A_15 = vector.load %arg5[%get3A_13, %get3A_14] : memref<1x128xf32, #tpu.memory_space<vmem>>, vector<1x128xf32>
    %add3A_16 = vector.broadcast %get3A_15 : vector<1x128xf32> to vector<400x128xf32>
    %add3A_17 = arith.addf %dot_general3A_12, %add3A_16 : vector<400x128xf32>
    %max3A = arith.constant 0.000000e+00 : f32
    %max3A_18 = vector.broadcast %max3A : f32 to vector<400x128xf32>
    %max3A_19 = arith.maximumf %add3A_17, %max3A_18 : vector<400x128xf32>
    %get3A_20 = arith.constant 0 : index
    %get3A_21 = arith.constant 0 : index
    %get3A_22 = vector.load %arg6[%get3A_20, %get3A_21] : memref<128x128xf32, #tpu.memory_space<vmem>>, vector<128x128xf32>
    %dot_general3A_23 = arith.constant dense<0.000000e+00> : vector<400x128xf32>
    %dot_general3A_24 = tpu.matmul %max3A_19, %get3A_22, %dot_general3A_23 {dimension_numbers = #tpu.dot_dimension_numbers<[1], [0], [0], [1], [0, 0, 1, 1], [], []>, transpose_lhs_hint = false} : vector<400x128xf32>, vector<128x128xf32>, vector<400x128xf32> -> vector<400x128xf32>
    %get3A_25 = arith.constant 0 : index
    %get3A_26 = arith.constant 0 : index
    %get3A_27 = vector.load %arg7[%get3A_25, %get3A_26] : memref<1x128xf32, #tpu.memory_space<vmem>>, vector<1x128xf32>
    %add3A_28 = vector.broadcast %get3A_27 : vector<1x128xf32> to vector<400x128xf32>
    %add3A_29 = arith.addf %dot_general3A_24, %add3A_28 : vector<400x128xf32>
    %swap3A = arith.constant 0 : index
    %swap3A_30 = arith.constant 0 : index
    %swap3A_31 = vector.load %arg8[%swap3A, %swap3A_30] : memref<400x128xf32, #tpu.memory_space<vmem>>, vector<400x128xf32>
    tpu.vector_store %arg8[%swap3A, %swap3A_30], %add3A_29 {strides = array<i32>} : memref<400x128xf32, #tpu.memory_space<vmem>>, vector<400x128xf32>,
    return
  }
  func.func @transform_0(%arg0: i32) -> (i32, i32) {
    %c0_i32 = arith.constant 0 : i32
    %c0_i32_0 = arith.constant 0 : i32
    return %arg0, %c0_i32 : i32, i32
  }
  func.func @transform_1(%arg0: i32) -> (i32, i32) {
    %c0_i32 = arith.constant 0 : i32
    %c0_i32_0 = arith.constant 0 : i32
    return %arg0, %c0_i32 : i32, i32
  }
  func.func @transform_2(%arg0: i32) -> (i32, i32) {
    %c0_i32 = arith.constant 0 : i32
    %c0_i32_0 = arith.constant 0 : i32
    return %arg0, %c0_i32 : i32, i32
  }
  func.func @transform_3(%arg0: i32) -> (i32, i32) {
    %c0_i32 = arith.constant 0 : i32
    %c0_i32_0 = arith.constant 0 : i32
    %c0_i32_1 = arith.constant 0 : i32
    return %c0_i32, %c0_i32_0 : i32, i32
  }
  func.func @transform_4(%arg0: i32) -> (i32, i32) {
    %c0_i32 = arith.constant 0 : i32
    %c0_i32_0 = arith.constant 0 : i32
    %c0_i32_1 = arith.constant 0 : i32
    return %c0_i32, %c0_i32_0 : i32, i32
  }
  func.func @transform_5(%arg0: i32) -> (i32, i32) {
    %c0_i32 = arith.constant 0 : i32
    %c0_i32_0 = arith.constant 0 : i32
    %c0_i32_1 = arith.constant 0 : i32
    return %c0_i32, %c0_i32_0 : i32, i32
  }
  func.func @transform_6(%arg0: i32) -> (i32, i32) {
    %c0_i32 = arith.constant 0 : i32
    %c0_i32_0 = arith.constant 0 : i32
    %c0_i32_1 = arith.constant 0 : i32
    return %c0_i32, %c0_i32_0 : i32, i32
  }
  func.func @transform_7(%arg0: i32) -> (i32, i32) {
    %c0_i32 = arith.constant 0 : i32
    %c0_i32_0 = arith.constant 0 : i32
    return %arg0, %c0_i32 : i32, i32
  }
}

module attributes {stable_mosaic.version = 14 : i64} {
  func.func @_final_body(%arg0: i32, %arg1: memref<400x128xf32, #tpu.memory_space<vmem>>, %arg2: memref<400x128xf32, #tpu.memory_space<vmem>>, %arg3: memref<400x128xf32, #tpu.memory_space<vmem>>, %arg4: memref<128x128xf32, #tpu.memory_space<vmem>>, %arg5: memref<1x128xf32, #tpu.memory_space<vmem>>, %arg6: memref<128x128xf32, #tpu.memory_space<vmem>>, %arg7: memref<1x128xf32, #tpu.memory_space<vmem>>, %arg8: memref<400x1xi32, #tpu.memory_space<vmem>>, %arg9: memref<128x128xf32, #tpu.memory_space<vmem>>, %arg10: memref<1x128xf32, #tpu.memory_space<vmem>>, %arg11: memref<128x128xf32, #tpu.memory_space<vmem>>, %arg12: memref<128x128xf32, #tpu.memory_space<vmem>>, %arg13: memref<128x1xf32, #tpu.memory_space<vmem>>) attributes {dimension_semantics = [#tpu.dimension_semantics<arbitrary>], iteration_bounds = array<i64: 25>, scalar_prefetch = 0 : i64, scratch_operands = 2 : i64, tpu.core_type = #tpu.core_type<tc>, window_params = [{transform_indices = @transform_0, window_bounds = array<i64: 400, 128>}, {transform_indices = @transform_1, window_bounds = array<i64: 400, 128>}, {transform_indices = @transform_2, window_bounds = array<i64: 400, 128>}, {pipeline_mode = #tpu.pipeline_mode<synchronous>, transform_indices = @transform_3, window_bounds = array<i64: 128, 128>}, {pipeline_mode = #tpu.pipeline_mode<synchronous>, transform_indices = @transform_4, window_bounds = array<i64: 1, 128>}, {pipeline_mode = #tpu.pipeline_mode<synchronous>, transform_indices = @transform_5, window_bounds = array<i64: 128, 128>}, {pipeline_mode = #tpu.pipeline_mode<synchronous>, transform_indices = @transform_6, window_bounds = array<i64: 1, 128>}, {transform_indices = @transform_7, window_bounds = array<i64: 400, 1>}, {pipeline_mode = #tpu.pipeline_mode<synchronous>, transform_indices = @transform_8, window_bounds = array<i64: 128, 128>}, {pipeline_mode = #tpu.pipeline_mode<synchronous>, transform_indices = @transform_9, window_bounds = array<i64: 1, 128>}, {pipeline_mode = #tpu.pipeline_mode<synchronous>, transform_indices = @transform_10, window_bounds = array<i64: 128, 128>}]} {
    %eq3A = arith.constant 0 : i32
    %eq3A_0 = arith.cmpi eq, %arg0, %eq3A : i32
    %convert_element_type3A = arith.extui %eq3A_0 : i1 to i32
    %cond3A = arith.constant 0 : i32
    %cond3A_1 = arith.cmpi ne, %convert_element_type3A, %cond3A : i32
    scf.if %cond3A_1 {
      %broadcast_in_dim3A_63 = arith.constant 0.000000e+00 : f32
      %broadcast_in_dim3A_64 = vector.broadcast %broadcast_in_dim3A_63 : f32 to vector<128x128xf32>
      %swap3A_65 = arith.constant 0 : index
      %swap3A_66 = arith.constant 0 : index
      %swap3A_67 = vector.load %arg12[%swap3A_65, %swap3A_66] : memref<128x128xf32, #tpu.memory_space<vmem>>, vector<128x128xf32>
      tpu.vector_store %arg12[%swap3A_65, %swap3A_66], %broadcast_in_dim3A_64 {strides = array<i32>} : memref<128x128xf32, #tpu.memory_space<vmem>>, vector<128x128xf32>,
      %broadcast_in_dim3A_68 = arith.constant 0.000000e+00 : f32
      %broadcast_in_dim3A_69 = vector.broadcast %broadcast_in_dim3A_68 : f32 to vector<128x1xf32>
      %swap3A_70 = arith.constant 0 : index
      %swap3A_71 = arith.constant 0 : index
      %swap3A_72 = vector.load %arg13[%swap3A_70, %swap3A_71] : memref<128x1xf32, #tpu.memory_space<vmem>>, vector<128x1xf32>
      tpu.vector_store %arg13[%swap3A_70, %swap3A_71], %broadcast_in_dim3A_69 {strides = array<i32>} : memref<128x1xf32, #tpu.memory_space<vmem>>, vector<128x1xf32>,
    } else {
    }
    %get3A = arith.constant 0 : index
    %get3A_2 = arith.constant 0 : index
    %get3A_3 = vector.load %arg1[%get3A, %get3A_2] : memref<400x128xf32, #tpu.memory_space<vmem>>, vector<400x128xf32>
    %get3A_4 = arith.constant 0 : index
    %get3A_5 = arith.constant 0 : index
    %get3A_6 = vector.load %arg2[%get3A_4, %get3A_5] : memref<400x128xf32, #tpu.memory_space<vmem>>, vector<400x128xf32>
    %add3A = arith.addf %get3A_3, %get3A_6 : vector<400x128xf32>
    %get3A_7 = arith.constant 0 : index
    %get3A_8 = arith.constant 0 : index
    %get3A_9 = vector.load %arg3[%get3A_7, %get3A_8] : memref<400x128xf32, #tpu.memory_space<vmem>>, vector<400x128xf32>
    %add3A_10 = arith.addf %add3A, %get3A_9 : vector<400x128xf32>
    %get3A_11 = arith.constant 0 : index
    %get3A_12 = arith.constant 0 : index
    %get3A_13 = vector.load %arg4[%get3A_11, %get3A_12] : memref<128x128xf32, #tpu.memory_space<vmem>>, vector<128x128xf32>
    %dot_general3A = arith.constant dense<0.000000e+00> : vector<400x128xf32>
    %dot_general3A_14 = tpu.matmul %add3A_10, %get3A_13, %dot_general3A {dimension_numbers = #tpu.dot_dimension_numbers<[1], [0], [0], [1], [0, 0, 1, 1], [], []>, transpose_lhs_hint = false} : vector<400x128xf32>, vector<128x128xf32>, vector<400x128xf32> -> vector<400x128xf32>
    %get3A_15 = arith.constant 0 : index
    %get3A_16 = arith.constant 0 : index
    %get3A_17 = vector.load %arg5[%get3A_15, %get3A_16] : memref<1x128xf32, #tpu.memory_space<vmem>>, vector<1x128xf32>
    %add3A_18 = vector.broadcast %get3A_17 : vector<1x128xf32> to vector<400x128xf32>
    %add3A_19 = arith.addf %dot_general3A_14, %add3A_18 : vector<400x128xf32>
    %max3A = arith.constant 0.000000e+00 : f32
    %max3A_20 = vector.broadcast %max3A : f32 to vector<400x128xf32>
    %max3A_21 = arith.maximumf %add3A_19, %max3A_20 : vector<400x128xf32>
    %get3A_22 = arith.constant 0 : index
    %get3A_23 = arith.constant 0 : index
    %get3A_24 = vector.load %arg6[%get3A_22, %get3A_23] : memref<128x128xf32, #tpu.memory_space<vmem>>, vector<128x128xf32>
    %dot_general3A_25 = arith.constant dense<0.000000e+00> : vector<400x128xf32>
    %dot_general3A_26 = tpu.matmul %max3A_21, %get3A_24, %dot_general3A_25 {dimension_numbers = #tpu.dot_dimension_numbers<[1], [0], [0], [1], [0, 0, 1, 1], [], []>, transpose_lhs_hint = false} : vector<400x128xf32>, vector<128x128xf32>, vector<400x128xf32> -> vector<400x128xf32>
    %get3A_27 = arith.constant 0 : index
    %get3A_28 = arith.constant 0 : index
    %get3A_29 = vector.load %arg7[%get3A_27, %get3A_28] : memref<1x128xf32, #tpu.memory_space<vmem>>, vector<1x128xf32>
    %add3A_30 = vector.broadcast %get3A_29 : vector<1x128xf32> to vector<400x128xf32>
    %add3A_31 = arith.addf %dot_general3A_26, %add3A_30 : vector<400x128xf32>
    %iota3A = tpu.iota {dimensions = array<i32: 1>} : vector<1x128xi32>
    %get3A_32 = arith.constant 0 : index
    %get3A_33 = arith.constant 0 : index
    %get3A_34 = vector.load %arg8[%get3A_32, %get3A_33] : memref<400x1xi32, #tpu.memory_space<vmem>>, vector<400x1xi32>
    %eq3A_35 = vector.broadcast %get3A_34 : vector<400x1xi32> to vector<400x128xi32>
    %eq3A_36 = vector.broadcast %iota3A : vector<1x128xi32> to vector<400x128xi32>
    %eq3A_37 = arith.cmpi eq, %eq3A_35, %eq3A_36 : vector<400x128xi32>
    %convert_element_type3A_38 = arith.extui %eq3A_37 : vector<400x128xi1> to vector<400x128xi32>
    %convert_element_type3A_39 = arith.sitofp %convert_element_type3A_38 : vector<400x128xi32> to vector<400x128xf32>
    %get3A_40 = arith.constant 0 : index
    %get3A_41 = arith.constant 0 : index
    %get3A_42 = vector.load %arg12[%get3A_40, %get3A_41] : memref<128x128xf32, #tpu.memory_space<vmem>>, vector<128x128xf32>
    %dot_general3A_43 = arith.constant dense<0.000000e+00> : vector<128x128xf32>
    %dot_general3A_44 = tpu.matmul %convert_element_type3A_39, %add3A_31, %dot_general3A_43 {dimension_numbers = #tpu.dot_dimension_numbers<[0], [0], [1], [1], [0, 1, 1, 1], [], []>, transpose_lhs_hint = false} : vector<400x128xf32>, vector<400x128xf32>, vector<128x128xf32> -> vector<128x128xf32>
    %add3A_45 = arith.addf %get3A_42, %dot_general3A_44 : vector<128x128xf32>
    %swap3A = arith.constant 0 : index
    %swap3A_46 = arith.constant 0 : index
    %swap3A_47 = vector.load %arg12[%swap3A, %swap3A_46] : memref<128x128xf32, #tpu.memory_space<vmem>>, vector<128x128xf32>
    tpu.vector_store %arg12[%swap3A, %swap3A_46], %add3A_45 {strides = array<i32>} : memref<128x128xf32, #tpu.memory_space<vmem>>, vector<128x128xf32>,
    %get3A_48 = arith.constant 0 : index
    %get3A_49 = arith.constant 0 : index
    %get3A_50 = vector.load %arg13[%get3A_48, %get3A_49] : memref<128x1xf32, #tpu.memory_space<vmem>>, vector<128x1xf32>
    %broadcast_in_dim3A = arith.constant 1.000000e+00 : f32
    %broadcast_in_dim3A_51 = vector.broadcast %broadcast_in_dim3A : f32 to vector<400x1xf32>
    %dot_general3A_52 = arith.constant dense<0.000000e+00> : vector<128x1xf32>
    %dot_general3A_53 = tpu.matmul %convert_element_type3A_39, %broadcast_in_dim3A_51, %dot_general3A_52 {dimension_numbers = #tpu.dot_dimension_numbers<[0], [0], [1], [1], [0, 1, 1, 1], [], []>, transpose_lhs_hint = false} : vector<400x128xf32>, vector<400x1xf32>, vector<128x1xf32> -> vector<128x1xf32>
    %add3A_54 = arith.addf %get3A_50, %dot_general3A_53 : vector<128x1xf32>
    %swap3A_55 = arith.constant 0 : index
    %swap3A_56 = arith.constant 0 : index
    %swap3A_57 = vector.load %arg13[%swap3A_55, %swap3A_56] : memref<128x1xf32, #tpu.memory_space<vmem>>, vector<128x1xf32>
    tpu.vector_store %arg13[%swap3A_55, %swap3A_56], %add3A_54 {strides = array<i32>} : memref<128x1xf32, #tpu.memory_space<vmem>>, vector<128x1xf32>,
    %eq3A_58 = arith.constant 24 : i32
    %eq3A_59 = arith.cmpi eq, %arg0, %eq3A_58 : i32
    %convert_element_type3A_60 = arith.extui %eq3A_59 : i1 to i32
    %cond3A_61 = arith.constant 0 : i32
    %cond3A_62 = arith.cmpi ne, %convert_element_type3A_60, %cond3A_61 : i32
    scf.if %cond3A_62 {
      %get3A_63 = arith.constant 0 : index
      %get3A_64 = arith.constant 0 : index
      %get3A_65 = vector.load %arg12[%get3A_63, %get3A_64] : memref<128x128xf32, #tpu.memory_space<vmem>>, vector<128x128xf32>
      %get3A_66 = arith.constant 0 : index
      %get3A_67 = arith.constant 0 : index
      %get3A_68 = vector.load %arg13[%get3A_66, %get3A_67] : memref<128x1xf32, #tpu.memory_space<vmem>>, vector<128x1xf32>
      %max3A_69 = arith.constant 1.000000e+00 : f32
      %max3A_70 = vector.broadcast %max3A_69 : f32 to vector<128x1xf32>
      %max3A_71 = arith.maximumf %get3A_68, %max3A_70 : vector<128x1xf32>
      %div3A = vector.broadcast %max3A_71 : vector<128x1xf32> to vector<128x128xf32>
      %div3A_72 = arith.divf %get3A_65, %div3A : vector<128x128xf32>
      %get3A_73 = arith.constant 0 : index
      %get3A_74 = arith.constant 0 : index
      %get3A_75 = vector.load %arg9[%get3A_73, %get3A_74] : memref<128x128xf32, #tpu.memory_space<vmem>>, vector<128x128xf32>
      %dot_general3A_76 = arith.constant dense<0.000000e+00> : vector<128x128xf32>
      %dot_general3A_77 = tpu.matmul %div3A_72, %get3A_75, %dot_general3A_76 {dimension_numbers = #tpu.dot_dimension_numbers<[1], [0], [0], [1], [0, 0, 1, 1], [], []>, transpose_lhs_hint = false} : vector<128x128xf32>, vector<128x128xf32>, vector<128x128xf32> -> vector<128x128xf32>
      %get3A_78 = arith.constant 0 : index
      %get3A_79 = arith.constant 0 : index
      %get3A_80 = vector.load %arg10[%get3A_78, %get3A_79] : memref<1x128xf32, #tpu.memory_space<vmem>>, vector<1x128xf32>
      %add3A_81 = vector.broadcast %get3A_80 : vector<1x128xf32> to vector<128x128xf32>
      %add3A_82 = arith.addf %dot_general3A_77, %add3A_81 : vector<128x128xf32>
      %swap3A_83 = arith.constant 0 : index
      %swap3A_84 = arith.constant 0 : index
      %swap3A_85 = vector.load %arg11[%swap3A_83, %swap3A_84] : memref<128x128xf32, #tpu.memory_space<vmem>>, vector<128x128xf32>
      tpu.vector_store %arg11[%swap3A_83, %swap3A_84], %add3A_82 {strides = array<i32>} : memref<128x128xf32, #tpu.memory_space<vmem>>, vector<128x128xf32>,
    } else {
    }
    return
  }
  func.func @transform_0(%arg0: i32) -> (i32, i32) {
    %c0_i32 = arith.constant 0 : i32
    %c0_i32_0 = arith.constant 0 : i32
    return %arg0, %c0_i32 : i32, i32
  }
  func.func @transform_1(%arg0: i32) -> (i32, i32) {
    %c0_i32 = arith.constant 0 : i32
    %c0_i32_0 = arith.constant 0 : i32
    return %arg0, %c0_i32 : i32, i32
  }
  func.func @transform_2(%arg0: i32) -> (i32, i32) {
    %c0_i32 = arith.constant 0 : i32
    %c0_i32_0 = arith.constant 0 : i32
    return %arg0, %c0_i32 : i32, i32
  }
  func.func @transform_3(%arg0: i32) -> (i32, i32) {
    %c0_i32 = arith.constant 0 : i32
    %c0_i32_0 = arith.constant 0 : i32
    %c0_i32_1 = arith.constant 0 : i32
    return %c0_i32, %c0_i32_0 : i32, i32
  }
  func.func @transform_4(%arg0: i32) -> (i32, i32) {
    %c0_i32 = arith.constant 0 : i32
    %c0_i32_0 = arith.constant 0 : i32
    %c0_i32_1 = arith.constant 0 : i32
    return %c0_i32, %c0_i32_0 : i32, i32
  }
  func.func @transform_5(%arg0: i32) -> (i32, i32) {
    %c0_i32 = arith.constant 0 : i32
    %c0_i32_0 = arith.constant 0 : i32
    %c0_i32_1 = arith.constant 0 : i32
    return %c0_i32, %c0_i32_0 : i32, i32
  }
  func.func @transform_6(%arg0: i32) -> (i32, i32) {
    %c0_i32 = arith.constant 0 : i32
    %c0_i32_0 = arith.constant 0 : i32
    %c0_i32_1 = arith.constant 0 : i32
    return %c0_i32, %c0_i32_0 : i32, i32
  }
  func.func @transform_7(%arg0: i32) -> (i32, i32) {
    %c0_i32 = arith.constant 0 : i32
    %c0_i32_0 = arith.constant 0 : i32
    return %arg0, %c0_i32 : i32, i32
  }
  func.func @transform_8(%arg0: i32) -> (i32, i32) {
    %c0_i32 = arith.constant 0 : i32
    %c0_i32_0 = arith.constant 0 : i32
    %c0_i32_1 = arith.constant 0 : i32
    return %c0_i32, %c0_i32_0 : i32, i32
  }
  func.func @transform_9(%arg0: i32) -> (i32, i32) {
    %c0_i32 = arith.constant 0 : i32
    %c0_i32_0 = arith.constant 0 : i32
    %c0_i32_1 = arith.constant 0 : i32
    return %c0_i32, %c0_i32_0 : i32, i32
  }
  func.func @transform_10(%arg0: i32) -> (i32, i32) {
    %c0_i32 = arith.constant 0 : i32
    %c0_i32_0 = arith.constant 0 : i32
    %c0_i32_1 = arith.constant 0 : i32
    return %c0_i32, %c0_i32_0 : i32, i32
  }
}

</mosaic_0001>

<sc_bundles>
// kernel: kernel.11.cloned.1.call-start
scs
__scs_entry_jumppad:
0x0: {  	(pc) =	sbr.rel $0x88, $3  }
0x1: {  	(tag) =	ssettag $0x0;
	lr =	simm.s32 $0x1  }
0x2: {  	[smem:$0x3F90] =	sst lr;
	_ =	strace $0xD0000000  }
0x3: {  	_ = 	snop  }
0x4: {  	_ = 	snop  }
0x5: {  	_ = 	snop  }
0x6: {  	_ = 	snop  }
0x7: {  	_ = 	snop  }
__scs_overlays_trampoline_lowered:
0x8: {  	[smem:$0x3F9F] =	sst s0  }
0x9: {  	[smem:$0x3FA0] =	sst s1  }
0xa: {  	[smem:$0x3FA1] =	sst s2  }
0xb: {  	[smem:$0x3FA2] =	sst s3  }
0xc: {  	[smem:$0x3FA3] =	sst s4  }
0xd: {  	[smem:$0x3FA4] =	sst s5  }
0xe: {  	[smem:$0x3FA5] =	sst s6  }
0xf: {  	[smem:$0x3FA6] =	sst s7  }
0x10: {  	[smem:$0x3FA7] =	sst s8  }
0x11: {  	[smem:$0x3FA8] =	sst s9;
	s0 =	simm.s32 @!p0 $0x0  }
0x12: {  	s1 =	sld [smem:$0x3F8E];
	s0 =	simm.s32 @p0 $0x1  }
0x13: {  	[smem:$0x3FA9] =	sst s0;
	s0 =	simm.s32 @!p1 $0x0  }
0x14: {  	s2 =	sld [smem:$0x3F8D];
	s0 =	simm.s32 @p1 $0x1  }
0x15: {  	[smem:$0x3FAA] =	sst s0;
	s0 =	simm.s32 @!p2 $0x0  }
0x16: {  	s3 =	sld [smem:$0x3FDB];
	s0 =	simm.s32 @p2 $0x1  }
0x17: {  	s4 =	simm.s32 $0x1BF5;
	[smem:$0x3FAC] =	sst s0  }
0x18: {  	s0 =	sld [smem:$0x3F8F];
	_ =	swait.ge [sflag:s4], $0x0  }
0x19: {  	s7 =	sld [smem:$0x3F90]  }
0x1a: {  	s8 =	sadd.s32 $0xFFFFE003, lr  }
0x1b: {  	s9 =	sadd.s32 $0xFFFFFEF7, lr;
	s5 =	simm.s32 $0xFFFFFFFF;
	p2 =	slt.u32 s8, $0xFFFFF086  }
0x1c: {  	p1 =	slt.u32 s9, $0xF7A;
	s5 =	simm.s32 @!p2 $0x0  }
0x1d: {  	s5 =	simm.s32 @p1 $0x1;
	p0 =	seq.s32 s7, s2  }
0x1e: {  	s7 =	smul.u32 @!p0 $0xF7A, s2;
	p2 =	seq.s32 @!p0 s5, $0x0  }
0x1f: {  	s9 =	smul.u32 $0xF7A, s1;
	s8 =	simm.s32 @!p0 $0x1BF5;
	p2 =	por !p2, p0  }
0x20: {  	[sflag:s8] =	ssyncset.s32 @!p0 $0xFFFFF086;
	s6 =	sadd.s32 @!p0 s3, s7;
	s7 =	simm.s32 @!p0 $0x108  }
0x21: {  	s3 =	sadd.s32 s3, s9;
	s6 =	sadd.s32 @!p0 $0x88, s6;
	s7 =	simm.s32 @p2 $0x1082  }
0x22: {  	[simem:s7], [sflag:s8] =	dma.local @!p0 [hbm:s6], $0xF7A  }
0x23: {  	s9 =	sor.u32 $0xD0000000, s2;
	s6 =	simm.s32 $0x108;
	_ =	swait.ge @!p0 [sflag:s8], $0x0  }
0x24: {  	s3 =	sadd.s32 $0x88, s3;
	s6 =	simm.s32 @!p1 $0x1082;
	[sflag:s4] =	ssyncset.s32 $0xFFFFF086  }
0x25: {  	[simem:s6], [sflag:s4] =	dma.local [hbm:s3], $0xF7A  }
0x26: {  	[smem:$0x3F90] =	sst s1;
	(tag) =	ssettag s2;
	_ =	strace s9  }
0x27: {  	s1 =	sld [smem:$0x3FA0]  }
0x28: {  	s2 =	sld [smem:$0x3FA1]  }
0x29: {  	s4 =	sld [smem:$0x3FA3]  }
0x2a: {  	p0 =	seq.s32 s5, $0x0;
	s5 =	sld [smem:$0x3FA4]  }
0x2b: {  	s6 =	sld [smem:$0x3FA5]  }
0x2c: {  	s7 =	sld [smem:$0x3FA6]  }
0x2d: {  	s3 =	simm.s32 $0x108;
	s8 =	sld [smem:$0x3FA7]  }
0x2e: {  	s3 =	simm.s32 @!p0 $0x1082;
	s9 =	sld [smem:$0x3FA8]  }
0x2f: {  	lr =	sadd.s32 s0, s3;
	s0 =	sld [smem:$0x3F9F]  }
0x30: {  	s3 =	sld [smem:$0x3FA2]  }
0x31: {  	[smem:$0x3FAB] =	sst s10  }
0x32: {  	s10 =	sld [smem:$0x3FA9];
	_ =	sdelay $0x3  }
0x33: {  	p0 =	seq.s32 s10, $0x1;
	s10 =	sld [smem:$0x3FAB];
	_ =	sdelay $0x3  }
0x34: {  	[smem:$0x3FAB] =	sst s10  }
0x35: {  	s10 =	sld [smem:$0x3FAA];
	_ =	sdelay $0x3  }
0x36: {  	p1 =	seq.s32 s10, $0x1;
	s10 =	sld [smem:$0x3FAB];
	_ =	sdelay $0x3  }
0x37: {  	[smem:$0x3FAB] =	sst s10  }
0x38: {  	s10 =	sld [smem:$0x3FAC]  }
0x39: {  	_ = 	snop;
	(pc) =	sbr.ind lr, $3  }
0x3a: {  	_ = 	snop  }
0x3b: {  	_ = 	snop  }
0x3c: {  	p2 =	seq.s32 s10, $0x1;
	s10 =	sld [smem:$0x3FAB]  }
0x3d: {  	_ =	shalt  }
0x3e: {  	_ =	shalt  }
0x3f: {  	_ =	shalt  }
0x40: {  	_ =	shalt  }
0x41: {  	_ =	shalt  }
0x42: {  	_ =	shalt  }
0x43: {  	_ =	shalt  }
0x44: {  	_ =	shalt  }
0x45: {  	_ =	shalt  }
0x46: {  	_ =	shalt  }
0x47: {  	_ =	shalt  }
0x48: {  	_ =	shalt  }
0x49: {  	_ =	shalt  }
0x4a: {  	_ =	shalt  }
0x4b: {  	_ =	shalt  }
0x4c: {  	_ =	shalt  }
0x4d: {  	_ =	shalt  }
0x4e: {  	_ =	shalt  }
0x4f: {  	_ =	shalt  }
0x50: {  	_ =	shalt  }
0x51: {  	_ =	shalt  }
0x52: {  	_ =	shalt  }
0x53: {  	_ =	shalt  }
0x54: {  	_ =	shalt  }
0x55: {  	_ =	shalt  }
0x56: {  	_ =	shalt  }
0x57: {  	_ =	shalt  }
0x58: {  	_ =	shalt  }
0x59: {  	_ =	shalt  }
0x5a: {  	_ =	shalt  }
0x5b: {  	_ =	shalt  }
0x5c: {  	_ =	shalt  }
0x5d: {  	_ =	shalt  }
0x5e: {  	_ =	shalt  }
0x5f: {  	_ =	shalt  }
0x60: {  	_ =	shalt  }
0x61: {  	_ =	shalt  }
0x62: {  	_ =	shalt  }
0x63: {  	_ =	shalt  }
0x64: {  	_ =	shalt  }
0x65: {  	_ =	shalt  }
0x66: {  	_ =	shalt  }
0x67: {  	_ =	shalt  }
0x68: {  	_ =	shalt  }
0x69: {  	_ =	shalt  }
0x6a: {  	_ =	shalt  }
0x6b: {  	_ =	shalt  }
0x6c: {  	_ =	shalt  }
0x6d: {  	_ =	shalt  }
0x6e: {  	_ =	shalt  }
0x6f: {  	_ =	shalt  }
0x70: {  	_ =	shalt  }
0x71: {  	_ =	shalt  }
0x72: {  	_ =	shalt  }
0x73: {  	_ =	shalt  }
0x74: {  	_ =	shalt  }
0x75: {  	_ =	shalt  }
0x76: {  	_ =	shalt  }
0x77: {  	_ =	shalt  }
0x78: {  	_ =	shalt  }
0x79: {  	_ =	shalt  }
0x7a: {  	_ =	shalt  }
0x7b: {  	_ =	shalt  }
0x7c: {  	_ =	shalt  }
0x7d: {  	_ =	shalt  }
0x7e: {  	_ =	shalt  }
0x7f: {  	_ =	shalt  }
0x80: {  	_ =	shalt  }
0x81: {  	_ =	shalt  }
0x82: {  	_ =	shalt  }
0x83: {  	_ =	shalt  }
0x84: {  	_ =	shalt  }
0x85: {  	_ =	shalt  }
0x86: {  	_ =	shalt  }
0x87: {  	_ =	shalt  }
.Lfunc_end0:
.L_simem_size_0:
called_computation.1_lowered:
.L_overlay_start_0:
0x88: {  	s2 =	sld [smem:$0x3FD9]  }
0x89: {  	s3 =	sld [smem:$0x3FFE];
	_ =	sdelay $0x1  }
0x8a: {  	s1 =	srdreg.scid  }
0x8b: {  	s0 =	sand.u32 $0x1, s1  }
0x8c: {  	s16 =	sshll.u32 s0, $0xA;
	s2 =	sadd.s32 s3, s2  }
0x8d: {  	s2 =	sadd.s32 s2, s16  }
0x8e: {  	[smem:$0x3FB7] =	sst s2  }
0x8f: {  	_ = 	snop  }
0x90: {  	(tm) =	ssettm $0x1  }
0x91: {  	s17 =	sld [smem:$0x3FFB];
	_ =	sdelay $0x3  }
0x92: {  	_ =	strace s17  }
0x93: {  	s2 =	sld [smem:$0x3FFC];
	_ =	sdelay $0x3  }
0x94: {  	_ =	strace s2  }
0x95: {  	s2 =	sld [smem:$0x3FFD];
	_ =	sdelay $0x3  }
0x96: {  	_ =	strace s2  }
0x97: {  	_ =	strace $0x8FFFFFFF  }
0x98: {  	s18 =	sld [smem:$0x3FDB];
	_ =	sdelay $0x1  }
0x99: {  	s19 =	simm.s32 $_scs_section_size  }
0x9a: {  	s4 =	simm.s32 $_size__tile_overlayer_lowered;
	s5 =	simm.s32 $_tile_overlayer_lowered  }
0x9b: {  	s22 =	simm.s32 $0x1BFF;
	s21 =	sshll.u32 s5, $0x1;
	s2 =	sadd.s32 s19, s18  }
0x9c: {  	s6 =	simm.s32 $0x0;
	s20 =	sshll.u32 s4, $0x1;
	s4 =	sadd.s32 s21, s2  }
0x9d: {  	[timem:s6], [sflag:s22] =	dma.local [hbm:s4], s20  }
0x9e: {  	_ =	swait.ge [sflag:s22], s20  }
0x9f: {  	s3 =	ssub.s32 $0x0, s20;
	[sflag:s22] =	ssyncset.done $0x0  }
0xa0: {  	[sflag:s22] =	ssyncadd.s32 s3;
	_ =	sdelay $0x1  }
0xa1: {  	s23 =	simm.s32 $0x1B8B  }
0xa2: {  	_ =	swait.ge [sflag:s23], $0x1  }
0xa3: {  	[sflag:s23] =	ssyncset.done $0x0  }
0xa4: {  	s25 =	simm.s32 $0x1B8E;
	s24 =	sld [smem:$0x3FFE];
	[sflag:s23] =	ssyncadd.s32 $0xFFFFFFFF  }
0xa5: {  	s26 =	simm.s32 $execute0_lowered;
	[smem:$0x3FD2] =	sst s25  }
0xa6: {  	s4 =	sshll.u32 s26, $0x1;
	_ =	strace $0x80000049;
	[dreg:$0x1] =	wrdreg $0xFFFFFFFF  }
0xa7: {  	s28 =	simm.s32 $_size_execute0_lowered;
	s2 =	sadd.s32 s2, s4;
	[dreg:$0x0] =	wrdreg $0x0  }
0xa8: {  	s4 =	sshll.u32 s28, $0x1;
	[dreg:$0x2] =	wrdreg s2  }
0xa9: {  	[dreg:$0x3] =	wrdreg s4  }
0xaa: {  	[dreg:$0x4] =	wrdreg $0xC0  }
0xab: {  	_ =	task [dreg:s6], $0x5FFFF  }
0xac: {  	[dreg:$0x1] =	wrdreg $0xFFFFFFFF  }
0xad: {  	[dreg:$0x0] =	wrdreg $0x60  }
0xae: {  	[dreg:$0x2] =	wrdreg s24  }
0xaf: {  	[dreg:$0x3] =	wrdreg $0x0  }
0xb0: {  	[dreg:$0x4] =	wrdreg $0x9  }
0xb1: {  	_ =	task.clear_ibuf [dreg:s6], $0x5FFFF;
	_ =	strace $0x90000049  }
0xb2: {  	s29 =	simm.s32 $0x9;
	_ =	strace $0x8000004B  }
0xb3: {  	_ =	swait.ge [sflag:s29], $0x1  }
0xb4: {  	[sflag:s29] =	ssyncadd.s32 $0xFFFFFFFF  }
0xb5: {  	_ =	strace $0x9000004B  }
0xb6: {  	_ =	sfence  }
0xb7: {  	s30 =	sld [smem:$0x0];
	_ =	sdelay $0x2  }
0xb8: {  	s31 =	sshll.u32 s1, $0xD;
	s1 =	sshrl.u32 s1, $0x2  }
0xb9: {  	s3 =	sand.u32 $0x4000, s31;
	s1 =	sadd.s32 s1, s30  }
0xba: {  	s0 =	sor.u32 s3, s0;
	s1 =	sshll.u32 s1, $0x11  }
0xbb: {  	s0 =	sor.u32 s1, s0  }
0xbc: {  	s0 =	sadd.s32 $0x8F2B, s0  }
0xbd: {  	[sflag:s0] =	ssyncadd.remote.s32 $0x1  }
0xbe: {  	_ =	sfence.sel $0xFFFF  }
0xbf: {  	[dreg:$0x0] =	wrdreg $0xFFFFFFFF;
	(pc) =	sbr.abs _section_cstart, $3  }
0xc0: {  	[dreg:$0x1] =	wrdreg $0xFFFFFFFF  }
0xc1: {  	_ =	task.clear_ibuf [dreg:s6], $0x2FFFF;
	_ =	strace $0x9FFFFFFF  }
0xc2: {  	(tm) =	ssettm $0x7FFFFFFF  }
0xc3: {  	_ =	shalt  }
tec
execute0_lowered:
.L_overlay_start_1:
0x0: {  	(tag) =	ssettag $0x1  }
0x1: {  	s0 =	rddreg [dreg:$0x0];
	s7 =	stileid.u32  }
0x2: {  	s1 =	srdreg.scid;
	s2 =	rddreg [dreg:$0x1];
	s8 =	simm.s32 $0x0  }
0x3: {  	s23 =	simm.s32 $0x14080;
	s24 =	simm.s32 $0x14180;
	s25 =	simm.s32 $0x14280  }
0x4: {  	s26 =	simm.s32 $0x14380;
	s28 =	simm.s32 $0x6;
	s3 =	smul.u32 $0x8C, s7  }
0x5: {  	s29 =	simm.s32 $0x18400;
	s30 =	simm.s32 $0x8;
	s4 =	smul.u32 $0x14, s7  }
0x6: {  	s1 =	sand.u32 $0x1, s1;
	s6 =	smul.u32 $0x14000, s7;
	[smem:$0x7FF] =	sst s8  }
0x7: {  	s14 =	smul.u32 $0x50000, s7;
	_ =	strace $0x8000004A;
	[dreg:$0x4] =	wrdreg s23  }
0x8: {  	s31 =	simm.s32 $0x0;
	s5 =	smul.u32 $0x140000, s1;
	[dreg:$0x6] =	wrdreg s24  }
0x9: {  	p0 =	seq.s32 s1, $0x0;
	s1 =	ssub.s32 $0x2, s1;
	[dreg:$0x7] =	wrdreg s25  }
0xa: {  	s23 =	simm.s32 $0x1;
	s24 =	simm.s32 $0x80;
	[dreg:$0x8] =	wrdreg s26  }
0xb: {  	s25 =	simm.s32 $0x5;
	s26 =	simm.s32 $0x7;
	s4 =	sadd.s32 $0x8C0, s4  }
0xc: {  	s4 =	smov.u32 @p0 s3;
	s13 =	sadd.s32 s6, s5;
	s6 =	sshrl.u32 s14, $0x2  }
0xd: {  	s15 =	sshrl.u32 s1, $0x1;
	s3 =	sshll.u32 s4, $0x5;
	s6 =	sadd.s32 s6, s2  }
0xe: {  	s5 =	sshrl.u32 s13, $0x3;
	s4 =	sadd.s32 $0x22A00, s0;
	s16 =	sadd.s32 $0x4000, s6  }
0xf: {  	s3 =	sadd.s32 s3, s0;
	s17 =	sadd.s32 $0x8000, s6;
	[dreg:$0x9] =	wrdreg s16  }
0x10: {  	s0 =	sadd.s32 s5, s0;
	s18 =	sadd.s32 $0xC000, s6;
	[dreg:$0xa] =	wrdreg s17  }
0x11: {  	s5 =	simm.s32 $0x8C;
	s19 =	sadd.s32 $0x10000, s6;
	[dreg:$0xb] =	wrdreg s18  }
0x12: {  	s1 =	ssub.s32 s1, s15;
	s5 =	simm.s32 @!p0 $0x14;
	[dreg:$0xc] =	wrdreg s19  }
0x13: {  	s20 =	sadd.s32 $0xEA00, s3;
	s12 =	sadd.s32 $0xEA20, s3;
	s13 =	sadd.s32 $0xEA40, s3  }
0x14: {  	s15 =	sadd.s32 $0x49C00, s0;
	s16 =	smax.u32 s1, $0x1;
	s3 =	sadd.s32 $0xEA60, s3  }
0x15: {  	s18 =	simm.s32 $0x14400;
	[dreg:$0xd] =	wrdreg s20;
	s21 =	sadd.s32 $0xFFFFFFFF, s5  }
0x16: {  	s19 =	simm.s32 $0x9;
	s22 =	sadd.s32 $0xFFFFFFFE, s5;
	[dreg:$0x3] =	wrdreg s21  }
0x17: {  	v0 =	vimm.f32 $0.0e+00;
	s14 =	sshrl.u32 s5, $0x2;
	s20 =	simm.s32 $0x14000;
	[dreg:$0x5] =	wrdreg s22  }
.LBB2_1:
0x18: {  	s1 =	simm.s32 $0x0  }
0x19: {  	s0 =	simm.s32 $0x10;
	s1 =	sand.u32 $0x3FF0, s1  }
.LBB2_2:
0x1a: {  	p0 =	sne.s32 s0, $0x3FF0;
	[tilespmem:s1+$0x14400] =	vst v0;
	s1 =	smov.u32 s0;
	s0 =	sadd.s32 $0x10, s0  }
.Ltmp0:
0x1b: {  	(pc) =	sbr.rel @p0 .LBB2_2-.Ltmp0, $2  }
0x1c: {  	_ =	sdelay $0x2  }
0x1d: {  	s1 =	sand.u32 $0x3FF0, s1  }
0x1e: {  	[tilespmem:s1+$0x14400] =	vst v0  }
0x1f: {  	[spmem:s6] =	stream.linear.scatter [tilespmem:s18], [sflag:$0x9], $0x4000, $0x38;
	[tilespmem:$0x1C400] =	vst v63  }
0x20: {  	_ =	swait.ge [sflag:s19], $0x4000  }
0x21: {  	[sflag:s19] =	ssyncset.done $0x0  }
0x22: {  	s0 =	rddreg [dreg:$0x9];
	[sflag:s19] =	ssyncadd.s32 $0xFFFFC000  }
0x23: {  	[spmem:s0] =	stream.linear.scatter [tilespmem:s18], [sflag:$0x9], $0x4000, $0x38;
	[tilespmem:$0x1C400] =	vst v63  }
0x24: {  	_ =	swait.ge [sflag:s19], $0x4000  }
0x25: {  	[sflag:s19] =	ssyncset.done $0x0  }
0x26: {  	s8 =	rddreg [dreg:$0xa];
	[sflag:s19] =	ssyncadd.s32 $0xFFFFC000  }
0x27: {  	[spmem:s8] =	stream.linear.scatter [tilespmem:s18], [sflag:$0x9], $0x4000, $0x38;
	[tilespmem:$0x1C400] =	vst v63  }
0x28: {  	_ =	swait.ge [sflag:s19], $0x4000  }
0x29: {  	[sflag:s19] =	ssyncset.done $0x0  }
0x2a: {  	s9 =	rddreg [dreg:$0xb];
	[sflag:s19] =	ssyncadd.s32 $0xFFFFC000  }
0x2b: {  	[spmem:s9] =	stream.linear.scatter [tilespmem:s18], [sflag:$0x9], $0x4000, $0x38;
	[tilespmem:$0x1C400] =	vst v63  }
0x2c: {  	_ =	swait.ge [sflag:s19], $0x4000  }
0x2d: {  	[sflag:s19] =	ssyncset.done $0x0  }
0x2e: {  	s10 =	rddreg [dreg:$0xc];
	[sflag:s19] =	ssyncadd.s32 $0xFFFFC000  }
0x2f: {  	[spmem:s10] =	stream.linear.scatter [tilespmem:s18], [sflag:$0x9], $0x4000, $0x38;
	[tilespmem:$0x1C400] =	vst v63  }
0x30: {  	_ =	swait.ge [sflag:s19], $0x4000  }
0x31: {  	[sflag:s19] =	ssyncset.done $0x0  }
0x32: {  	[sflag:s19] =	ssyncadd.s32 $0xFFFFC000  }
0x33: {  	[bflag:$0x0] =	sbarrier.arrive $0xFFFF  }
0x34: {  	s22 =	simm.s32 $0x0;
	s11 =	rddreg [dreg:$0xd]  }
0x35: {  	[tilespmem:s20], [sflag:$0x1] =	stream.linear.gather [hbm4b:s11+s22], $0x100, $0x38;
	[tilespmem:$0x1C400] =	vst v63  }
0x36: {  	s17 =	simm.s32 $0x14100;
	s0 =	sadd.s32 $0xFFFFFFFF, s14  }
0x37: {  	[tilespmem:s17], [sflag:$0x2] =	stream.linear.gather [hbm4b:s12+s22], $0x100, $0x38;
	[tilespmem:$0x1C400] =	vst v63  }
0x38: {  	s21 =	simm.s32 $0x14200;
	p2 =	sne.s32 s0, $0x0  }
0x39: {  	[tilespmem:s21], [sflag:$0x3] =	stream.linear.gather [hbm4b:s13+s22], $0x100, $0x38;
	[tilespmem:$0x1C400] =	vst v63  }
.Ltmp1:
0x3a: {  	_ = 	snop;
	(pc) =	sbr.rel @!p2 .LBB2_4-.Ltmp1, $4  }
0x3b: {  	_ =	swait.ge [sflag:s23], $0x100  }
0x3c: {  	p0 =	por $0x1, $0x1;
	s1 =	simm.s32 $0x4;
	[sflag:s23] =	ssyncset.done $0x0  }
0x3d: {  	p1 =	por $0x0, $0x0;
	p0 =	por p0, p0;
	[sflag:s23] =	ssyncadd.s32 $0xFFFFFF00  }
0x3e: {  	[tilespmem:s18], [sflag:$0x5] =	stream.indirect.gather [hbm4b:s4+s24], $0x80, s20, s24, $0xb8;
	[tilespmem:$0x1C400] =	vst v63  }
0x3f: {  	s7 =	simm.s32 @!p0 $0x8  }
0x40: {  	p1 =	sle.u32 s5, $0x3;
	_ =	swait.ge @!p0 [sflag:s7], $0x4000  }
0x41: {  	s21 =	simm.s32 @!p1 $0x14300;
	[sflag:s7] =	ssyncset.done @!p0 $0x0;
	s17 =	rddreg [dreg:$0x3]  }
0x42: {  	[sflag:s7] =	ssyncadd.s32 @!p0 $0xFFFFC000;
	s7 =	simm.s32 @!p1 $0x0;
	p0 =	sle.u32 s17, $0x0  }
0x43: {  	[tilespmem:s21], [sflag:$0x4] =	stream.linear.gather @!p1 [hbm4b:s3+s7], $0x100, $0x38;
	[tilespmem:$0x1C400] =	vst v63  }
0x44: {  	s7 =	simm.s32 @!p0 $0x2  }
0x45: {  	_ =	swait.ge @!p0 [sflag:s7], $0x100  }
0x46: {  	s17 =	simm.s32 @!p0 $0x18400;
	[sflag:s7] =	ssyncset.done @!p0 $0x0  }
0x47: {  	s22 =	simm.s32 @!p0 $0x14100;
	[sflag:s7] =	ssyncadd.s32 @!p0 $0xFFFFFF00;
	s7 =	simm.s32 @!p0 $0x80  }
0x48: {  	[tilespmem:s17], [sflag:$0x6] =	stream.indirect.gather @!p0 [hbm4b:s4+s7], $0x80, s22, s7, $0xb8;
	[tilespmem:$0x1C400] =	vst v63  }
0x49: {  	_ =	swait.ge [sflag:s25], $0x4000  }
0x4a: {  	[sflag:s25] =	ssyncset.done $0x0  }
0x4b: {  	s10 =	rddreg [dreg:$0x4];
	[sflag:s25] =	ssyncadd.s32 $0xFFFFC000  }
0x4c: {  	[spmem:s2] =	stream.indirect.scatter.add.f32 [tilespmem:s18], [sflag:$0x7], $0x80, s10, s24, $0xb8;
	[tilespmem:$0x1C400] =	vst v63  }
0x4d: {  	p0 =	sle.u32 s5, $0x4;
	_ =	swait.ge [sflag:s26], $0x4000  }
0x4e: {  	s17 =	sadd.s32 @!p0 $0x20, s3;
	s11 =	rddreg [dreg:$0x5]  }
0x4f: {  	s7 =	simm.s32 @!p0 $0x0;
	[sflag:s26] =	ssyncset.done $0x0;
	p2 =	sle.u32 s11, $0x0  }
0x50: {  	s8 =	simm.s32 @!p0 $0x14000;
	[sflag:s26] =	ssyncadd.s32 $0xFFFFC000;
	s22 =	simm.s32 @!p2 $0x3  }
0x51: {  	[tilespmem:s8], [sflag:$0x1] =	stream.linear.gather @!p0 [hbm4b:s17+s7], $0x100, $0x38;
	[tilespmem:$0x1C400] =	vst v63  }
0x52: {  	_ =	swait.ge @!p2 [sflag:s22], $0x100  }
0x53: {  	s7 =	simm.s32 @!p2 $0x14400;
	[sflag:s22] =	ssyncset.done @!p2 $0x0  }
0x54: {  	s17 =	simm.s32 @!p2 $0x80;
	s9 =	simm.s32 @!p2 $0x14200;
	[sflag:s22] =	ssyncadd.s32 @!p2 $0xFFFFFF00  }
0x55: {  	[tilespmem:s7], [sflag:$0x5] =	stream.indirect.gather @!p2 [hbm4b:s4+s17], $0x80, s9, s17, $0xb8;
	[tilespmem:$0x1C400] =	vst v63  }
0x56: {  	_ =	swait.ge [sflag:s28], $0x4000  }
0x57: {  	[sflag:s28] =	ssyncset.done $0x0  }
0x58: {  	s17 =	rddreg [dreg:$0x6];
	[sflag:s28] =	ssyncadd.s32 $0xFFFFC000  }
0x59: {  	[spmem:s2] =	stream.indirect.scatter.add.f32 [tilespmem:s29], [sflag:$0x8], $0x80, s17, s24, $0xb8;
	[tilespmem:$0x1C400] =	vst v63  }
0x5a: {  	p2 =	sle.u32 s5, $0x5;
	_ =	swait.ge [sflag:s30], $0x4000  }
0x5b: {  	s22 =	simm.s32 @!p1 $0x4;
	s7 =	sadd.s32 @!p2 $0x40, s3;
	[sflag:s30] =	ssyncset.done $0x0  }
0x5c: {  	s9 =	simm.s32 @!p2 $0x14100;
	s17 =	simm.s32 @!p2 $0x0;
	[sflag:s30] =	ssyncadd.s32 $0xFFFFC000  }
0x5d: {  	[tilespmem:s9], [sflag:$0x2] =	stream.linear.gather @!p2 [hbm4b:s7+s17], $0x100, $0x38;
	[tilespmem:$0x1C400] =	vst v63  }
0x5e: {  	_ =	swait.ge @!p1 [sflag:s22], $0x100  }
0x5f: {  	[sflag:s22] =	ssyncset.done @!p1 $0x0  }
0x60: {  	s7 =	simm.s32 @!p1 $0x80;
	s9 =	simm.s32 @!p1 $0x18400;
	[sflag:s22] =	ssyncadd.s32 @!p1 $0xFFFFFF00  }
0x61: {  	[tilespmem:s9], [sflag:$0x6] =	stream.indirect.gather @!p1 [hbm4b:s4+s7], $0x80, s21, s7, $0xb8;
	[tilespmem:$0x1C400] =	vst v63  }
0x62: {  	_ =	swait.ge [sflag:s25], $0x4000  }
0x63: {  	[sflag:s25] =	ssyncset.done $0x0  }
0x64: {  	s22 =	rddreg [dreg:$0x7];
	[sflag:s25] =	ssyncadd.s32 $0xFFFFC000  }
0x65: {  	[spmem:s2] =	stream.indirect.scatter.add.f32 [tilespmem:s18], [sflag:$0x7], $0x80, s22, s24, $0xb8;
	[tilespmem:$0x1C400] =	vst v63  }
0x66: {  	p1 =	sle.u32 s5, $0x6;
	_ =	swait.ge [sflag:s26], $0x4000  }
0x67: {  	s21 =	simm.s32 @!p0 $0x1;
	s7 =	sadd.s32 @!p1 $0x60, s3;
	[sflag:s26] =	ssyncset.done $0x0  }
0x68: {  	s9 =	simm.s32 @!p1 $0x14200;
	s17 =	simm.s32 @!p1 $0x0;
	[sflag:s26] =	ssyncadd.s32 $0xFFFFC000  }
0x69: {  	[tilespmem:s9], [sflag:$0x3] =	stream.linear.gather @!p1 [hbm4b:s7+s17], $0x100, $0x38;
	[tilespmem:$0x1C400] =	vst v63  }
0x6a: {  	s22 =	sadd.s32 $0xFFFFFFFF, s0;
	_ =	swait.ge @!p0 [sflag:s21], $0x100  }
0x6b: {  	s0 =	simm.s32 @!p0 $0x80;
	p2 =	sne.s32 s22, $0x0;
	[sflag:s21] =	ssyncset.done @!p0 $0x0  }
.Ltmp2:
0x6c: {  	s7 =	simm.s32 @!p0 $0x14400;
	[sflag:s21] =	ssyncadd.s32 @!p0 $0xFFFFFF00;
	(pc) =	sbr.rel @!p2 .LBB2_6-.Ltmp2, $4  }
0x6d: {  	[tilespmem:s7], [sflag:$0x5] =	stream.indirect.gather @!p0 [hbm4b:s4+s0], $0x80, s8, s0, $0xb8;
	[tilespmem:$0x1C400] =	vst v63  }
0x6e: {  	p6 =	por $0x0, $0x0;
	s17 =	sadd.s32 $0x80, s3;
	_ =	swait.ge [sflag:s28], $0x4000  }
0x6f: {  	p1 =	por $0x1, $0x1;
	s21 =	simm.s32 $0x8;
	[sflag:s28] =	ssyncset.done $0x0  }
0x70: {  	p0 =	por p6, p6;
	s0 =	rddreg [dreg:$0x8];
	[sflag:s28] =	ssyncadd.s32 $0xFFFFC000  }
.LBB2_7:
0x71: {  	[spmem:s2] =	stream.indirect.scatter.add.f32 [tilespmem:s29], [sflag:$0x8], $0x80, s0, s24, $0xb8;
	[tilespmem:$0x1C400] =	vst v63  }
0x72: {  	s7 =	simm.s32 @!p0 $0x8;
	s9 =	sadd.s32 $0x3, s1  }
0x73: {  	_ =	swait.ge @!p0 [sflag:s7], $0x4000;
	p3 =	sge.u32 s9, s5  }
0x74: {  	[sflag:s7] =	ssyncset.done @!p0 $0x0;
	s8 =	rddreg [dreg:$0x3];
	s0 =	simm.s32 @!p3 $0x14300  }
0x75: {  	[sflag:s7] =	ssyncadd.s32 @!p0 $0xFFFFC000;
	s7 =	simm.s32 @!p3 $0x0;
	p5 =	sge.u32 s1, s8  }
0x76: {  	[tilespmem:s0], [sflag:$0x4] =	stream.linear.gather @!p3 [hbm4b:s17+s7], $0x100, $0x38;
	[tilespmem:$0x1C400] =	vst v63  }
0x77: {  	s7 =	simm.s32 @!p5 $0x2  }
0x78: {  	_ =	swait.ge @!p5 [sflag:s7], $0x100  }
0x79: {  	s8 =	simm.s32 @!p5 $0x18400;
	[sflag:s7] =	ssyncset.done @!p5 $0x0  }
0x7a: {  	s9 =	simm.s32 @!p5 $0x14100;
	[sflag:s7] =	ssyncadd.s32 @!p5 $0xFFFFFF00;
	s7 =	simm.s32 @!p5 $0x80  }
0x7b: {  	[tilespmem:s8], [sflag:$0x6] =	stream.indirect.gather @!p5 [hbm4b:s4+s7], $0x80, s9, s7, $0xb8;
	[tilespmem:$0x1C400] =	vst v63  }
0x7c: {  	_ =	swait.ge [sflag:s25], $0x4000  }
0x7d: {  	[sflag:s25] =	ssyncset.done $0x0  }
0x7e: {  	p4 =	seq.s32 s21, $0x0;
	s10 =	rddreg [dreg:$0x4];
	[sflag:s25] =	ssyncadd.s32 $0xFFFFC000  }
0x7f: {  	[spmem:s2] =	stream.indirect.scatter.add.f32 [tilespmem:s18], [sflag:$0x7], $0x80, s10, s24, $0xb8;
	[tilespmem:$0x1C400] =	vst v63  }
0x80: {  	p0 =	por p4, p4;
	p4 =	sge.u32 s21, s5;
	_ =	swait.ge [sflag:s26], $0x4000  }
0x81: {  	s9 =	sadd.s32 @!p4 $0x20, s17;
	s11 =	rddreg [dreg:$0x5]  }
0x82: {  	s7 =	simm.s32 @!p4 $0x14000;
	[sflag:s26] =	ssyncset.done $0x0;
	p5 =	sge.u32 s1, s11  }
0x83: {  	s10 =	simm.s32 @!p4 $0x0;
	[sflag:s26] =	ssyncadd.s32 $0xFFFFC000;
	s8 =	simm.s32 @!p5 $0x3  }
0x84: {  	[tilespmem:s7], [sflag:$0x1] =	stream.linear.gather @!p4 [hbm4b:s9+s10], $0x100, $0x38;
	[tilespmem:$0x1C400] =	vst v63  }
0x85: {  	_ =	swait.ge @!p5 [sflag:s8], $0x100  }
0x86: {  	s9 =	simm.s32 @!p5 $0x14400;
	[sflag:s8] =	ssyncset.done @!p5 $0x0  }
0x87: {  	s10 =	simm.s32 @!p5 $0x80;
	s11 =	simm.s32 @!p5 $0x14200;
	[sflag:s8] =	ssyncadd.s32 @!p5 $0xFFFFFF00  }
0x88: {  	[tilespmem:s9], [sflag:$0x5] =	stream.indirect.gather @!p5 [hbm4b:s4+s10], $0x80, s11, s10, $0xb8;
	[tilespmem:$0x1C400] =	vst v63  }
0x89: {  	_ =	swait.ge [sflag:s28], $0x4000  }
0x8a: {  	[sflag:s28] =	ssyncset.done $0x0  }
0x8b: {  	s11 =	sadd.s32 $0x5, s1;
	s10 =	rddreg [dreg:$0x6];
	[sflag:s28] =	ssyncadd.s32 $0xFFFFC000  }
0x8c: {  	[spmem:s2] =	stream.indirect.scatter.add.f32 [tilespmem:s29], [sflag:$0x8], $0x80, s10, s24, $0xb8;
	[tilespmem:$0x1C400] =	vst v63  }
0x8d: {  	p5 =	sge.u32 s11, s5;
	_ =	swait.ge [sflag:s30], $0x4000  }
0x8e: {  	s11 =	simm.s32 @!p3 $0x4;
	s8 =	sadd.s32 @!p5 $0x40, s17;
	[sflag:s30] =	ssyncset.done $0x0  }
0x8f: {  	s9 =	simm.s32 @!p5 $0x14100;
	s10 =	simm.s32 @!p5 $0x0;
	[sflag:s30] =	ssyncadd.s32 $0xFFFFC000  }
0x90: {  	[tilespmem:s9], [sflag:$0x2] =	stream.linear.gather @!p5 [hbm4b:s8+s10], $0x100, $0x38;
	[tilespmem:$0x1C400] =	vst v63  }
0x91: {  	_ =	swait.ge @!p3 [sflag:s11], $0x100  }
0x92: {  	[sflag:s11] =	ssyncset.done @!p3 $0x0  }
0x93: {  	s8 =	simm.s32 @!p3 $0x80;
	s9 =	simm.s32 @!p3 $0x18400;
	[sflag:s11] =	ssyncadd.s32 @!p3 $0xFFFFFF00  }
0x94: {  	[tilespmem:s9], [sflag:$0x6] =	stream.indirect.gather @!p3 [hbm4b:s4+s8], $0x80, s0, s8, $0xb8;
	[tilespmem:$0x1C400] =	vst v63  }
0x95: {  	_ =	swait.ge [sflag:s25], $0x4000  }
0x96: {  	[sflag:s25] =	ssyncset.done $0x0  }
0x97: {  	s11 =	sadd.s32 $0x6, s1;
	s10 =	rddreg [dreg:$0x7];
	[sflag:s25] =	ssyncadd.s32 $0xFFFFC000  }
0x98: {  	[spmem:s2] =	stream.indirect.scatter.add.f32 [tilespmem:s18], [sflag:$0x7], $0x80, s10, s24, $0xb8;
	[tilespmem:$0x1C400] =	vst v63  }
0x99: {  	p3 =	sge.u32 s11, s5;
	_ =	swait.ge [sflag:s26], $0x4000  }
0x9a: {  	s0 =	sadd.s32 @!p3 $0x60, s17;
	s8 =	simm.s32 @!p3 $0x14200;
	[sflag:s26] =	ssyncset.done $0x0  }
0x9b: {  	s9 =	simm.s32 @!p3 $0x0;
	s10 =	simm.s32 @!p4 $0x1;
	[sflag:s26] =	ssyncadd.s32 $0xFFFFC000  }
0x9c: {  	[tilespmem:s8], [sflag:$0x3] =	stream.linear.gather @!p3 [hbm4b:s0+s9], $0x100, $0x38;
	[tilespmem:$0x1C400] =	vst v63  }
0x9d: {  	s22 =	sadd.s32 $0xFFFFFFFF, s22;
	_ =	swait.ge @!p4 [sflag:s10], $0x100  }
0x9e: {  	p2 =	sne.s32 s22, $0x0;
	s0 =	simm.s32 @!p4 $0x80;
	[sflag:s10] =	ssyncset.done @!p4 $0x0  }
.Ltmp3:
0x9f: {  	s8 =	simm.s32 @!p4 $0x14400;
	[sflag:s10] =	ssyncadd.s32 @!p4 $0xFFFFFF00;
	(pc) =	sbr.rel @p2 .LBB2_7-.Ltmp3, $4  }
0xa0: {  	[tilespmem:s8], [sflag:$0x5] =	stream.indirect.gather @!p4 [hbm4b:s4+s0], $0x80, s7, s0, $0xb8;
	[tilespmem:$0x1C400] =	vst v63  }
0xa1: {  	_ =	swait.ge [sflag:s28], $0x4000  }
0xa2: {  	s1 =	smov.u32 s21;
	s21 =	sadd.s32 $0x4, s21;
	[sflag:s28] =	ssyncset.done $0x0  }
0xa3: {  	s17 =	sadd.s32 $0x80, s17;
	s0 =	rddreg [dreg:$0x8];
	[sflag:s28] =	ssyncadd.s32 $0xFFFFC000  }
0xa4: {  	s22 =	smov.u32 s1  }
.LBB2_9:
0xa5: {  	[spmem:s2] =	stream.indirect.scatter.add.f32 @p1 [tilespmem:s29], [sflag:$0x8], $0x80, s0, s24, $0xb8;
	[tilespmem:$0x1C400] =	vst v63  }
0xa6: {  	s1 =	simm.s32 @!p0 $0x8;
	s8 =	sadd.s32 $0x3, s22  }
0xa7: {  	_ =	swait.ge @!p0 [sflag:s1], $0x4000;
	p1 =	sge.u32 s8, s5  }
0xa8: {  	[sflag:s1] =	ssyncset.done @!p0 $0x0;
	s9 =	rddreg [dreg:$0x3];
	s7 =	simm.s32 @!p1 $0x14300  }
0xa9: {  	[sflag:s1] =	ssyncadd.s32 @!p0 $0xFFFFC000;
	s1 =	simm.s32 @!p1 $0x0;
	p0 =	sge.u32 s22, s9  }
0xaa: {  	[tilespmem:s7], [sflag:$0x4] =	stream.linear.gather @!p1 [hbm4b:s17+s1], $0x100, $0x38;
	[tilespmem:$0x1C400] =	vst v63  }
0xab: {  	s0 =	simm.s32 @!p0 $0x2  }
0xac: {  	_ =	swait.ge @!p0 [sflag:s0], $0x100  }
0xad: {  	s1 =	simm.s32 @!p0 $0x18400;
	[sflag:s0] =	ssyncset.done @!p0 $0x0  }
0xae: {  	s8 =	simm.s32 @!p0 $0x14100;
	[sflag:s0] =	ssyncadd.s32 @!p0 $0xFFFFFF00;
	s0 =	simm.s32 @!p0 $0x80  }
0xaf: {  	[tilespmem:s1], [sflag:$0x6] =	stream.indirect.gather @!p0 [hbm4b:s4+s0], $0x80, s8, s0, $0xb8;
	[tilespmem:$0x1C400] =	vst v63  }
0xb0: {  	_ =	swait.ge [sflag:s25], $0x4000  }
0xb1: {  	[sflag:s25] =	ssyncset.done $0x0  }
0xb2: {  	s10 =	rddreg [dreg:$0x4];
	[sflag:s25] =	ssyncadd.s32 $0xFFFFC000  }
0xb3: {  	[spmem:s2] =	stream.indirect.scatter.add.f32 [tilespmem:s18], [sflag:$0x7], $0x80, s10, s24, $0xb8;
	[tilespmem:$0x1C400] =	vst v63  }
0xb4: {  	p0 =	sge.u32 s21, s5;
	_ =	swait.ge [sflag:s26], $0x4000  }
0xb5: {  	s1 =	sadd.s32 @!p0 $0x20, s17;
	s11 =	rddreg [dreg:$0x5]  }
0xb6: {  	s0 =	simm.s32 @!p0 $0x0;
	[sflag:s26] =	ssyncset.done $0x0;
	p2 =	sge.u32 s22, s11  }
0xb7: {  	s8 =	simm.s32 @!p0 $0x14000;
	[sflag:s26] =	ssyncadd.s32 $0xFFFFC000;
	s9 =	simm.s32 @!p2 $0x3  }
0xb8: {  	[tilespmem:s8], [sflag:$0x1] =	stream.linear.gather @!p0 [hbm4b:s1+s0], $0x100, $0x38;
	[tilespmem:$0x1C400] =	vst v63  }
0xb9: {  	_ =	swait.ge @!p2 [sflag:s9], $0x100  }
0xba: {  	s0 =	simm.s32 @!p2 $0x14400;
	[sflag:s9] =	ssyncset.done @!p2 $0x0  }
0xbb: {  	s1 =	simm.s32 @!p2 $0x80;
	s10 =	simm.s32 @!p2 $0x14200;
	[sflag:s9] =	ssyncadd.s32 @!p2 $0xFFFFFF00  }
0xbc: {  	[tilespmem:s0], [sflag:$0x5] =	stream.indirect.gather @!p2 [hbm4b:s4+s1], $0x80, s10, s1, $0xb8;
	[tilespmem:$0x1C400] =	vst v63  }
0xbd: {  	_ =	swait.ge [sflag:s28], $0x4000  }
0xbe: {  	[sflag:s28] =	ssyncset.done $0x0  }
0xbf: {  	s9 =	sadd.s32 $0x5, s22;
	s1 =	rddreg [dreg:$0x6];
	[sflag:s28] =	ssyncadd.s32 $0xFFFFC000  }
0xc0: {  	[spmem:s2] =	stream.indirect.scatter.add.f32 [tilespmem:s29], [sflag:$0x8], $0x80, s1, s24, $0xb8;
	[tilespmem:$0x1C400] =	vst v63  }
0xc1: {  	p2 =	sge.u32 s9, s5;
	_ =	swait.ge [sflag:s30], $0x4000  }
0xc2: {  	s10 =	simm.s32 @!p1 $0x4;
	s0 =	sadd.s32 @!p2 $0x40, s17;
	[sflag:s30] =	ssyncset.done $0x0  }
0xc3: {  	s9 =	simm.s32 @!p2 $0x0;
	s1 =	simm.s32 @!p2 $0x14100;
	[sflag:s30] =	ssyncadd.s32 $0xFFFFC000  }
0xc4: {  	[tilespmem:s1], [sflag:$0x2] =	stream.linear.gather @!p2 [hbm4b:s0+s9], $0x100, $0x38;
	[tilespmem:$0x1C400] =	vst v63  }
0xc5: {  	_ =	swait.ge @!p1 [sflag:s10], $0x100  }
0xc6: {  	[sflag:s10] =	ssyncset.done @!p1 $0x0  }
0xc7: {  	s0 =	simm.s32 @!p1 $0x80;
	s1 =	simm.s32 @!p1 $0x18400;
	[sflag:s10] =	ssyncadd.s32 @!p1 $0xFFFFFF00  }
0xc8: {  	[tilespmem:s1], [sflag:$0x6] =	stream.indirect.gather @!p1 [hbm4b:s4+s0], $0x80, s7, s0, $0xb8;
	[tilespmem:$0x1C400] =	vst v63  }
0xc9: {  	_ =	swait.ge [sflag:s25], $0x4000  }
0xca: {  	[sflag:s25] =	ssyncset.done $0x0  }
0xcb: {  	s11 =	sadd.s32 $0x6, s22;
	s10 =	rddreg [dreg:$0x7];
	[sflag:s25] =	ssyncadd.s32 $0xFFFFC000  }
0xcc: {  	[spmem:s2] =	stream.indirect.scatter.add.f32 [tilespmem:s18], [sflag:$0x7], $0x80, s10, s24, $0xb8;
	[tilespmem:$0x1C400] =	vst v63  }
0xcd: {  	p1 =	sge.u32 s11, s5;
	_ =	swait.ge [sflag:s26], $0x4000  }
0xce: {  	s9 =	simm.s32 @!p0 $0x1;
	s0 =	sadd.s32 @!p1 $0x60, s17;
	[sflag:s26] =	ssyncset.done $0x0  }
0xcf: {  	s1 =	simm.s32 @!p1 $0x14200;
	s7 =	simm.s32 @!p1 $0x0;
	[sflag:s26] =	ssyncadd.s32 $0xFFFFC000  }
0xd0: {  	[tilespmem:s1], [sflag:$0x3] =	stream.linear.gather @!p1 [hbm4b:s0+s7], $0x100, $0x38;
	[tilespmem:$0x1C400] =	vst v63  }
0xd1: {  	_ =	swait.ge @!p0 [sflag:s9], $0x100  }
0xd2: {  	[sflag:s9] =	ssyncset.done @!p0 $0x0  }
0xd3: {  	s0 =	simm.s32 @!p0 $0x80;
	s1 =	simm.s32 @!p0 $0x14400;
	[sflag:s9] =	ssyncadd.s32 @!p0 $0xFFFFFF00  }
0xd4: {  	[tilespmem:s1], [sflag:$0x5] =	stream.indirect.gather @!p0 [hbm4b:s4+s0], $0x80, s8, s0, $0xb8;
	[tilespmem:$0x1C400] =	vst v63  }
0xd5: {  	_ =	swait.ge [sflag:s28], $0x4000  }
0xd6: {  	[sflag:s28] =	ssyncset.done $0x0  }
0xd7: {  	s17 =	rddreg [dreg:$0x8];
	[sflag:s28] =	ssyncadd.s32 $0xFFFFC000  }
0xd8: {  	[spmem:s2] =	stream.indirect.scatter.add.f32 [tilespmem:s29], [sflag:$0x8], $0x80, s17, s24, $0xb8;
	[tilespmem:$0x1C400] =	vst v63  }
0xd9: {  	_ =	swait.ge [sflag:s30], $0x4000  }
0xda: {  	s31 =	sadd.s32 $0x1, s31;
	s21 =	stileid.u32;
	[sflag:s30] =	ssyncset.done $0x0  }
0xdb: {  	s22 =	sshrl.u32 s6, $0x3;
	s0 =	sshll.u32 s21, $0x6;
	[sflag:s30] =	ssyncadd.s32 $0xFFFFC000  }
0xdc: {  	p0 =	sne.s32 s31, s16;
	s0 =	sor.u32 $0x1C09, s0;
	[bflag:$0x0] =	sbarrier.arrive $0xFFFF  }
0xdd: {  	[hbm:s15], [sflag:s0] =	dma.local [spmem:s22], $0x2800  }
.Ltmp4:
0xde: {  	_ = 	snop;
	(pc) =	sbr.rel @p0 .LBB2_1-.Ltmp4, $4  }
.Ltmp5:
0xdf: {  	_ = 	snop;
	(pc) =	sbr.rel @!p0 .LBB2_10-.Ltmp5, $4  }
0xe0: {  	_ =	swait.ge [sflag:s19], $0x2800  }
0xe1: {  	[sflag:s19] =	ssyncset.done $0x0  }
0xe2: {  	[sflag:s19] =	ssyncadd.s32 $0xFFFFD800  }
0xe3: {  	_ = 	snop  }
.LBB2_4:
.Ltmp6:
0xe4: {  	(pc) =	sbr.rel .LBB2_9-.Ltmp6, $2  }
0xe5: {  	_ =	sdelay $0x2  }
0xe6: {  	s21 =	simm.s32 $0x4;
	s17 =	smov.u32 s3  }
.LBB2_6:
.Ltmp7:
0xe7: {  	(pc) =	sbr.rel .LBB2_9-.Ltmp7, $2  }
0xe8: {  	_ =	sdelay $0x2  }
0xe9: {  	s22 =	simm.s32 $0x4  }
.LBB2_10:
0xea: {  	_ =	sfence.sel $0x180000  }
0xeb: {  	[bflag:$0x0] =	sbarrier.arrive $0xFFFF  }
0xec: {  	_ =	strace $0x9000004A  }
0xed: {  	s0 =	stileid.u32;
	[bflag:$0x2] =	sbarrier.arrive $0xFFFF  }
0xee: {  	p0 =	sne.s32 s0, $0x0;
	s0 =	rddreg [dreg:$0x2]  }
0xef: {  	s0 =	sadd.s32 @!p0 $0x100000, s0  }
0xf0: {  	[sflag:s0] =	ssyncadd.tile.s32 @!p0 $0x1;
	_ =	shalt  }
.Lfunc_end2:
_tile_overlayer_lowered:
.L_overlay_start_2:
0xf1: {  	(tag) =	ssettag $0x2  }
0xf2: {  	s0 =	rddreg [dreg:$0x0];
	s2 =	stileid.u32  }
0xf3: {  	s1 =	rddreg [dreg:$0x1];
	p0 =	sne.s32 s2, $0x0  }
0xf4: {  	s3 =	rddreg [dreg:$0x2];
	[bflag:$0x3] =	sbarrier.arrive $0xFFFF;
	s2 =	simm.s32 @!p0 $0x1C09  }
0xf5: {  	[timem:s3], [sflag:s2] =	dma.local @!p0 [hbm:s0], s1  }
0xf6: {  	s0 =	simm.s32 @!p0 $0x9  }
0xf7: {  	_ =	swait.ge @!p0 [sflag:s0], s1  }
0xf8: {  	s1 =	ssub.s32 @!p0 $0x0, s1;
	[sflag:s0] =	ssyncset.done @!p0 $0x0  }
0xf9: {  	[sflag:s0] =	ssyncadd.s32 @!p0 s1  }
0xfa: {  	[bflag:$0x3] =	sbarrier.arrive $0xFFFF  }
0xfb: {  	_ =	shalt  }

// kernel: kernel.14.cloned.1.call-start
scs
__scs_entry_jumppad:
0x0: {  	(pc) =	sbr.rel $0x88, $3  }
0x1: {  	(tag) =	ssettag $0x0;
	lr =	simm.s32 $0x1  }
0x2: {  	[smem:$0x3F90] =	sst lr;
	_ =	strace $0xD0000000  }
0x3: {  	_ = 	snop  }
0x4: {  	_ = 	snop  }
0x5: {  	_ = 	snop  }
0x6: {  	_ = 	snop  }
0x7: {  	_ = 	snop  }
__scs_overlays_trampoline_lowered:
0x8: {  	[smem:$0x3F9F] =	sst s0  }
0x9: {  	[smem:$0x3FA0] =	sst s1  }
0xa: {  	[smem:$0x3FA1] =	sst s2  }
0xb: {  	[smem:$0x3FA2] =	sst s3  }
0xc: {  	[smem:$0x3FA3] =	sst s4  }
0xd: {  	[smem:$0x3FA4] =	sst s5  }
0xe: {  	[smem:$0x3FA5] =	sst s6  }
0xf: {  	[smem:$0x3FA6] =	sst s7  }
0x10: {  	[smem:$0x3FA7] =	sst s8  }
0x11: {  	[smem:$0x3FA8] =	sst s9;
	s0 =	simm.s32 @!p0 $0x0  }
0x12: {  	s1 =	sld [smem:$0x3F8E];
	s0 =	simm.s32 @p0 $0x1  }
0x13: {  	[smem:$0x3FA9] =	sst s0;
	s0 =	simm.s32 @!p1 $0x0  }
0x14: {  	s2 =	sld [smem:$0x3F8D];
	s0 =	simm.s32 @p1 $0x1  }
0x15: {  	[smem:$0x3FAA] =	sst s0;
	s0 =	simm.s32 @!p2 $0x0  }
0x16: {  	s3 =	sld [smem:$0x3FDB];
	s0 =	simm.s32 @p2 $0x1  }
0x17: {  	s4 =	simm.s32 $0x1BF5;
	[smem:$0x3FAC] =	sst s0  }
0x18: {  	s0 =	sld [smem:$0x3F8F];
	_ =	swait.ge [sflag:s4], $0x0  }
0x19: {  	s7 =	sld [smem:$0x3F90]  }
0x1a: {  	s8 =	sadd.s32 $0xFFFFE003, lr  }
0x1b: {  	s9 =	sadd.s32 $0xFFFFFEF7, lr;
	s5 =	simm.s32 $0xFFFFFFFF;
	p2 =	slt.u32 s8, $0xFFFFF086  }
0x1c: {  	p1 =	slt.u32 s9, $0xF7A;
	s5 =	simm.s32 @!p2 $0x0  }
0x1d: {  	s5 =	simm.s32 @p1 $0x1;
	p0 =	seq.s32 s7, s2  }
0x1e: {  	s7 =	smul.u32 @!p0 $0xF7A, s2;
	p2 =	seq.s32 @!p0 s5, $0x0  }
0x1f: {  	s9 =	smul.u32 $0xF7A, s1;
	s8 =	simm.s32 @!p0 $0x1BF5;
	p2 =	por !p2, p0  }
0x20: {  	[sflag:s8] =	ssyncset.s32 @!p0 $0xFFFFF086;
	s6 =	sadd.s32 @!p0 s3, s7;
	s7 =	simm.s32 @!p0 $0x108  }
0x21: {  	s3 =	sadd.s32 s3, s9;
	s6 =	sadd.s32 @!p0 $0x88, s6;
	s7 =	simm.s32 @p2 $0x1082  }
0x22: {  	[simem:s7], [sflag:s8] =	dma.local @!p0 [hbm:s6], $0xF7A  }
0x23: {  	s9 =	sor.u32 $0xD0000000, s2;
	s6 =	simm.s32 $0x108;
	_ =	swait.ge @!p0 [sflag:s8], $0x0  }
0x24: {  	s3 =	sadd.s32 $0x88, s3;
	s6 =	simm.s32 @!p1 $0x1082;
	[sflag:s4] =	ssyncset.s32 $0xFFFFF086  }
0x25: {  	[simem:s6], [sflag:s4] =	dma.local [hbm:s3], $0xF7A  }
0x26: {  	[smem:$0x3F90] =	sst s1;
	(tag) =	ssettag s2;
	_ =	strace s9  }
0x27: {  	s1 =	sld [smem:$0x3FA0]  }
0x28: {  	s2 =	sld [smem:$0x3FA1]  }
0x29: {  	s4 =	sld [smem:$0x3FA3]  }
0x2a: {  	p0 =	seq.s32 s5, $0x0;
	s5 =	sld [smem:$0x3FA4]  }
0x2b: {  	s6 =	sld [smem:$0x3FA5]  }
0x2c: {  	s7 =	sld [smem:$0x3FA6]  }
0x2d: {  	s3 =	simm.s32 $0x108;
	s8 =	sld [smem:$0x3FA7]  }
0x2e: {  	s3 =	simm.s32 @!p0 $0x1082;
	s9 =	sld [smem:$0x3FA8]  }
0x2f: {  	lr =	sadd.s32 s0, s3;
	s0 =	sld [smem:$0x3F9F]  }
0x30: {  	s3 =	sld [smem:$0x3FA2]  }
0x31: {  	[smem:$0x3FAB] =	sst s10  }
0x32: {  	s10 =	sld [smem:$0x3FA9];
	_ =	sdelay $0x3  }
0x33: {  	p0 =	seq.s32 s10, $0x1;
	s10 =	sld [smem:$0x3FAB];
	_ =	sdelay $0x3  }
0x34: {  	[smem:$0x3FAB] =	sst s10  }
0x35: {  	s10 =	sld [smem:$0x3FAA];
	_ =	sdelay $0x3  }
0x36: {  	p1 =	seq.s32 s10, $0x1;
	s10 =	sld [smem:$0x3FAB];
	_ =	sdelay $0x3  }
0x37: {  	[smem:$0x3FAB] =	sst s10  }
0x38: {  	s10 =	sld [smem:$0x3FAC]  }
0x39: {  	_ = 	snop;
	(pc) =	sbr.ind lr, $3  }
0x3a: {  	_ = 	snop  }
0x3b: {  	_ = 	snop  }
0x3c: {  	p2 =	seq.s32 s10, $0x1;
	s10 =	sld [smem:$0x3FAB]  }
0x3d: {  	_ =	shalt  }
0x3e: {  	_ =	shalt  }
0x3f: {  	_ =	shalt  }
0x40: {  	_ =	shalt  }
0x41: {  	_ =	shalt  }
0x42: {  	_ =	shalt  }
0x43: {  	_ =	shalt  }
0x44: {  	_ =	shalt  }
0x45: {  	_ =	shalt  }
0x46: {  	_ =	shalt  }
0x47: {  	_ =	shalt  }
0x48: {  	_ =	shalt  }
0x49: {  	_ =	shalt  }
0x4a: {  	_ =	shalt  }
0x4b: {  	_ =	shalt  }
0x4c: {  	_ =	shalt  }
0x4d: {  	_ =	shalt  }
0x4e: {  	_ =	shalt  }
0x4f: {  	_ =	shalt  }
0x50: {  	_ =	shalt  }
0x51: {  	_ =	shalt  }
0x52: {  	_ =	shalt  }
0x53: {  	_ =	shalt  }
0x54: {  	_ =	shalt  }
0x55: {  	_ =	shalt  }
0x56: {  	_ =	shalt  }
0x57: {  	_ =	shalt  }
0x58: {  	_ =	shalt  }
0x59: {  	_ =	shalt  }
0x5a: {  	_ =	shalt  }
0x5b: {  	_ =	shalt  }
0x5c: {  	_ =	shalt  }
0x5d: {  	_ =	shalt  }
0x5e: {  	_ =	shalt  }
0x5f: {  	_ =	shalt  }
0x60: {  	_ =	shalt  }
0x61: {  	_ =	shalt  }
0x62: {  	_ =	shalt  }
0x63: {  	_ =	shalt  }
0x64: {  	_ =	shalt  }
0x65: {  	_ =	shalt  }
0x66: {  	_ =	shalt  }
0x67: {  	_ =	shalt  }
0x68: {  	_ =	shalt  }
0x69: {  	_ =	shalt  }
0x6a: {  	_ =	shalt  }
0x6b: {  	_ =	shalt  }
0x6c: {  	_ =	shalt  }
0x6d: {  	_ =	shalt  }
0x6e: {  	_ =	shalt  }
0x6f: {  	_ =	shalt  }
0x70: {  	_ =	shalt  }
0x71: {  	_ =	shalt  }
0x72: {  	_ =	shalt  }
0x73: {  	_ =	shalt  }
0x74: {  	_ =	shalt  }
0x75: {  	_ =	shalt  }
0x76: {  	_ =	shalt  }
0x77: {  	_ =	shalt  }
0x78: {  	_ =	shalt  }
0x79: {  	_ =	shalt  }
0x7a: {  	_ =	shalt  }
0x7b: {  	_ =	shalt  }
0x7c: {  	_ =	shalt  }
0x7d: {  	_ =	shalt  }
0x7e: {  	_ =	shalt  }
0x7f: {  	_ =	shalt  }
0x80: {  	_ =	shalt  }
0x81: {  	_ =	shalt  }
0x82: {  	_ =	shalt  }
0x83: {  	_ =	shalt  }
0x84: {  	_ =	shalt  }
0x85: {  	_ =	shalt  }
0x86: {  	_ =	shalt  }
0x87: {  	_ =	shalt  }
.Lfunc_end0:
.L_simem_size_0:
called_computation.2_lowered:
.L_overlay_start_0:
0x88: {  	s2 =	sld [smem:$0x3FD9]  }
0x89: {  	s3 =	sld [smem:$0x3FFE];
	_ =	sdelay $0x1  }
0x8a: {  	s1 =	srdreg.scid  }
0x8b: {  	s0 =	sand.u32 $0x1, s1  }
0x8c: {  	s16 =	sshll.u32 s0, $0xA;
	s2 =	sadd.s32 s3, s2  }
0x8d: {  	s2 =	sadd.s32 s2, s16  }
0x8e: {  	[smem:$0x3FB7] =	sst s2  }
0x8f: {  	_ = 	snop  }
0x90: {  	(tm) =	ssettm $0x1  }
0x91: {  	s17 =	sld [smem:$0x3FFB];
	_ =	sdelay $0x3  }
0x92: {  	_ =	strace s17  }
0x93: {  	s2 =	sld [smem:$0x3FFC];
	_ =	sdelay $0x3  }
0x94: {  	_ =	strace s2  }
0x95: {  	s2 =	sld [smem:$0x3FFD];
	_ =	sdelay $0x3  }
0x96: {  	_ =	strace s2  }
0x97: {  	_ =	strace $0x8FFFFFFF  }
0x98: {  	s18 =	sld [smem:$0x3FDB];
	_ =	sdelay $0x1  }
0x99: {  	s19 =	simm.s32 $_scs_section_size  }
0x9a: {  	s4 =	simm.s32 $_size__tile_overlayer_lowered;
	s5 =	simm.s32 $_tile_overlayer_lowered  }
0x9b: {  	s22 =	simm.s32 $0x1BFF;
	s21 =	sshll.u32 s5, $0x1;
	s2 =	sadd.s32 s19, s18  }
0x9c: {  	s6 =	simm.s32 $0x0;
	s20 =	sshll.u32 s4, $0x1;
	s4 =	sadd.s32 s21, s2  }
0x9d: {  	[timem:s6], [sflag:s22] =	dma.local [hbm:s4], s20  }
0x9e: {  	_ =	swait.ge [sflag:s22], s20  }
0x9f: {  	s3 =	ssub.s32 $0x0, s20;
	[sflag:s22] =	ssyncset.done $0x0  }
0xa0: {  	[sflag:s22] =	ssyncadd.s32 s3;
	_ =	sdelay $0x1  }
0xa1: {  	s23 =	simm.s32 $0x1B8B  }
0xa2: {  	_ =	swait.ge [sflag:s23], $0x1  }
0xa3: {  	[sflag:s23] =	ssyncset.done $0x0  }
0xa4: {  	s25 =	simm.s32 $0x1B8E;
	s24 =	sld [smem:$0x3FFE];
	[sflag:s23] =	ssyncadd.s32 $0xFFFFFFFF  }
0xa5: {  	s26 =	simm.s32 $execute0_lowered;
	[smem:$0x3FD2] =	sst s25  }
0xa6: {  	s4 =	sshll.u32 s26, $0x1;
	_ =	strace $0x8000004C;
	[dreg:$0x1] =	wrdreg $0xFFFFFFFF  }
0xa7: {  	s28 =	simm.s32 $_size_execute0_lowered;
	s2 =	sadd.s32 s2, s4;
	[dreg:$0x0] =	wrdreg $0x0  }
0xa8: {  	s4 =	sshll.u32 s28, $0x1;
	[dreg:$0x2] =	wrdreg s2  }
0xa9: {  	[dreg:$0x3] =	wrdreg s4  }
0xaa: {  	[dreg:$0x4] =	wrdreg $0xC0  }
0xab: {  	_ =	task [dreg:s6], $0x5FFFF  }
0xac: {  	[dreg:$0x1] =	wrdreg $0xFFFFFFFF  }
0xad: {  	[dreg:$0x0] =	wrdreg $0x60  }
0xae: {  	[dreg:$0x2] =	wrdreg s24  }
0xaf: {  	[dreg:$0x3] =	wrdreg $0x0  }
0xb0: {  	[dreg:$0x4] =	wrdreg $0x9  }
0xb1: {  	_ =	task.clear_ibuf [dreg:s6], $0x5FFFF;
	_ =	strace $0x9000004C  }
0xb2: {  	s29 =	simm.s32 $0x9;
	_ =	strace $0x8000004E  }
0xb3: {  	_ =	swait.ge [sflag:s29], $0x1  }
0xb4: {  	[sflag:s29] =	ssyncadd.s32 $0xFFFFFFFF  }
0xb5: {  	_ =	strace $0x9000004E  }
0xb6: {  	_ =	sfence  }
0xb7: {  	s30 =	sld [smem:$0x0];
	_ =	sdelay $0x2  }
0xb8: {  	s31 =	sshll.u32 s1, $0xD;
	s1 =	sshrl.u32 s1, $0x2  }
0xb9: {  	s3 =	sand.u32 $0x4000, s31;
	s1 =	sadd.s32 s1, s30  }
0xba: {  	s0 =	sor.u32 s3, s0;
	s1 =	sshll.u32 s1, $0x11  }
0xbb: {  	s0 =	sor.u32 s1, s0  }
0xbc: {  	s0 =	sadd.s32 $0x8F2B, s0  }
0xbd: {  	[sflag:s0] =	ssyncadd.remote.s32 $0x1  }
0xbe: {  	_ =	sfence.sel $0xFFFF  }
0xbf: {  	[dreg:$0x0] =	wrdreg $0xFFFFFFFF;
	(pc) =	sbr.abs _section_cstart, $3  }
0xc0: {  	[dreg:$0x1] =	wrdreg $0xFFFFFFFF  }
0xc1: {  	_ =	task.clear_ibuf [dreg:s6], $0x2FFFF;
	_ =	strace $0x9FFFFFFF  }
0xc2: {  	(tm) =	ssettm $0x7FFFFFFF  }
0xc3: {  	_ =	shalt  }
tec
execute0_lowered:
.L_overlay_start_1:
0x0: {  	(tag) =	ssettag $0x1  }
0x1: {  	s0 =	rddreg [dreg:$0x0];
	s7 =	stileid.u32  }
0x2: {  	s1 =	srdreg.scid;
	s2 =	rddreg [dreg:$0x1];
	s8 =	simm.s32 $0x0  }
0x3: {  	s23 =	simm.s32 $0x14080;
	s24 =	simm.s32 $0x14180;
	s25 =	simm.s32 $0x14280  }
0x4: {  	s26 =	simm.s32 $0x14380;
	s28 =	simm.s32 $0x6;
	s3 =	smul.u32 $0x8C, s7  }
0x5: {  	s29 =	simm.s32 $0x18400;
	s30 =	simm.s32 $0x8;
	s4 =	smul.u32 $0x14, s7  }
0x6: {  	s1 =	sand.u32 $0x1, s1;
	s6 =	smul.u32 $0x14000, s7;
	[smem:$0x7FF] =	sst s8  }
0x7: {  	s14 =	smul.u32 $0x50000, s7;
	_ =	strace $0x8000004D;
	[dreg:$0x4] =	wrdreg s23  }
0x8: {  	s31 =	simm.s32 $0x0;
	s5 =	smul.u32 $0x140000, s1;
	[dreg:$0x6] =	wrdreg s24  }
0x9: {  	p0 =	seq.s32 s1, $0x0;
	s1 =	ssub.s32 $0x2, s1;
	[dreg:$0x7] =	wrdreg s25  }
0xa: {  	s23 =	simm.s32 $0x1;
	s24 =	simm.s32 $0x80;
	[dreg:$0x8] =	wrdreg s26  }
0xb: {  	s25 =	simm.s32 $0x5;
	s26 =	simm.s32 $0x7;
	s4 =	sadd.s32 $0x8C0, s4  }
0xc: {  	s4 =	smov.u32 @p0 s3;
	s13 =	sadd.s32 s6, s5;
	s6 =	sshrl.u32 s14, $0x2  }
0xd: {  	s15 =	sshrl.u32 s1, $0x1;
	s3 =	sshll.u32 s4, $0x5;
	s6 =	sadd.s32 s6, s2  }
0xe: {  	s5 =	sshrl.u32 s13, $0x3;
	s4 =	sadd.s32 $0x22A00, s0;
	s16 =	sadd.s32 $0x4000, s6  }
0xf: {  	s3 =	sadd.s32 s3, s0;
	s17 =	sadd.s32 $0x8000, s6;
	[dreg:$0x9] =	wrdreg s16  }
0x10: {  	s0 =	sadd.s32 s5, s0;
	s18 =	sadd.s32 $0xC000, s6;
	[dreg:$0xa] =	wrdreg s17  }
0x11: {  	s5 =	simm.s32 $0x8C;
	s19 =	sadd.s32 $0x10000, s6;
	[dreg:$0xb] =	wrdreg s18  }
0x12: {  	s1 =	ssub.s32 s1, s15;
	s5 =	simm.s32 @!p0 $0x14;
	[dreg:$0xc] =	wrdreg s19  }
0x13: {  	s20 =	sadd.s32 $0xEA00, s3;
	s12 =	sadd.s32 $0xEA20, s3;
	s13 =	sadd.s32 $0xEA40, s3  }
0x14: {  	s15 =	sadd.s32 $0x49C00, s0;
	s16 =	smax.u32 s1, $0x1;
	s3 =	sadd.s32 $0xEA60, s3  }
0x15: {  	s18 =	simm.s32 $0x14400;
	[dreg:$0xd] =	wrdreg s20;
	s21 =	sadd.s32 $0xFFFFFFFF, s5  }
0x16: {  	s19 =	simm.s32 $0x9;
	s22 =	sadd.s32 $0xFFFFFFFE, s5;
	[dreg:$0x3] =	wrdreg s21  }
0x17: {  	v0 =	vimm.f32 $0.0e+00;
	s14 =	sshrl.u32 s5, $0x2;
	s20 =	simm.s32 $0x14000;
	[dreg:$0x5] =	wrdreg s22  }
.LBB2_1:
0x18: {  	s1 =	simm.s32 $0x0  }
0x19: {  	s0 =	simm.s32 $0x10;
	s1 =	sand.u32 $0x3FF0, s1  }
.LBB2_2:
0x1a: {  	p0 =	sne.s32 s0, $0x3FF0;
	[tilespmem:s1+$0x14400] =	vst v0;
	s1 =	smov.u32 s0;
	s0 =	sadd.s32 $0x10, s0  }
.Ltmp0:
0x1b: {  	(pc) =	sbr.rel @p0 .LBB2_2-.Ltmp0, $2  }
0x1c: {  	_ =	sdelay $0x2  }
0x1d: {  	s1 =	sand.u32 $0x3FF0, s1  }
0x1e: {  	[tilespmem:s1+$0x14400] =	vst v0  }
0x1f: {  	[spmem:s6] =	stream.linear.scatter [tilespmem:s18], [sflag:$0x9], $0x4000, $0x38;
	[tilespmem:$0x1C400] =	vst v63  }
0x20: {  	_ =	swait.ge [sflag:s19], $0x4000  }
0x21: {  	[sflag:s19] =	ssyncset.done $0x0  }
0x22: {  	s0 =	rddreg [dreg:$0x9];
	[sflag:s19] =	ssyncadd.s32 $0xFFFFC000  }
0x23: {  	[spmem:s0] =	stream.linear.scatter [tilespmem:s18], [sflag:$0x9], $0x4000, $0x38;
	[tilespmem:$0x1C400] =	vst v63  }
0x24: {  	_ =	swait.ge [sflag:s19], $0x4000  }
0x25: {  	[sflag:s19] =	ssyncset.done $0x0  }
0x26: {  	s8 =	rddreg [dreg:$0xa];
	[sflag:s19] =	ssyncadd.s32 $0xFFFFC000  }
0x27: {  	[spmem:s8] =	stream.linear.scatter [tilespmem:s18], [sflag:$0x9], $0x4000, $0x38;
	[tilespmem:$0x1C400] =	vst v63  }
0x28: {  	_ =	swait.ge [sflag:s19], $0x4000  }
0x29: {  	[sflag:s19] =	ssyncset.done $0x0  }
0x2a: {  	s9 =	rddreg [dreg:$0xb];
	[sflag:s19] =	ssyncadd.s32 $0xFFFFC000  }
0x2b: {  	[spmem:s9] =	stream.linear.scatter [tilespmem:s18], [sflag:$0x9], $0x4000, $0x38;
	[tilespmem:$0x1C400] =	vst v63  }
0x2c: {  	_ =	swait.ge [sflag:s19], $0x4000  }
0x2d: {  	[sflag:s19] =	ssyncset.done $0x0  }
0x2e: {  	s10 =	rddreg [dreg:$0xc];
	[sflag:s19] =	ssyncadd.s32 $0xFFFFC000  }
0x2f: {  	[spmem:s10] =	stream.linear.scatter [tilespmem:s18], [sflag:$0x9], $0x4000, $0x38;
	[tilespmem:$0x1C400] =	vst v63  }
0x30: {  	_ =	swait.ge [sflag:s19], $0x4000  }
0x31: {  	[sflag:s19] =	ssyncset.done $0x0  }
0x32: {  	[sflag:s19] =	ssyncadd.s32 $0xFFFFC000  }
0x33: {  	[bflag:$0x0] =	sbarrier.arrive $0xFFFF  }
0x34: {  	s22 =	simm.s32 $0x0;
	s11 =	rddreg [dreg:$0xd]  }
0x35: {  	[tilespmem:s20], [sflag:$0x1] =	stream.linear.gather [hbm4b:s11+s22], $0x100, $0x38;
	[tilespmem:$0x1C400] =	vst v63  }
0x36: {  	s17 =	simm.s32 $0x14100;
	s0 =	sadd.s32 $0xFFFFFFFF, s14  }
0x37: {  	[tilespmem:s17], [sflag:$0x2] =	stream.linear.gather [hbm4b:s12+s22], $0x100, $0x38;
	[tilespmem:$0x1C400] =	vst v63  }
0x38: {  	s21 =	simm.s32 $0x14200;
	p2 =	sne.s32 s0, $0x0  }
0x39: {  	[tilespmem:s21], [sflag:$0x3] =	stream.linear.gather [hbm4b:s13+s22], $0x100, $0x38;
	[tilespmem:$0x1C400] =	vst v63  }
.Ltmp1:
0x3a: {  	_ = 	snop;
	(pc) =	sbr.rel @!p2 .LBB2_4-.Ltmp1, $4  }
0x3b: {  	_ =	swait.ge [sflag:s23], $0x100  }
0x3c: {  	p0 =	por $0x1, $0x1;
	s1 =	simm.s32 $0x4;
	[sflag:s23] =	ssyncset.done $0x0  }
0x3d: {  	p1 =	por $0x0, $0x0;
	p0 =	por p0, p0;
	[sflag:s23] =	ssyncadd.s32 $0xFFFFFF00  }
0x3e: {  	[tilespmem:s18], [sflag:$0x5] =	stream.indirect.gather [hbm4b:s4+s24], $0x80, s20, s24, $0xb8;
	[tilespmem:$0x1C400] =	vst v63  }
0x3f: {  	s7 =	simm.s32 @!p0 $0x8  }
0x40: {  	p1 =	sle.u32 s5, $0x3;
	_ =	swait.ge @!p0 [sflag:s7], $0x4000  }
0x41: {  	s21 =	simm.s32 @!p1 $0x14300;
	[sflag:s7] =	ssyncset.done @!p0 $0x0;
	s17 =	rddreg [dreg:$0x3]  }
0x42: {  	[sflag:s7] =	ssyncadd.s32 @!p0 $0xFFFFC000;
	s7 =	simm.s32 @!p1 $0x0;
	p0 =	sle.u32 s17, $0x0  }
0x43: {  	[tilespmem:s21], [sflag:$0x4] =	stream.linear.gather @!p1 [hbm4b:s3+s7], $0x100, $0x38;
	[tilespmem:$0x1C400] =	vst v63  }
0x44: {  	s7 =	simm.s32 @!p0 $0x2  }
0x45: {  	_ =	swait.ge @!p0 [sflag:s7], $0x100  }
0x46: {  	s17 =	simm.s32 @!p0 $0x18400;
	[sflag:s7] =	ssyncset.done @!p0 $0x0  }
0x47: {  	s22 =	simm.s32 @!p0 $0x14100;
	[sflag:s7] =	ssyncadd.s32 @!p0 $0xFFFFFF00;
	s7 =	simm.s32 @!p0 $0x80  }
0x48: {  	[tilespmem:s17], [sflag:$0x6] =	stream.indirect.gather @!p0 [hbm4b:s4+s7], $0x80, s22, s7, $0xb8;
	[tilespmem:$0x1C400] =	vst v63  }
0x49: {  	_ =	swait.ge [sflag:s25], $0x4000  }
0x4a: {  	[sflag:s25] =	ssyncset.done $0x0  }
0x4b: {  	s10 =	rddreg [dreg:$0x4];
	[sflag:s25] =	ssyncadd.s32 $0xFFFFC000  }
0x4c: {  	[spmem:s2] =	stream.indirect.scatter.add.f32 [tilespmem:s18], [sflag:$0x7], $0x80, s10, s24, $0xb8;
	[tilespmem:$0x1C400] =	vst v63  }
0x4d: {  	p0 =	sle.u32 s5, $0x4;
	_ =	swait.ge [sflag:s26], $0x4000  }
0x4e: {  	s17 =	sadd.s32 @!p0 $0x20, s3;
	s11 =	rddreg [dreg:$0x5]  }
0x4f: {  	s7 =	simm.s32 @!p0 $0x0;
	[sflag:s26] =	ssyncset.done $0x0;
	p2 =	sle.u32 s11, $0x0  }
0x50: {  	s8 =	simm.s32 @!p0 $0x14000;
	[sflag:s26] =	ssyncadd.s32 $0xFFFFC000;
	s22 =	simm.s32 @!p2 $0x3  }
0x51: {  	[tilespmem:s8], [sflag:$0x1] =	stream.linear.gather @!p0 [hbm4b:s17+s7], $0x100, $0x38;
	[tilespmem:$0x1C400] =	vst v63  }
0x52: {  	_ =	swait.ge @!p2 [sflag:s22], $0x100  }
0x53: {  	s7 =	simm.s32 @!p2 $0x14400;
	[sflag:s22] =	ssyncset.done @!p2 $0x0  }
0x54: {  	s17 =	simm.s32 @!p2 $0x80;
	s9 =	simm.s32 @!p2 $0x14200;
	[sflag:s22] =	ssyncadd.s32 @!p2 $0xFFFFFF00  }
0x55: {  	[tilespmem:s7], [sflag:$0x5] =	stream.indirect.gather @!p2 [hbm4b:s4+s17], $0x80, s9, s17, $0xb8;
	[tilespmem:$0x1C400] =	vst v63  }
0x56: {  	_ =	swait.ge [sflag:s28], $0x4000  }
0x57: {  	[sflag:s28] =	ssyncset.done $0x0  }
0x58: {  	s17 =	rddreg [dreg:$0x6];
	[sflag:s28] =	ssyncadd.s32 $0xFFFFC000  }
0x59: {  	[spmem:s2] =	stream.indirect.scatter.add.f32 [tilespmem:s29], [sflag:$0x8], $0x80, s17, s24, $0xb8;
	[tilespmem:$0x1C400] =	vst v63  }
0x5a: {  	p2 =	sle.u32 s5, $0x5;
	_ =	swait.ge [sflag:s30], $0x4000  }
0x5b: {  	s22 =	simm.s32 @!p1 $0x4;
	s7 =	sadd.s32 @!p2 $0x40, s3;
	[sflag:s30] =	ssyncset.done $0x0  }
0x5c: {  	s9 =	simm.s32 @!p2 $0x14100;
	s17 =	simm.s32 @!p2 $0x0;
	[sflag:s30] =	ssyncadd.s32 $0xFFFFC000  }
0x5d: {  	[tilespmem:s9], [sflag:$0x2] =	stream.linear.gather @!p2 [hbm4b:s7+s17], $0x100, $0x38;
	[tilespmem:$0x1C400] =	vst v63  }
0x5e: {  	_ =	swait.ge @!p1 [sflag:s22], $0x100  }
0x5f: {  	[sflag:s22] =	ssyncset.done @!p1 $0x0  }
0x60: {  	s7 =	simm.s32 @!p1 $0x80;
	s9 =	simm.s32 @!p1 $0x18400;
	[sflag:s22] =	ssyncadd.s32 @!p1 $0xFFFFFF00  }
0x61: {  	[tilespmem:s9], [sflag:$0x6] =	stream.indirect.gather @!p1 [hbm4b:s4+s7], $0x80, s21, s7, $0xb8;
	[tilespmem:$0x1C400] =	vst v63  }
0x62: {  	_ =	swait.ge [sflag:s25], $0x4000  }
0x63: {  	[sflag:s25] =	ssyncset.done $0x0  }
0x64: {  	s22 =	rddreg [dreg:$0x7];
	[sflag:s25] =	ssyncadd.s32 $0xFFFFC000  }
0x65: {  	[spmem:s2] =	stream.indirect.scatter.add.f32 [tilespmem:s18], [sflag:$0x7], $0x80, s22, s24, $0xb8;
	[tilespmem:$0x1C400] =	vst v63  }
0x66: {  	p1 =	sle.u32 s5, $0x6;
	_ =	swait.ge [sflag:s26], $0x4000  }
0x67: {  	s21 =	simm.s32 @!p0 $0x1;
	s7 =	sadd.s32 @!p1 $0x60, s3;
	[sflag:s26] =	ssyncset.done $0x0  }
0x68: {  	s9 =	simm.s32 @!p1 $0x14200;
	s17 =	simm.s32 @!p1 $0x0;
	[sflag:s26] =	ssyncadd.s32 $0xFFFFC000  }
0x69: {  	[tilespmem:s9], [sflag:$0x3] =	stream.linear.gather @!p1 [hbm4b:s7+s17], $0x100, $0x38;
	[tilespmem:$0x1C400] =	vst v63  }
0x6a: {  	s22 =	sadd.s32 $0xFFFFFFFF, s0;
	_ =	swait.ge @!p0 [sflag:s21], $0x100  }
0x6b: {  	s0 =	simm.s32 @!p0 $0x80;
	p2 =	sne.s32 s22, $0x0;
	[sflag:s21] =	ssyncset.done @!p0 $0x0  }
.Ltmp2:
0x6c: {  	s7 =	simm.s32 @!p0 $0x14400;
	[sflag:s21] =	ssyncadd.s32 @!p0 $0xFFFFFF00;
	(pc) =	sbr.rel @!p2 .LBB2_6-.Ltmp2, $4  }
0x6d: {  	[tilespmem:s7], [sflag:$0x5] =	stream.indirect.gather @!p0 [hbm4b:s4+s0], $0x80, s8, s0, $0xb8;
	[tilespmem:$0x1C400] =	vst v63  }
0x6e: {  	p6 =	por $0x0, $0x0;
	s17 =	sadd.s32 $0x80, s3;
	_ =	swait.ge [sflag:s28], $0x4000  }
0x6f: {  	p1 =	por $0x1, $0x1;
	s21 =	simm.s32 $0x8;
	[sflag:s28] =	ssyncset.done $0x0  }
0x70: {  	p0 =	por p6, p6;
	s0 =	rddreg [dreg:$0x8];
	[sflag:s28] =	ssyncadd.s32 $0xFFFFC000  }
.LBB2_7:
0x71: {  	[spmem:s2] =	stream.indirect.scatter.add.f32 [tilespmem:s29], [sflag:$0x8], $0x80, s0, s24, $0xb8;
	[tilespmem:$0x1C400] =	vst v63  }
0x72: {  	s7 =	simm.s32 @!p0 $0x8;
	s9 =	sadd.s32 $0x3, s1  }
0x73: {  	_ =	swait.ge @!p0 [sflag:s7], $0x4000;
	p3 =	sge.u32 s9, s5  }
0x74: {  	[sflag:s7] =	ssyncset.done @!p0 $0x0;
	s8 =	rddreg [dreg:$0x3];
	s0 =	simm.s32 @!p3 $0x14300  }
0x75: {  	[sflag:s7] =	ssyncadd.s32 @!p0 $0xFFFFC000;
	s7 =	simm.s32 @!p3 $0x0;
	p5 =	sge.u32 s1, s8  }
0x76: {  	[tilespmem:s0], [sflag:$0x4] =	stream.linear.gather @!p3 [hbm4b:s17+s7], $0x100, $0x38;
	[tilespmem:$0x1C400] =	vst v63  }
0x77: {  	s7 =	simm.s32 @!p5 $0x2  }
0x78: {  	_ =	swait.ge @!p5 [sflag:s7], $0x100  }
0x79: {  	s8 =	simm.s32 @!p5 $0x18400;
	[sflag:s7] =	ssyncset.done @!p5 $0x0  }
0x7a: {  	s9 =	simm.s32 @!p5 $0x14100;
	[sflag:s7] =	ssyncadd.s32 @!p5 $0xFFFFFF00;
	s7 =	simm.s32 @!p5 $0x80  }
0x7b: {  	[tilespmem:s8], [sflag:$0x6] =	stream.indirect.gather @!p5 [hbm4b:s4+s7], $0x80, s9, s7, $0xb8;
	[tilespmem:$0x1C400] =	vst v63  }
0x7c: {  	_ =	swait.ge [sflag:s25], $0x4000  }
0x7d: {  	[sflag:s25] =	ssyncset.done $0x0  }
0x7e: {  	p4 =	seq.s32 s21, $0x0;
	s10 =	rddreg [dreg:$0x4];
	[sflag:s25] =	ssyncadd.s32 $0xFFFFC000  }
0x7f: {  	[spmem:s2] =	stream.indirect.scatter.add.f32 [tilespmem:s18], [sflag:$0x7], $0x80, s10, s24, $0xb8;
	[tilespmem:$0x1C400] =	vst v63  }
0x80: {  	p0 =	por p4, p4;
	p4 =	sge.u32 s21, s5;
	_ =	swait.ge [sflag:s26], $0x4000  }
0x81: {  	s9 =	sadd.s32 @!p4 $0x20, s17;
	s11 =	rddreg [dreg:$0x5]  }
0x82: {  	s7 =	simm.s32 @!p4 $0x14000;
	[sflag:s26] =	ssyncset.done $0x0;
	p5 =	sge.u32 s1, s11  }
0x83: {  	s10 =	simm.s32 @!p4 $0x0;
	[sflag:s26] =	ssyncadd.s32 $0xFFFFC000;
	s8 =	simm.s32 @!p5 $0x3  }
0x84: {  	[tilespmem:s7], [sflag:$0x1] =	stream.linear.gather @!p4 [hbm4b:s9+s10], $0x100, $0x38;
	[tilespmem:$0x1C400] =	vst v63  }
0x85: {  	_ =	swait.ge @!p5 [sflag:s8], $0x100  }
0x86: {  	s9 =	simm.s32 @!p5 $0x14400;
	[sflag:s8] =	ssyncset.done @!p5 $0x0  }
0x87: {  	s10 =	simm.s32 @!p5 $0x80;
	s11 =	simm.s32 @!p5 $0x14200;
	[sflag:s8] =	ssyncadd.s32 @!p5 $0xFFFFFF00  }
0x88: {  	[tilespmem:s9], [sflag:$0x5] =	stream.indirect.gather @!p5 [hbm4b:s4+s10], $0x80, s11, s10, $0xb8;
	[tilespmem:$0x1C400] =	vst v63  }
0x89: {  	_ =	swait.ge [sflag:s28], $0x4000  }
0x8a: {  	[sflag:s28] =	ssyncset.done $0x0  }
0x8b: {  	s11 =	sadd.s32 $0x5, s1;
	s10 =	rddreg [dreg:$0x6];
	[sflag:s28] =	ssyncadd.s32 $0xFFFFC000  }
0x8c: {  	[spmem:s2] =	stream.indirect.scatter.add.f32 [tilespmem:s29], [sflag:$0x8], $0x80, s10, s24, $0xb8;
	[tilespmem:$0x1C400] =	vst v63  }
0x8d: {  	p5 =	sge.u32 s11, s5;
	_ =	swait.ge [sflag:s30], $0x4000  }
0x8e: {  	s11 =	simm.s32 @!p3 $0x4;
	s8 =	sadd.s32 @!p5 $0x40, s17;
	[sflag:s30] =	ssyncset.done $0x0  }
0x8f: {  	s9 =	simm.s32 @!p5 $0x14100;
	s10 =	simm.s32 @!p5 $0x0;
	[sflag:s30] =	ssyncadd.s32 $0xFFFFC000  }
0x90: {  	[tilespmem:s9], [sflag:$0x2] =	stream.linear.gather @!p5 [hbm4b:s8+s10], $0x100, $0x38;
	[tilespmem:$0x1C400] =	vst v63  }
0x91: {  	_ =	swait.ge @!p3 [sflag:s11], $0x100  }
0x92: {  	[sflag:s11] =	ssyncset.done @!p3 $0x0  }
0x93: {  	s8 =	simm.s32 @!p3 $0x80;
	s9 =	simm.s32 @!p3 $0x18400;
	[sflag:s11] =	ssyncadd.s32 @!p3 $0xFFFFFF00  }
0x94: {  	[tilespmem:s9], [sflag:$0x6] =	stream.indirect.gather @!p3 [hbm4b:s4+s8], $0x80, s0, s8, $0xb8;
	[tilespmem:$0x1C400] =	vst v63  }
0x95: {  	_ =	swait.ge [sflag:s25], $0x4000  }
0x96: {  	[sflag:s25] =	ssyncset.done $0x0  }
0x97: {  	s11 =	sadd.s32 $0x6, s1;
	s10 =	rddreg [dreg:$0x7];
	[sflag:s25] =	ssyncadd.s32 $0xFFFFC000  }
0x98: {  	[spmem:s2] =	stream.indirect.scatter.add.f32 [tilespmem:s18], [sflag:$0x7], $0x80, s10, s24, $0xb8;
	[tilespmem:$0x1C400] =	vst v63  }
0x99: {  	p3 =	sge.u32 s11, s5;
	_ =	swait.ge [sflag:s26], $0x4000  }
0x9a: {  	s0 =	sadd.s32 @!p3 $0x60, s17;
	s8 =	simm.s32 @!p3 $0x14200;
	[sflag:s26] =	ssyncset.done $0x0  }
0x9b: {  	s9 =	simm.s32 @!p3 $0x0;
	s10 =	simm.s32 @!p4 $0x1;
	[sflag:s26] =	ssyncadd.s32 $0xFFFFC000  }
0x9c: {  	[tilespmem:s8], [sflag:$0x3] =	stream.linear.gather @!p3 [hbm4b:s0+s9], $0x100, $0x38;
	[tilespmem:$0x1C400] =	vst v63  }
0x9d: {  	s22 =	sadd.s32 $0xFFFFFFFF, s22;
	_ =	swait.ge @!p4 [sflag:s10], $0x100  }
0x9e: {  	p2 =	sne.s32 s22, $0x0;
	s0 =	simm.s32 @!p4 $0x80;
	[sflag:s10] =	ssyncset.done @!p4 $0x0  }
.Ltmp3:
0x9f: {  	s8 =	simm.s32 @!p4 $0x14400;
	[sflag:s10] =	ssyncadd.s32 @!p4 $0xFFFFFF00;
	(pc) =	sbr.rel @p2 .LBB2_7-.Ltmp3, $4  }
0xa0: {  	[tilespmem:s8], [sflag:$0x5] =	stream.indirect.gather @!p4 [hbm4b:s4+s0], $0x80, s7, s0, $0xb8;
	[tilespmem:$0x1C400] =	vst v63  }
0xa1: {  	_ =	swait.ge [sflag:s28], $0x4000  }
0xa2: {  	s1 =	smov.u32 s21;
	s21 =	sadd.s32 $0x4, s21;
	[sflag:s28] =	ssyncset.done $0x0  }
0xa3: {  	s17 =	sadd.s32 $0x80, s17;
	s0 =	rddreg [dreg:$0x8];
	[sflag:s28] =	ssyncadd.s32 $0xFFFFC000  }
0xa4: {  	s22 =	smov.u32 s1  }
.LBB2_9:
0xa5: {  	[spmem:s2] =	stream.indirect.scatter.add.f32 @p1 [tilespmem:s29], [sflag:$0x8], $0x80, s0, s24, $0xb8;
	[tilespmem:$0x1C400] =	vst v63  }
0xa6: {  	s1 =	simm.s32 @!p0 $0x8;
	s8 =	sadd.s32 $0x3, s22  }
0xa7: {  	_ =	swait.ge @!p0 [sflag:s1], $0x4000;
	p1 =	sge.u32 s8, s5  }
0xa8: {  	[sflag:s1] =	ssyncset.done @!p0 $0x0;
	s9 =	rddreg [dreg:$0x3];
	s7 =	simm.s32 @!p1 $0x14300  }
0xa9: {  	[sflag:s1] =	ssyncadd.s32 @!p0 $0xFFFFC000;
	s1 =	simm.s32 @!p1 $0x0;
	p0 =	sge.u32 s22, s9  }
0xaa: {  	[tilespmem:s7], [sflag:$0x4] =	stream.linear.gather @!p1 [hbm4b:s17+s1], $0x100, $0x38;
	[tilespmem:$0x1C400] =	vst v63  }
0xab: {  	s0 =	simm.s32 @!p0 $0x2  }
0xac: {  	_ =	swait.ge @!p0 [sflag:s0], $0x100  }
0xad: {  	s1 =	simm.s32 @!p0 $0x18400;
	[sflag:s0] =	ssyncset.done @!p0 $0x0  }
0xae: {  	s8 =	simm.s32 @!p0 $0x14100;
	[sflag:s0] =	ssyncadd.s32 @!p0 $0xFFFFFF00;
	s0 =	simm.s32 @!p0 $0x80  }
0xaf: {  	[tilespmem:s1], [sflag:$0x6] =	stream.indirect.gather @!p0 [hbm4b:s4+s0], $0x80, s8, s0, $0xb8;
	[tilespmem:$0x1C400] =	vst v63  }
0xb0: {  	_ =	swait.ge [sflag:s25], $0x4000  }
0xb1: {  	[sflag:s25] =	ssyncset.done $0x0  }
0xb2: {  	s10 =	rddreg [dreg:$0x4];
	[sflag:s25] =	ssyncadd.s32 $0xFFFFC000  }
0xb3: {  	[spmem:s2] =	stream.indirect.scatter.add.f32 [tilespmem:s18], [sflag:$0x7], $0x80, s10, s24, $0xb8;
	[tilespmem:$0x1C400] =	vst v63  }
0xb4: {  	p0 =	sge.u32 s21, s5;
	_ =	swait.ge [sflag:s26], $0x4000  }
0xb5: {  	s1 =	sadd.s32 @!p0 $0x20, s17;
	s11 =	rddreg [dreg:$0x5]  }
0xb6: {  	s0 =	simm.s32 @!p0 $0x0;
	[sflag:s26] =	ssyncset.done $0x0;
	p2 =	sge.u32 s22, s11  }
0xb7: {  	s8 =	simm.s32 @!p0 $0x14000;
	[sflag:s26] =	ssyncadd.s32 $0xFFFFC000;
	s9 =	simm.s32 @!p2 $0x3  }
0xb8: {  	[tilespmem:s8], [sflag:$0x1] =	stream.linear.gather @!p0 [hbm4b:s1+s0], $0x100, $0x38;
	[tilespmem:$0x1C400] =	vst v63  }
0xb9: {  	_ =	swait.ge @!p2 [sflag:s9], $0x100  }
0xba: {  	s0 =	simm.s32 @!p2 $0x14400;
	[sflag:s9] =	ssyncset.done @!p2 $0x0  }
0xbb: {  	s1 =	simm.s32 @!p2 $0x80;
	s10 =	simm.s32 @!p2 $0x14200;
	[sflag:s9] =	ssyncadd.s32 @!p2 $0xFFFFFF00  }
0xbc: {  	[tilespmem:s0], [sflag:$0x5] =	stream.indirect.gather @!p2 [hbm4b:s4+s1], $0x80, s10, s1, $0xb8;
	[tilespmem:$0x1C400] =	vst v63  }
0xbd: {  	_ =	swait.ge [sflag:s28], $0x4000  }
0xbe: {  	[sflag:s28] =	ssyncset.done $0x0  }
0xbf: {  	s9 =	sadd.s32 $0x5, s22;
	s1 =	rddreg [dreg:$0x6];
	[sflag:s28] =	ssyncadd.s32 $0xFFFFC000  }
0xc0: {  	[spmem:s2] =	stream.indirect.scatter.add.f32 [tilespmem:s29], [sflag:$0x8], $0x80, s1, s24, $0xb8;
	[tilespmem:$0x1C400] =	vst v63  }
0xc1: {  	p2 =	sge.u32 s9, s5;
	_ =	swait.ge [sflag:s30], $0x4000  }
0xc2: {  	s10 =	simm.s32 @!p1 $0x4;
	s0 =	sadd.s32 @!p2 $0x40, s17;
	[sflag:s30] =	ssyncset.done $0x0  }
0xc3: {  	s9 =	simm.s32 @!p2 $0x0;
	s1 =	simm.s32 @!p2 $0x14100;
	[sflag:s30] =	ssyncadd.s32 $0xFFFFC000  }
0xc4: {  	[tilespmem:s1], [sflag:$0x2] =	stream.linear.gather @!p2 [hbm4b:s0+s9], $0x100, $0x38;
	[tilespmem:$0x1C400] =	vst v63  }
0xc5: {  	_ =	swait.ge @!p1 [sflag:s10], $0x100  }
0xc6: {  	[sflag:s10] =	ssyncset.done @!p1 $0x0  }
0xc7: {  	s0 =	simm.s32 @!p1 $0x80;
	s1 =	simm.s32 @!p1 $0x18400;
	[sflag:s10] =	ssyncadd.s32 @!p1 $0xFFFFFF00  }
0xc8: {  	[tilespmem:s1], [sflag:$0x6] =	stream.indirect.gather @!p1 [hbm4b:s4+s0], $0x80, s7, s0, $0xb8;
	[tilespmem:$0x1C400] =	vst v63  }
0xc9: {  	_ =	swait.ge [sflag:s25], $0x4000  }
0xca: {  	[sflag:s25] =	ssyncset.done $0x0  }
0xcb: {  	s11 =	sadd.s32 $0x6, s22;
	s10 =	rddreg [dreg:$0x7];
	[sflag:s25] =	ssyncadd.s32 $0xFFFFC000  }
0xcc: {  	[spmem:s2] =	stream.indirect.scatter.add.f32 [tilespmem:s18], [sflag:$0x7], $0x80, s10, s24, $0xb8;
	[tilespmem:$0x1C400] =	vst v63  }
0xcd: {  	p1 =	sge.u32 s11, s5;
	_ =	swait.ge [sflag:s26], $0x4000  }
0xce: {  	s9 =	simm.s32 @!p0 $0x1;
	s0 =	sadd.s32 @!p1 $0x60, s17;
	[sflag:s26] =	ssyncset.done $0x0  }
0xcf: {  	s1 =	simm.s32 @!p1 $0x14200;
	s7 =	simm.s32 @!p1 $0x0;
	[sflag:s26] =	ssyncadd.s32 $0xFFFFC000  }
0xd0: {  	[tilespmem:s1], [sflag:$0x3] =	stream.linear.gather @!p1 [hbm4b:s0+s7], $0x100, $0x38;
	[tilespmem:$0x1C400] =	vst v63  }
0xd1: {  	_ =	swait.ge @!p0 [sflag:s9], $0x100  }
0xd2: {  	[sflag:s9] =	ssyncset.done @!p0 $0x0  }
0xd3: {  	s0 =	simm.s32 @!p0 $0x80;
	s1 =	simm.s32 @!p0 $0x14400;
	[sflag:s9] =	ssyncadd.s32 @!p0 $0xFFFFFF00  }
0xd4: {  	[tilespmem:s1], [sflag:$0x5] =	stream.indirect.gather @!p0 [hbm4b:s4+s0], $0x80, s8, s0, $0xb8;
	[tilespmem:$0x1C400] =	vst v63  }
0xd5: {  	_ =	swait.ge [sflag:s28], $0x4000  }
0xd6: {  	[sflag:s28] =	ssyncset.done $0x0  }
0xd7: {  	s17 =	rddreg [dreg:$0x8];
	[sflag:s28] =	ssyncadd.s32 $0xFFFFC000  }
0xd8: {  	[spmem:s2] =	stream.indirect.scatter.add.f32 [tilespmem:s29], [sflag:$0x8], $0x80, s17, s24, $0xb8;
	[tilespmem:$0x1C400] =	vst v63  }
0xd9: {  	_ =	swait.ge [sflag:s30], $0x4000  }
0xda: {  	s31 =	sadd.s32 $0x1, s31;
	s21 =	stileid.u32;
	[sflag:s30] =	ssyncset.done $0x0  }
0xdb: {  	s22 =	sshrl.u32 s6, $0x3;
	s0 =	sshll.u32 s21, $0x6;
	[sflag:s30] =	ssyncadd.s32 $0xFFFFC000  }
0xdc: {  	p0 =	sne.s32 s31, s16;
	s0 =	sor.u32 $0x1C09, s0;
	[bflag:$0x0] =	sbarrier.arrive $0xFFFF  }
0xdd: {  	[hbm:s15], [sflag:s0] =	dma.local [spmem:s22], $0x2800  }
.Ltmp4:
0xde: {  	_ = 	snop;
	(pc) =	sbr.rel @p0 .LBB2_1-.Ltmp4, $4  }
.Ltmp5:
0xdf: {  	_ = 	snop;
	(pc) =	sbr.rel @!p0 .LBB2_10-.Ltmp5, $4  }
0xe0: {  	_ =	swait.ge [sflag:s19], $0x2800  }
0xe1: {  	[sflag:s19] =	ssyncset.done $0x0  }
0xe2: {  	[sflag:s19] =	ssyncadd.s32 $0xFFFFD800  }
0xe3: {  	_ = 	snop  }
.LBB2_4:
.Ltmp6:
0xe4: {  	(pc) =	sbr.rel .LBB2_9-.Ltmp6, $2  }
0xe5: {  	_ =	sdelay $0x2  }
0xe6: {  	s21 =	simm.s32 $0x4;
	s17 =	smov.u32 s3  }
.LBB2_6:
.Ltmp7:
0xe7: {  	(pc) =	sbr.rel .LBB2_9-.Ltmp7, $2  }
0xe8: {  	_ =	sdelay $0x2  }
0xe9: {  	s22 =	simm.s32 $0x4  }
.LBB2_10:
0xea: {  	_ =	sfence.sel $0x180000  }
0xeb: {  	[bflag:$0x0] =	sbarrier.arrive $0xFFFF  }
0xec: {  	_ =	strace $0x9000004D  }
0xed: {  	s0 =	stileid.u32;
	[bflag:$0x2] =	sbarrier.arrive $0xFFFF  }
0xee: {  	p0 =	sne.s32 s0, $0x0;
	s0 =	rddreg [dreg:$0x2]  }
0xef: {  	s0 =	sadd.s32 @!p0 $0x100000, s0  }
0xf0: {  	[sflag:s0] =	ssyncadd.tile.s32 @!p0 $0x1;
	_ =	shalt  }
.Lfunc_end2:
_tile_overlayer_lowered:
.L_overlay_start_2:
0xf1: {  	(tag) =	ssettag $0x2  }
0xf2: {  	s0 =	rddreg [dreg:$0x0];
	s2 =	stileid.u32  }
0xf3: {  	s1 =	rddreg [dreg:$0x1];
	p0 =	sne.s32 s2, $0x0  }
0xf4: {  	s3 =	rddreg [dreg:$0x2];
	[bflag:$0x3] =	sbarrier.arrive $0xFFFF;
	s2 =	simm.s32 @!p0 $0x1C09  }
0xf5: {  	[timem:s3], [sflag:s2] =	dma.local @!p0 [hbm:s0], s1  }
0xf6: {  	s0 =	simm.s32 @!p0 $0x9  }
0xf7: {  	_ =	swait.ge @!p0 [sflag:s0], s1  }
0xf8: {  	s1 =	ssub.s32 @!p0 $0x0, s1;
	[sflag:s0] =	ssyncset.done @!p0 $0x0  }
0xf9: {  	[sflag:s0] =	ssyncadd.s32 @!p0 s1  }
0xfa: {  	[bflag:$0x3] =	sbarrier.arrive $0xFFFF  }
0xfb: {  	_ =	shalt  }

// kernel: kernel.8.cloned.1.call-start
scs
__scs_entry_jumppad:
0x0: {  	(pc) =	sbr.rel $0x88, $3  }
0x1: {  	(tag) =	ssettag $0x0;
	lr =	simm.s32 $0x1  }
0x2: {  	[smem:$0x3F90] =	sst lr;
	_ =	strace $0xD0000000  }
0x3: {  	_ = 	snop  }
0x4: {  	_ = 	snop  }
0x5: {  	_ = 	snop  }
0x6: {  	_ = 	snop  }
0x7: {  	_ = 	snop  }
__scs_overlays_trampoline_lowered:
0x8: {  	[smem:$0x3F9F] =	sst s0  }
0x9: {  	[smem:$0x3FA0] =	sst s1  }
0xa: {  	[smem:$0x3FA1] =	sst s2  }
0xb: {  	[smem:$0x3FA2] =	sst s3  }
0xc: {  	[smem:$0x3FA3] =	sst s4  }
0xd: {  	[smem:$0x3FA4] =	sst s5  }
0xe: {  	[smem:$0x3FA5] =	sst s6  }
0xf: {  	[smem:$0x3FA6] =	sst s7  }
0x10: {  	[smem:$0x3FA7] =	sst s8  }
0x11: {  	[smem:$0x3FA8] =	sst s9;
	s0 =	simm.s32 @!p0 $0x0  }
0x12: {  	s1 =	sld [smem:$0x3F8E];
	s0 =	simm.s32 @p0 $0x1  }
0x13: {  	[smem:$0x3FA9] =	sst s0;
	s0 =	simm.s32 @!p1 $0x0  }
0x14: {  	s2 =	sld [smem:$0x3F8D];
	s0 =	simm.s32 @p1 $0x1  }
0x15: {  	[smem:$0x3FAA] =	sst s0;
	s0 =	simm.s32 @!p2 $0x0  }
0x16: {  	s3 =	sld [smem:$0x3FDB];
	s0 =	simm.s32 @p2 $0x1  }
0x17: {  	s4 =	simm.s32 $0x1BF5;
	[smem:$0x3FAC] =	sst s0  }
0x18: {  	s0 =	sld [smem:$0x3F8F];
	_ =	swait.ge [sflag:s4], $0x0  }
0x19: {  	s7 =	sld [smem:$0x3F90]  }
0x1a: {  	s8 =	sadd.s32 $0xFFFFE003, lr  }
0x1b: {  	s9 =	sadd.s32 $0xFFFFFEF7, lr;
	s5 =	simm.s32 $0xFFFFFFFF;
	p2 =	slt.u32 s8, $0xFFFFF086  }
0x1c: {  	p1 =	slt.u32 s9, $0xF7A;
	s5 =	simm.s32 @!p2 $0x0  }
0x1d: {  	s5 =	simm.s32 @p1 $0x1;
	p0 =	seq.s32 s7, s2  }
0x1e: {  	s7 =	smul.u32 @!p0 $0xF7A, s2;
	p2 =	seq.s32 @!p0 s5, $0x0  }
0x1f: {  	s9 =	smul.u32 $0xF7A, s1;
	s8 =	simm.s32 @!p0 $0x1BF5;
	p2 =	por !p2, p0  }
0x20: {  	[sflag:s8] =	ssyncset.s32 @!p0 $0xFFFFF086;
	s6 =	sadd.s32 @!p0 s3, s7;
	s7 =	simm.s32 @!p0 $0x108  }
0x21: {  	s3 =	sadd.s32 s3, s9;
	s6 =	sadd.s32 @!p0 $0x88, s6;
	s7 =	simm.s32 @p2 $0x1082  }
0x22: {  	[simem:s7], [sflag:s8] =	dma.local @!p0 [hbm:s6], $0xF7A  }
0x23: {  	s9 =	sor.u32 $0xD0000000, s2;
	s6 =	simm.s32 $0x108;
	_ =	swait.ge @!p0 [sflag:s8], $0x0  }
0x24: {  	s3 =	sadd.s32 $0x88, s3;
	s6 =	simm.s32 @!p1 $0x1082;
	[sflag:s4] =	ssyncset.s32 $0xFFFFF086  }
0x25: {  	[simem:s6], [sflag:s4] =	dma.local [hbm:s3], $0xF7A  }
0x26: {  	[smem:$0x3F90] =	sst s1;
	(tag) =	ssettag s2;
	_ =	strace s9  }
0x27: {  	s1 =	sld [smem:$0x3FA0]  }
0x28: {  	s2 =	sld [smem:$0x3FA1]  }
0x29: {  	s4 =	sld [smem:$0x3FA3]  }
0x2a: {  	p0 =	seq.s32 s5, $0x0;
	s5 =	sld [smem:$0x3FA4]  }
0x2b: {  	s6 =	sld [smem:$0x3FA5]  }
0x2c: {  	s7 =	sld [smem:$0x3FA6]  }
0x2d: {  	s3 =	simm.s32 $0x108;
	s8 =	sld [smem:$0x3FA7]  }
0x2e: {  	s3 =	simm.s32 @!p0 $0x1082;
	s9 =	sld [smem:$0x3FA8]  }
0x2f: {  	lr =	sadd.s32 s0, s3;
	s0 =	sld [smem:$0x3F9F]  }
0x30: {  	s3 =	sld [smem:$0x3FA2]  }
0x31: {  	[smem:$0x3FAB] =	sst s10  }
0x32: {  	s10 =	sld [smem:$0x3FA9];
	_ =	sdelay $0x3  }
0x33: {  	p0 =	seq.s32 s10, $0x1;
	s10 =	sld [smem:$0x3FAB];
	_ =	sdelay $0x3  }
0x34: {  	[smem:$0x3FAB] =	sst s10  }
0x35: {  	s10 =	sld [smem:$0x3FAA];
	_ =	sdelay $0x3  }
0x36: {  	p1 =	seq.s32 s10, $0x1;
	s10 =	sld [smem:$0x3FAB];
	_ =	sdelay $0x3  }
0x37: {  	[smem:$0x3FAB] =	sst s10  }
0x38: {  	s10 =	sld [smem:$0x3FAC]  }
0x39: {  	_ = 	snop;
	(pc) =	sbr.ind lr, $3  }
0x3a: {  	_ = 	snop  }
0x3b: {  	_ = 	snop  }
0x3c: {  	p2 =	seq.s32 s10, $0x1;
	s10 =	sld [smem:$0x3FAB]  }
0x3d: {  	_ =	shalt  }
0x3e: {  	_ =	shalt  }
0x3f: {  	_ =	shalt  }
0x40: {  	_ =	shalt  }
0x41: {  	_ =	shalt  }
0x42: {  	_ =	shalt  }
0x43: {  	_ =	shalt  }
0x44: {  	_ =	shalt  }
0x45: {  	_ =	shalt  }
0x46: {  	_ =	shalt  }
0x47: {  	_ =	shalt  }
0x48: {  	_ =	shalt  }
0x49: {  	_ =	shalt  }
0x4a: {  	_ =	shalt  }
0x4b: {  	_ =	shalt  }
0x4c: {  	_ =	shalt  }
0x4d: {  	_ =	shalt  }
0x4e: {  	_ =	shalt  }
0x4f: {  	_ =	shalt  }
0x50: {  	_ =	shalt  }
0x51: {  	_ =	shalt  }
0x52: {  	_ =	shalt  }
0x53: {  	_ =	shalt  }
0x54: {  	_ =	shalt  }
0x55: {  	_ =	shalt  }
0x56: {  	_ =	shalt  }
0x57: {  	_ =	shalt  }
0x58: {  	_ =	shalt  }
0x59: {  	_ =	shalt  }
0x5a: {  	_ =	shalt  }
0x5b: {  	_ =	shalt  }
0x5c: {  	_ =	shalt  }
0x5d: {  	_ =	shalt  }
0x5e: {  	_ =	shalt  }
0x5f: {  	_ =	shalt  }
0x60: {  	_ =	shalt  }
0x61: {  	_ =	shalt  }
0x62: {  	_ =	shalt  }
0x63: {  	_ =	shalt  }
0x64: {  	_ =	shalt  }
0x65: {  	_ =	shalt  }
0x66: {  	_ =	shalt  }
0x67: {  	_ =	shalt  }
0x68: {  	_ =	shalt  }
0x69: {  	_ =	shalt  }
0x6a: {  	_ =	shalt  }
0x6b: {  	_ =	shalt  }
0x6c: {  	_ =	shalt  }
0x6d: {  	_ =	shalt  }
0x6e: {  	_ =	shalt  }
0x6f: {  	_ =	shalt  }
0x70: {  	_ =	shalt  }
0x71: {  	_ =	shalt  }
0x72: {  	_ =	shalt  }
0x73: {  	_ =	shalt  }
0x74: {  	_ =	shalt  }
0x75: {  	_ =	shalt  }
0x76: {  	_ =	shalt  }
0x77: {  	_ =	shalt  }
0x78: {  	_ =	shalt  }
0x79: {  	_ =	shalt  }
0x7a: {  	_ =	shalt  }
0x7b: {  	_ =	shalt  }
0x7c: {  	_ =	shalt  }
0x7d: {  	_ =	shalt  }
0x7e: {  	_ =	shalt  }
0x7f: {  	_ =	shalt  }
0x80: {  	_ =	shalt  }
0x81: {  	_ =	shalt  }
0x82: {  	_ =	shalt  }
0x83: {  	_ =	shalt  }
0x84: {  	_ =	shalt  }
0x85: {  	_ =	shalt  }
0x86: {  	_ =	shalt  }
0x87: {  	_ =	shalt  }
.Lfunc_end0:
.L_simem_size_0:
called_computation_lowered:
.L_overlay_start_0:
0x88: {  	s2 =	sld [smem:$0x3FD9]  }
0x89: {  	s3 =	sld [smem:$0x3FFE];
	_ =	sdelay $0x1  }
0x8a: {  	s1 =	srdreg.scid  }
0x8b: {  	s0 =	sand.u32 $0x1, s1  }
0x8c: {  	s16 =	sshll.u32 s0, $0xA;
	s2 =	sadd.s32 s3, s2  }
0x8d: {  	s2 =	sadd.s32 s2, s16  }
0x8e: {  	[smem:$0x3FB7] =	sst s2  }
0x8f: {  	_ = 	snop  }
0x90: {  	(tm) =	ssettm $0x1  }
0x91: {  	s17 =	sld [smem:$0x3FFB];
	_ =	sdelay $0x3  }
0x92: {  	_ =	strace s17  }
0x93: {  	s2 =	sld [smem:$0x3FFC];
	_ =	sdelay $0x3  }
0x94: {  	_ =	strace s2  }
0x95: {  	s2 =	sld [smem:$0x3FFD];
	_ =	sdelay $0x3  }
0x96: {  	_ =	strace s2  }
0x97: {  	_ =	strace $0x8FFFFFFF  }
0x98: {  	s18 =	sld [smem:$0x3FDB];
	_ =	sdelay $0x1  }
0x99: {  	s19 =	simm.s32 $_scs_section_size  }
0x9a: {  	s4 =	simm.s32 $_size__tile_overlayer_lowered;
	s5 =	simm.s32 $_tile_overlayer_lowered  }
0x9b: {  	s22 =	simm.s32 $0x1BFF;
	s21 =	sshll.u32 s5, $0x1;
	s2 =	sadd.s32 s19, s18  }
0x9c: {  	s6 =	simm.s32 $0x0;
	s20 =	sshll.u32 s4, $0x1;
	s4 =	sadd.s32 s21, s2  }
0x9d: {  	[timem:s6], [sflag:s22] =	dma.local [hbm:s4], s20  }
0x9e: {  	_ =	swait.ge [sflag:s22], s20  }
0x9f: {  	s3 =	ssub.s32 $0x0, s20;
	[sflag:s22] =	ssyncset.done $0x0  }
0xa0: {  	[sflag:s22] =	ssyncadd.s32 s3;
	_ =	sdelay $0x1  }
0xa1: {  	s23 =	simm.s32 $0x1B8B  }
0xa2: {  	_ =	swait.ge [sflag:s23], $0x1  }
0xa3: {  	[sflag:s23] =	ssyncset.done $0x0  }
0xa4: {  	s25 =	simm.s32 $0x1B8E;
	s24 =	sld [smem:$0x3FFE];
	[sflag:s23] =	ssyncadd.s32 $0xFFFFFFFF  }
0xa5: {  	s26 =	simm.s32 $execute0_lowered;
	[smem:$0x3FD2] =	sst s25  }
0xa6: {  	s4 =	sshll.u32 s26, $0x1;
	_ =	strace $0x80000046;
	[dreg:$0x1] =	wrdreg $0xFFFFFFFF  }
0xa7: {  	s28 =	simm.s32 $_size_execute0_lowered;
	s2 =	sadd.s32 s2, s4;
	[dreg:$0x0] =	wrdreg $0x0  }
0xa8: {  	s4 =	sshll.u32 s28, $0x1;
	[dreg:$0x2] =	wrdreg s2  }
0xa9: {  	[dreg:$0x3] =	wrdreg s4  }
0xaa: {  	[dreg:$0x4] =	wrdreg $0xC0  }
0xab: {  	_ =	task [dreg:s6], $0x5FFFF  }
0xac: {  	[dreg:$0x1] =	wrdreg $0xFFFFFFFF  }
0xad: {  	[dreg:$0x0] =	wrdreg $0x60  }
0xae: {  	[dreg:$0x2] =	wrdreg s24  }
0xaf: {  	[dreg:$0x3] =	wrdreg $0x0  }
0xb0: {  	[dreg:$0x4] =	wrdreg $0x9  }
0xb1: {  	_ =	task.clear_ibuf [dreg:s6], $0x5FFFF;
	_ =	strace $0x90000046  }
0xb2: {  	s29 =	simm.s32 $0x9;
	_ =	strace $0x80000048  }
0xb3: {  	_ =	swait.ge [sflag:s29], $0x1  }
0xb4: {  	[sflag:s29] =	ssyncadd.s32 $0xFFFFFFFF  }
0xb5: {  	_ =	strace $0x90000048  }
0xb6: {  	_ =	sfence  }
0xb7: {  	s30 =	sld [smem:$0x0];
	_ =	sdelay $0x2  }
0xb8: {  	s31 =	sshll.u32 s1, $0xD;
	s1 =	sshrl.u32 s1, $0x2  }
0xb9: {  	s3 =	sand.u32 $0x4000, s31;
	s1 =	sadd.s32 s1, s30  }
0xba: {  	s0 =	sor.u32 s3, s0;
	s1 =	sshll.u32 s1, $0x11  }
0xbb: {  	s0 =	sor.u32 s1, s0  }
0xbc: {  	s0 =	sadd.s32 $0x8F2B, s0  }
0xbd: {  	[sflag:s0] =	ssyncadd.remote.s32 $0x1  }
0xbe: {  	_ =	sfence.sel $0xFFFF  }
0xbf: {  	[dreg:$0x0] =	wrdreg $0xFFFFFFFF;
	(pc) =	sbr.abs _section_cstart, $3  }
0xc0: {  	[dreg:$0x1] =	wrdreg $0xFFFFFFFF  }
0xc1: {  	_ =	task.clear_ibuf [dreg:s6], $0x2FFFF;
	_ =	strace $0x9FFFFFFF  }
0xc2: {  	(tm) =	ssettm $0x7FFFFFFF  }
0xc3: {  	_ =	shalt  }
tec
execute0_lowered:
.L_overlay_start_1:
0x0: {  	(tag) =	ssettag $0x1  }
0x1: {  	s1 =	srdreg.scid  }
0x2: {  	s0 =	stileid.u32;
	s4 =	rddreg [dreg:$0x0]  }
0x3: {  	s2 =	rddreg [dreg:$0x1];
	s3 =	simm.s32 $0x0;
	s12 =	simm.s32 $0x80  }
0x4: {  	s13 =	simm.s32 $0x2A80;
	s14 =	simm.s32 $0x20;
	s15 =	simm.s32 $0x10  }
0x5: {  	s16 =	simm.s32 $0x0;
	s5 =	sand.u32 $0x1, s1;
	s1 =	rddreg [dreg:$0x2]  }
0x6: {  	s29 =	sshll.u32 s0, $0x1;
	[smem:$0x7FF] =	sst s3;
	s7 =	smul.u32 $0x500, s0  }
0x7: {  	s8 =	smul.u32 $0x280, s0;
	s31 =	sshll.u32 s0, $0x6;
	s6 =	sor.u32 s5, s29  }
0x8: {  	_ =	strace $0x80000047;
	s9 =	sshll.u32 s5, $0x7;
	s5 =	ssub.s32 $0x2, s5  }
0x9: {  	s6 =	smul.u32 $0x500, s6;
	s7 =	sor.u32 s9, s7;
	s30 =	sshrl.u32 s8, $0x3  }
0xa: {  	s10 =	sshrl.u32 s5, $0x1;
	s11 =	sadd.s32 s8, s2;
	s7 =	sshrl.u32 s7, $0x3  }
0xb: {  	s9 =	sadd.s32 s30, s4;
	s10 =	ssub.s32 s5, s10;
	s5 =	sor.u32 $0x1C01, s31  }
0xc: {  	s6 =	sadd.s32 s6, s4;
	s7 =	sadd.s32 s7, s4;
	s4 =	sadd.s32 $0xDA00, s9  }
0xd: {  	s8 =	smax.u32 s10, $0x1;
	s9 =	sshrl.u32 s11, $0x3;
	s10 =	simm.s32 $0x1  }
0xe: {  	v0 =	vimm.f32 $1.000000000e+00;
	s11 =	simm.s32 $0x280;
	s6 =	sadd.s32 $0x3A00, s6;
	s7 =	sadd.s32 $0xE000, s7  }
.LBB2_1:
0xf: {  	[spmem:s9], [sflag:s5] =	dma.local [hbm:s4], $0x50  }
0x10: {  	_ =	swait.ge [sflag:s10], $0x50  }
0x11: {  	[sflag:s10] =	ssyncset.done $0x0  }
0x12: {  	[sflag:s10] =	ssyncadd.s32 $0xFFFFFFB0  }
0x13: {  	[tilespmem:$0x2A80] =	vst v0  }
0x14: {  	[tilespmem:$0x2A90] =	vst v0  }
0x15: {  	[tilespmem:$0x2AA0] =	vst v0  }
0x16: {  	[tilespmem:$0x2AB0] =	vst v0  }
0x17: {  	[tilespmem:$0x2AC0] =	vst v0  }
0x18: {  	[tilespmem:$0x2AD0] =	vst v0  }
0x19: {  	[tilespmem:$0x2AE0] =	vst v0  }
0x1a: {  	[tilespmem:$0x2AF0] =	vst v0  }
0x1b: {  	[bflag:$0x0] =	sbarrier.arrive $0xFFFF  }
0x1c: {  	[tilespmem:s11], [sflag:$0x1] =	stream.linear.gather [hbm4b:s6+s3], $0x2800, $0x38;
	[tilespmem:$0x2B00] =	vst v63  }
0x1d: {  	_ =	swait.ge [sflag:s10], $0x2800  }
0x1e: {  	[sflag:s10] =	ssyncset.done $0x0  }
0x1f: {  	s17 =	simm.s32 $0x280;
	[sflag:s10] =	ssyncadd.s32 $0xFFFFD800  }
0x20: {  	[spmem:s2] =	stream.indirect.scatter.add.f32 [tilespmem:s13], [sflag:$0x1], $0x1, s17, s12, $0xb8;
	[tilespmem:$0x2B00] =	vst v63  }
0x21: {  	s17 =	simm.s32 $0x200;
	_ =	swait.ge [sflag:s10], $0x80  }
.LBB2_2:
0x22: {  	s18 =	sshra.s32 s17, $0x2;
	[sflag:s10] =	ssyncset.done $0x0;
	p0 =	sne.s32 s17, $0x9E00  }
.Ltmp0:
0x23: {  	s18 =	sadd.s32 $0x280, s18;
	[sflag:s10] =	ssyncadd.s32 $0xFFFFFF80;
	(pc) =	sbr.rel @p0 .LBB2_2-.Ltmp0, $3  }
0x24: {  	[spmem:s2] =	stream.indirect.scatter.add.f32 [tilespmem:s13], [sflag:$0x1], $0x1, s18, s12, $0xb8;
	[tilespmem:$0x2B00] =	vst v63  }
0x25: {  	s17 =	sadd.s32 $0x200, s17;
	_ =	sdelay $0x1  }
0x26: {  	_ =	swait.ge [sflag:s10], $0x80  }
0x27: {  	[sflag:s10] =	ssyncset.done $0x0;
	s16 =	sadd.s32 $0x1, s16  }
0x28: {  	[sflag:s10] =	ssyncadd.s32 $0xFFFFFF80;
	p0 =	sne.s32 s16, s8  }
.Ltmp1:
0x29: {  	[bflag:$0x0] =	sbarrier.arrive $0xFFFF;
	(pc) =	sbr.rel @p0 .LBB2_1-.Ltmp1, $4  }
0x2a: {  	[hbm:s7@s14], [sflag:s5] =	dma.strided [spmem:s9@s15], $0x50, s10, $0x10   }
0x2b: {  	_ =	swait.ge [sflag:s10], $0x50  }
0x2c: {  	[sflag:s10] =	ssyncset.done $0x0  }
0x2d: {  	[sflag:s10] =	ssyncadd.s32 $0xFFFFFFB0  }
0x2e: {  	_ =	sfence.sel $0x180000  }
0x2f: {  	[bflag:$0x0] =	sbarrier.arrive $0xFFFF  }
0x30: {  	p0 =	sne.s32 s0, $0x0;
	_ =	strace $0x90000047  }
0x31: {  	s0 =	sadd.s32 @!p0 $0x100000, s1;
	[bflag:$0x2] =	sbarrier.arrive $0xFFFF  }
0x32: {  	[sflag:s0] =	ssyncadd.tile.s32 @!p0 $0x1;
	_ =	shalt  }
.Lfunc_end2:
_tile_overlayer_lowered:
.L_overlay_start_2:
0x33: {  	(tag) =	ssettag $0x2  }
0x34: {  	s0 =	rddreg [dreg:$0x0];
	s2 =	stileid.u32  }
0x35: {  	s1 =	rddreg [dreg:$0x1];
	p0 =	sne.s32 s2, $0x0  }
0x36: {  	s3 =	rddreg [dreg:$0x2];
	[bflag:$0x3] =	sbarrier.arrive $0xFFFF;
	s2 =	simm.s32 @!p0 $0x1C01  }
0x37: {  	[timem:s3], [sflag:s2] =	dma.local @!p0 [hbm:s0], s1  }
0x38: {  	s0 =	simm.s32 @!p0 $0x1  }
0x39: {  	_ =	swait.ge @!p0 [sflag:s0], s1  }
0x3a: {  	s1 =	ssub.s32 @!p0 $0x0, s1;
	[sflag:s0] =	ssyncset.done @!p0 $0x0  }
0x3b: {  	[sflag:s0] =	ssyncadd.s32 @!p0 s1  }
0x3c: {  	[bflag:$0x3] =	sbarrier.arrive $0xFFFF  }
0x3d: {  	_ =	shalt  }

</sc_bundles>
